<compile_context>
chip_gen: v7x
topology: tpu7x:2x2x1
jax: 0.10.2.dev20260603
libtpu: 0.0.44.dev20260713+nightly
codegen_flags: <defaults>
</compile_context>

<pallas_src>
import functools

import jax
import jax.numpy as jnp
from jax import lax
from jax.experimental import pallas as pl
from jax.experimental.pallas import tpu as pltpu
from jax.experimental.pallas import tpu_sc as plsc

_N, _D, _E = 2048, 768, 8
_TILE = 512
_P = 2 * _N + _E * _TILE
_NTILES = _P // _TILE
_NC, _NS = 2, 16
_NW = _NC * _NS
_TOK_W = _N // _NW


def _route_body(x_ref, wg_ref, p1_ref, p2_ref, g1b_ref, g2b_ref,
                te_ref, tv_ref, stat_ref):
    N = x_ref.shape[0]
    E = wg_ref.shape[1]
    logits = jnp.dot(x_ref[...], wg_ref[...],
                     preferred_element_type=jnp.float32)
    ii = lax.broadcasted_iota(jnp.int32, (N, E), 1)
    l1 = jnp.max(logits, axis=1, keepdims=True)
    i1 = jnp.min(jnp.where(logits >= l1, ii, E), axis=1)
    oh1 = ii == i1[:, None]
    masked = jnp.where(oh1, -1e30, logits)
    l2 = jnp.max(masked, axis=1, keepdims=True)
    i2 = jnp.min(jnp.where(masked >= l2, ii, E), axis=1)
    oh2 = ii == i2[:, None]
    g1v = 1.0 / (1.0 + jnp.exp(l2[:, 0] - l1[:, 0]))
    g2v = 1.0 - g1v

    ohf1 = oh1.astype(jnp.float32)
    ohf2 = oh2.astype(jnp.float32)
    B = 256
    tri = (lax.broadcasted_iota(jnp.int32, (B, B), 0)
           >= lax.broadcasted_iota(jnp.int32, (B, B), 1)).astype(jnp.bfloat16)
    ohb = jnp.concatenate([ohf1, ohf2], axis=0).astype(jnp.bfloat16)
    blocks = []
    run = jnp.zeros((1, E), jnp.float32)
    for b in range(2 * N // B):
        blk = ohb[b * B:(b + 1) * B]
        incl = jnp.dot(tri, blk, preferred_element_type=jnp.float32)
        blocks.append(incl + run)
        run = run + incl[B - 1:B, :]
    inclus = jnp.concatenate(blocks, axis=0)
    ohf = jnp.concatenate([ohf1, ohf2], axis=0)
    c1 = ohf1.sum(axis=0)
    counts = c1 + ohf2.sum(axis=0)
    rank12 = inclus - ohf
    rank1 = rank12[:N]
    rank2 = rank12[N:]
    padded = jnp.ceil(counts / _TILE) * _TILE
    le = (lax.broadcasted_iota(jnp.int32, (E, E), 0)
          <= lax.broadcasted_iota(jnp.int32, (E, E), 1)).astype(jnp.float32)
    pad_end = jnp.sum(padded[:, None] * le, axis=0)
    pad_start = pad_end - padded
    slot1 = (ohf1 * (rank1 + pad_start[None, :])).sum(axis=1)
    slot2 = (ohf2 * (rank2 + pad_start[None, :])).sum(axis=1)
    p1_ref[...] = slot1.astype(jnp.int32)
    p2_ref[...] = slot2.astype(jnp.int32)
    g1b_ref[...] = jnp.broadcast_to(g1v[:, None], (N, 16))
    g2b_ref[...] = jnp.broadcast_to(g2v[:, None], (N, 16))

    ts = (lax.broadcasted_iota(jnp.int32, (1, 128), 1)
          .astype(jnp.float32) * _TILE)
    ge = ts >= pad_end[:, None]
    tile_e = ge.astype(jnp.int32).sum(axis=0)
    tile_e_c = jnp.minimum(tile_e, E - 1)
    oht = (lax.broadcasted_iota(jnp.int32, (E, 128), 0)
           == tile_e_c[None, :]).astype(jnp.float32)
    ps_t = (oht * pad_start[:, None]).sum(axis=0)
    cnt_t = (oht * counts[:, None]).sum(axis=0)
    tile_valid = ((tile_e < E)
                  & ((ts[0] - ps_t) < cnt_t)).astype(jnp.int32)
    te_ref[...] = tile_e_c
    tv_ref[...] = tile_valid

    imp = (ohf1 * g1v[:, None] + ohf2 * g2v[:, None]).sum(axis=0)

    def cv2(v):
        m = jnp.sum(v) / E
        var = jnp.sum((v - m) ** 2) / (E - 1)
        return var / (m * m + 1e-10)

    loss = (cv2(imp) + cv2(counts)) * 1e-2
    stat_ref[...] = jnp.full((1, 128), loss, jnp.float32)


def _group_body(te_ref, tv_ref, x_ref, w1_ref, b1_ref, w2_ref, b2_ref,
                o_ref):
    t = pl.program_id(0)

    @pl.when(tv_ref[t] != 0)
    def _():
        xb = x_ref[...].astype(jnp.bfloat16)
        h = jnp.dot(xb, w1_ref[0], preferred_element_type=jnp.float32)
        h = jnp.maximum(h + b1_ref[0], 0.0).astype(jnp.bfloat16)
        y = jnp.dot(h, w2_ref[0], preferred_element_type=jnp.float32)
        o_ref[...] = y + b2_ref[0]


def _sc_dispatch_body(x_hbm, p1_hbm, p2_hbm, out_hbm,
                      i1a, i2a, i1b, i2b, ra, rb, sa, sb, ss):
    wid = lax.axis_index("s") * _NC + lax.axis_index("c")
    base = wid * _TOK_W
    hh = _TOK_W // 2
    d1 = pltpu.async_copy(p1_hbm.at[pl.ds(base, hh)], i1a, sa)
    d2 = pltpu.async_copy(p2_hbm.at[pl.ds(base, hh)], i2a, sa)
    d3 = pltpu.async_copy(x_hbm.at[pl.ds(base, hh)], ra, sa)
    d4 = pltpu.async_copy(p1_hbm.at[pl.ds(base + hh, hh)], i1b, sb)
    d5 = pltpu.async_copy(p2_hbm.at[pl.ds(base + hh, hh)], i2b, sb)
    d6 = pltpu.async_copy(x_hbm.at[pl.ds(base + hh, hh)], rb, sb)
    d1.wait()
    d2.wait()
    d3.wait()
    s1 = pltpu.async_copy(ra, out_hbm.at[i1a], ss)
    s2 = pltpu.async_copy(ra, out_hbm.at[i2a], ss)
    d4.wait()
    d5.wait()
    d6.wait()
    s3 = pltpu.async_copy(rb, out_hbm.at[i1b], ss)
    s4 = pltpu.async_copy(rb, out_hbm.at[i2b], ss)
    s1.wait()
    s2.wait()
    s3.wait()
    s4.wait()


def _sc_combine_body(y_hbm, p1_hbm, p2_hbm, g1_hbm, g2_hbm, out_hbm,
                     i1_v, i2_v, g1_v, g2_v, r1_v, r2_v, sem):
    wid = lax.axis_index("s") * _NC + lax.axis_index("c")
    base = wid * _TOK_W
    a1 = pltpu.async_copy(p1_hbm.at[pl.ds(base, _TOK_W)], i1_v, sem)
    a2 = pltpu.async_copy(p2_hbm.at[pl.ds(base, _TOK_W)], i2_v, sem)
    a3 = pltpu.async_copy(g1_hbm.at[pl.ds(base, _TOK_W)], g1_v, sem)
    a4 = pltpu.async_copy(g2_hbm.at[pl.ds(base, _TOK_W)], g2_v, sem)
    a1.wait()
    a2.wait()
    a3.wait()
    a4.wait()
    c1 = pltpu.async_copy(y_hbm.at[i1_v], r1_v, sem)
    c2 = pltpu.async_copy(y_hbm.at[i2_v], r2_v, sem)
    c1.wait()
    c2.wait()

    def row_fma(i, carry):
        ga = g1_v[i, pl.ds(0, 16)]
        gb = g2_v[i, pl.ds(0, 16)]
        for j in range(_D // 16):
            s = pl.ds(j * 16, 16)
            r1_v[i, s] = r1_v[i, s] * ga + r2_v[i, s] * gb
        return carry

    lax.fori_loop(0, _TOK_W, row_fma, 0)
    pltpu.sync_copy(r1_v, out_hbm.at[pl.ds(base, _TOK_W)])


@functools.cache
def _sc_kernels():
    mesh = plsc.VectorSubcoreMesh(core_axis_name="c", subcore_axis_name="s")
    dispatch = pl.kernel(
        _sc_dispatch_body,
        out_type=jax.ShapeDtypeStruct((_P, _D), jnp.float32),
        mesh=mesh,
        scratch_types=[
            pltpu.VMEM((_TOK_W // 2,), jnp.int32),
            pltpu.VMEM((_TOK_W // 2,), jnp.int32),
            pltpu.VMEM((_TOK_W // 2,), jnp.int32),
            pltpu.VMEM((_TOK_W // 2,), jnp.int32),
            pltpu.VMEM((_TOK_W // 2, _D), jnp.float32),
            pltpu.VMEM((_TOK_W // 2, _D), jnp.float32),
            pltpu.SemaphoreType.DMA,
            pltpu.SemaphoreType.DMA,
            pltpu.SemaphoreType.DMA,
        ],
    )
    combine = pl.kernel(
        _sc_combine_body,
        out_type=jax.ShapeDtypeStruct((_N, _D), jnp.float32),
        mesh=mesh,
        scratch_types=[
            pltpu.VMEM((_TOK_W,), jnp.int32),
            pltpu.VMEM((_TOK_W,), jnp.int32),
            pltpu.VMEM((_TOK_W, 16), jnp.float32),
            pltpu.VMEM((_TOK_W, 16), jnp.float32),
            pltpu.VMEM((_TOK_W, _D), jnp.float32),
            pltpu.VMEM((_TOK_W, _D), jnp.float32),
            pltpu.SemaphoreType.DMA,
        ],
    )
    return dispatch, combine


def kernel(x, w_gate, W1, b1, W2, b2):
    N, D = x.shape
    E = w_gate.shape[1]
    H = W1.shape[2]

    p1, p2, g1b, g2b, tile_e_c, tile_valid, stats = pl.pallas_call(
        _route_body,
        out_shape=[
            jax.ShapeDtypeStruct((N,), jnp.int32),
            jax.ShapeDtypeStruct((N,), jnp.int32),
            jax.ShapeDtypeStruct((N, 16), jnp.float32),
            jax.ShapeDtypeStruct((N, 16), jnp.float32),
            jax.ShapeDtypeStruct((128,), jnp.int32),
            jax.ShapeDtypeStruct((128,), jnp.int32),
            jax.ShapeDtypeStruct((1, 128), jnp.float32),
        ],
    )(x, w_gate)
    loss = stats[0, 0]

    _sc_dispatch, _sc_combine = _sc_kernels()
    x_sorted = _sc_dispatch(x, p1, p2)

    grid_spec = pltpu.PrefetchScalarGridSpec(
        num_scalar_prefetch=2,
        grid=(_NTILES,),
        in_specs=[
            pl.BlockSpec((_TILE, D), lambda t, te, tv: (t, 0)),
            pl.BlockSpec((1, D, H), lambda t, te, tv: (te[t], 0, 0)),
            pl.BlockSpec((1, 1, H), lambda t, te, tv: (te[t], 0, 0)),
            pl.BlockSpec((1, H, D), lambda t, te, tv: (te[t], 0, 0)),
            pl.BlockSpec((1, 1, D), lambda t, te, tv: (te[t], 0, 0)),
        ],
        out_specs=pl.BlockSpec((_TILE, D), lambda t, te, tv: (t, 0)),
    )
    y_sorted = pl.pallas_call(
        _group_body,
        grid_spec=grid_spec,
        out_shape=jax.ShapeDtypeStruct((_P, D), jnp.float32),
        compiler_params=pltpu.CompilerParams(
            dimension_semantics=("arbitrary",)),
    )(tile_e_c, tile_valid, x_sorted, W1.astype(jnp.bfloat16),
      b1.reshape(E, 1, H), W2.astype(jnp.bfloat16), b2.reshape(E, 1, D))

    y = _sc_combine(y_sorted, p1, p2, g1b, g2b)
    return y, loss

# --- scband reference (transcript-rebuilt; emitter-appended) ---
"""Pipeline reference for scband-mo-e-32427003085359 (READ-ONLY COPY).

The authoritative reference and input builder live on the scoring server;
editing this copy changes nothing except your own understanding.
"""

import jax, jax.numpy as jnp
import numpy as np


def cv_squared(v):
    eps = 1e-10
    if v.shape[0] == 1:
        return jnp.array(0.0, dtype=jnp.float32)
    return jnp.var(v, ddof=1) / (jnp.mean(v) ** 2 + eps)


def setup_inputs(seed: int = 0) -> dict:
    key = jax.random.key(seed)
    k1, k2, k3, k4 = jax.random.split(key, 4)
    N, D, H, E = 2048, 768, 768, 8
    x = jax.random.normal(k1, (N, D), dtype=jnp.float32)
    # w_gate is initialized to zeros in the torch module; we use small random
    # values so that top-k routing is non-degenerate (no ties).
    w_gate = jax.random.normal(k2, (D, E), dtype=jnp.float32) * 0.02
    W1 = jax.random.normal(k3, (E, D, H), dtype=jnp.float32) * (1.0 / np.sqrt(D))
    b1 = jnp.zeros((E, H), dtype=jnp.float32)
    W2 = jax.random.normal(k4, (E, H, D), dtype=jnp.float32) * (1.0 / np.sqrt(H))
    b2 = jnp.zeros((E, D), dtype=jnp.float32)
    return {"x": x, "w_gate": w_gate, "W1": W1, "b1": b1, "W2": W2, "b2": b2}


def reference(x, w_gate, W1, b1, W2, b2):
    # Eval-mode gating: noisy gating only perturbs logits during training,
    # so logits = x @ w_gate.
    k = 2
    N = x.shape[0]
    E = w_gate.shape[1]
    logits = x @ w_gate
    top_logits, top_idx = jax.lax.top_k(logits, k + 1)
    top_k_logits = top_logits[:, :k]
    top_k_idx = top_idx[:, :k]
    top_k_gates = jax.nn.softmax(top_k_logits, axis=1)
    # scatter gate values back into the dense [N, E] gate matrix
    gates = jnp.zeros((N, E), dtype=x.dtype).at[jnp.arange(N)[:, None], top_k_idx].set(top_k_gates)
    # load-balancing auxiliary loss: cv^2 of importance + cv^2 of load
    importance = gates.sum(axis=0)
    load = (gates > 0).sum(axis=0).astype(jnp.float32)
    loss = (cv_squared(importance) + cv_squared(load)) * 1e-2
    # Dense-equivalent of SparseDispatcher.dispatch / expert MLPs / combine:
    # y[b] = sum_e gates[b, e] * MLP_e(x[b]); gates are zero for unselected
    # experts so this is mathematically identical to the sparse dispatch.
    h = jax.nn.relu(jnp.einsum('nd,edh->enh', x, W1) + b1[:, None, :])
    expert_out = jnp.einsum('enh,eho->eno', h, W2) + b2[:, None, :]
    y = jnp.einsum('eno,ne->no', expert_out, gates)
    return y, loss

if __name__ == "__main__":
    import jax
    _d = setup_inputs()
    print(jax.jit(kernel)(*tuple(_d.values())))

</pallas_src>

<mosaic_0001>
#map = affine_map<(d0, d1) -> (0, 0)>
#map1 = affine_map<(d0, d1) -> (0)>
module attributes {stable_mosaic.version = 14 : i64} {
  func.func @_sc_combine_body(%arg0: i32, %arg1: i32, %arg2: memref<8192x768xf32, #tpu.memory_space<hbm>>, %arg3: memref<2048xi32, #tpu.memory_space<hbm>>, %arg4: memref<2048xi32, #tpu.memory_space<hbm>>, %arg5: memref<2048x16xf32, #tpu.memory_space<hbm>>, %arg6: memref<2048x16xf32, #tpu.memory_space<hbm>>, %arg7: memref<2048x768xf32, #tpu.memory_space<hbm>>, %arg8: memref<64xi32, #tpu.memory_space<vmem>>, %arg9: memref<64xi32, #tpu.memory_space<vmem>>, %arg10: memref<64x16xf32, #tpu.memory_space<vmem>>, %arg11: memref<64x16xf32, #tpu.memory_space<vmem>>, %arg12: memref<64x768xf32, #tpu.memory_space<vmem>>, %arg13: memref<64x768xf32, #tpu.memory_space<vmem>>, %arg14: memref<!tpu.dma_semaphore, #tpu.memory_space<semaphore_mem>>) attributes {dimension_semantics = [#tpu.dimension_semantics<core_parallel>, #tpu.dimension_semantics<subcore_parallel>], iteration_bounds = array<i64: 2, 16>, scalar_prefetch = 0 : i64, scratch_operands = 7 : i64, tpu.core_type = #tpu.core_type<sc_vector_subcore>, window_params = [{transform_indices = #map}, {transform_indices = #map1}, {transform_indices = #map1}, {transform_indices = #map}, {transform_indices = #map}, {transform_indices = #map}]} {
    %mul3A = arith.constant 2 : i32
    %mul3A_0 = arith.muli %arg1, %mul3A : i32
    %add3A = arith.addi %mul3A_0, %arg0 : i32
    %mul3A_1 = arith.constant 64 : i32
    %mul3A_2 = arith.muli %add3A, %mul3A_1 : i32
    %dma_start3A = tpu.memref_slice %arg3[%mul3A_2] : memref<2048xi32, #tpu.memory_space<hbm>> -> memref<64xi32, #tpu.memory_space<hbm>>
    %dma_start3A_3 = tpu.memref_slice %arg3[%mul3A_2] : memref<2048xi32, #tpu.memory_space<hbm>> -> memref<64xi32, #tpu.memory_space<hbm>>
    tpu.enqueue_dma source(%dma_start3A_3 : memref<64xi32, #tpu.memory_space<hbm>>) target(%arg8 : memref<64xi32, #tpu.memory_space<vmem>>) target_semaphore(%arg14 : memref<!tpu.dma_semaphore, #tpu.memory_space<semaphore_mem>>)
    %dma_start3A_4 = tpu.memref_slice %arg4[%mul3A_2] : memref<2048xi32, #tpu.memory_space<hbm>> -> memref<64xi32, #tpu.memory_space<hbm>>
    %dma_start3A_5 = tpu.memref_slice %arg4[%mul3A_2] : memref<2048xi32, #tpu.memory_space<hbm>> -> memref<64xi32, #tpu.memory_space<hbm>>
    tpu.enqueue_dma source(%dma_start3A_5 : memref<64xi32, #tpu.memory_space<hbm>>) target(%arg9 : memref<64xi32, #tpu.memory_space<vmem>>) target_semaphore(%arg14 : memref<!tpu.dma_semaphore, #tpu.memory_space<semaphore_mem>>)
    %dma_start3A_6 = arith.constant 0 : i32
    %dma_start3A_7 = tpu.memref_slice %arg5[%mul3A_2, %dma_start3A_6] : memref<2048x16xf32, #tpu.memory_space<hbm>> -> memref<64x16xf32, #tpu.memory_space<hbm>>
    %dma_start3A_8 = arith.constant 0 : i32
    %dma_start3A_9 = tpu.memref_slice %arg5[%mul3A_2, %dma_start3A_8] : memref<2048x16xf32, #tpu.memory_space<hbm>> -> memref<64x16xf32, #tpu.memory_space<hbm>>
    tpu.enqueue_dma source(%dma_start3A_9 : memref<64x16xf32, #tpu.memory_space<hbm>>) target(%arg10 : memref<64x16xf32, #tpu.memory_space<vmem>>) target_semaphore(%arg14 : memref<!tpu.dma_semaphore, #tpu.memory_space<semaphore_mem>>)
    %dma_start3A_10 = arith.constant 0 : i32
    %dma_start3A_11 = tpu.memref_slice %arg6[%mul3A_2, %dma_start3A_10] : memref<2048x16xf32, #tpu.memory_space<hbm>> -> memref<64x16xf32, #tpu.memory_space<hbm>>
    %dma_start3A_12 = arith.constant 0 : i32
    %dma_start3A_13 = tpu.memref_slice %arg6[%mul3A_2, %dma_start3A_12] : memref<2048x16xf32, #tpu.memory_space<hbm>> -> memref<64x16xf32, #tpu.memory_space<hbm>>
    tpu.enqueue_dma source(%dma_start3A_13 : memref<64x16xf32, #tpu.memory_space<hbm>>) target(%arg11 : memref<64x16xf32, #tpu.memory_space<vmem>>) target_semaphore(%arg14 : memref<!tpu.dma_semaphore, #tpu.memory_space<semaphore_mem>>)
    %dma_wait3A = tpu.memref_slice %arg3[%mul3A_2] : memref<2048xi32, #tpu.memory_space<hbm>> -> memref<64xi32, #tpu.memory_space<hbm>>
    %dma_wait3A_14 = tpu.memref_slice %arg3[%mul3A_2] : memref<2048xi32, #tpu.memory_space<hbm>> -> memref<64xi32, #tpu.memory_space<hbm>>
    tpu.wait_dma2 semaphore(%arg14 : memref<!tpu.dma_semaphore, #tpu.memory_space<semaphore_mem>>) src(%dma_wait3A_14 : memref<64xi32, #tpu.memory_space<hbm>>) dst(%arg8 : memref<64xi32, #tpu.memory_space<vmem>>)
    %dma_wait3A_15 = tpu.memref_slice %arg4[%mul3A_2] : memref<2048xi32, #tpu.memory_space<hbm>> -> memref<64xi32, #tpu.memory_space<hbm>>
    %dma_wait3A_16 = tpu.memref_slice %arg4[%mul3A_2] : memref<2048xi32, #tpu.memory_space<hbm>> -> memref<64xi32, #tpu.memory_space<hbm>>
    tpu.wait_dma2 semaphore(%arg14 : memref<!tpu.dma_semaphore, #tpu.memory_space<semaphore_mem>>) src(%dma_wait3A_16 : memref<64xi32, #tpu.memory_space<hbm>>) dst(%arg9 : memref<64xi32, #tpu.memory_space<vmem>>)
    %dma_wait3A_17 = arith.constant 0 : i32
    %dma_wait3A_18 = tpu.memref_slice %arg5[%mul3A_2, %dma_wait3A_17] : memref<2048x16xf32, #tpu.memory_space<hbm>> -> memref<64x16xf32, #tpu.memory_space<hbm>>
    %dma_wait3A_19 = arith.constant 0 : i32
    %dma_wait3A_20 = tpu.memref_slice %arg5[%mul3A_2, %dma_wait3A_19] : memref<2048x16xf32, #tpu.memory_space<hbm>> -> memref<64x16xf32, #tpu.memory_space<hbm>>
    tpu.wait_dma2 semaphore(%arg14 : memref<!tpu.dma_semaphore, #tpu.memory_space<semaphore_mem>>) src(%dma_wait3A_20 : memref<64x16xf32, #tpu.memory_space<hbm>>) dst(%arg10 : memref<64x16xf32, #tpu.memory_space<vmem>>)
    %dma_wait3A_21 = arith.constant 0 : i32
    %dma_wait3A_22 = tpu.memref_slice %arg6[%mul3A_2, %dma_wait3A_21] : memref<2048x16xf32, #tpu.memory_space<hbm>> -> memref<64x16xf32, #tpu.memory_space<hbm>>
    %dma_wait3A_23 = arith.constant 0 : i32
    %dma_wait3A_24 = tpu.memref_slice %arg6[%mul3A_2, %dma_wait3A_23] : memref<2048x16xf32, #tpu.memory_space<hbm>> -> memref<64x16xf32, #tpu.memory_space<hbm>>
    tpu.wait_dma2 semaphore(%arg14 : memref<!tpu.dma_semaphore, #tpu.memory_space<semaphore_mem>>) src(%dma_wait3A_24 : memref<64x16xf32, #tpu.memory_space<hbm>>) dst(%arg11 : memref<64x16xf32, #tpu.memory_space<vmem>>)
    %dma_start3A_25 = arith.constant 0 : i32
    %dma_start3A_26 = arith.constant 0 : i32
    %dma_start3A_27 = tpu.memref_slice %arg2[%dma_start3A_25, %dma_start3A_26] : memref<8192x768xf32, #tpu.memory_space<hbm>> -> memref<8192x768xf32, #tpu.memory_space<hbm>>
    tpu.enqueue_indirect_dma source(%dma_start3A_27 : memref<8192x768xf32, #tpu.memory_space<hbm>>) target(%arg12 : memref<64x768xf32, #tpu.memory_space<vmem>>) offsets(%arg8 : memref<64xi32, #tpu.memory_space<vmem>>) semaphore(%arg14 : memref<!tpu.dma_semaphore, #tpu.memory_space<semaphore_mem>>)
    %dma_start3A_28 = arith.constant 0 : i32
    %dma_start3A_29 = arith.constant 0 : i32
    %dma_start3A_30 = tpu.memref_slice %arg2[%dma_start3A_28, %dma_start3A_29] : memref<8192x768xf32, #tpu.memory_space<hbm>> -> memref<8192x768xf32, #tpu.memory_space<hbm>>
    tpu.enqueue_indirect_dma source(%dma_start3A_30 : memref<8192x768xf32, #tpu.memory_space<hbm>>) target(%arg13 : memref<64x768xf32, #tpu.memory_space<vmem>>) offsets(%arg9 : memref<64xi32, #tpu.memory_space<vmem>>) semaphore(%arg14 : memref<!tpu.dma_semaphore, #tpu.memory_space<semaphore_mem>>)
    %dma_wait3A_31 = arith.constant 0 : i32
    %dma_wait3A_32 = arith.constant 0 : i32
    %dma_wait3A_33 = tpu.memref_slice %arg2[%dma_wait3A_31, %dma_wait3A_32] : memref<8192x768xf32, #tpu.memory_space<hbm>> -> memref<8192x768xf32, #tpu.memory_space<hbm>>
    tpu.wait_indirect_dma semaphore(%arg14 : memref<!tpu.dma_semaphore, #tpu.memory_space<semaphore_mem>>) src(%dma_wait3A_33 : memref<8192x768xf32, #tpu.memory_space<hbm>>) dst(%arg12 : memref<64x768xf32, #tpu.memory_space<vmem>>)
    %dma_wait3A_34 = arith.constant 0 : i32
    %dma_wait3A_35 = arith.constant 0 : i32
    %dma_wait3A_36 = tpu.memref_slice %arg2[%dma_wait3A_34, %dma_wait3A_35] : memref<8192x768xf32, #tpu.memory_space<hbm>> -> memref<8192x768xf32, #tpu.memory_space<hbm>>
    tpu.wait_indirect_dma semaphore(%arg14 : memref<!tpu.dma_semaphore, #tpu.memory_space<semaphore_mem>>) src(%dma_wait3A_36 : memref<8192x768xf32, #tpu.memory_space<hbm>>) dst(%arg13 : memref<64x768xf32, #tpu.memory_space<vmem>>)
    %scan3A = arith.constant 0 : i32
    %scan3A_37 = arith.constant 0 : i32
    %scan3A_38 = arith.constant 64 : i32
    %scan3A_39 = arith.addi %scan3A_37, %scan3A_38 : i32
    %scan3A_40 = arith.constant 1 : i32
    scf.for %scan3A_42 = %scan3A_37 to %scan3A_39 step %scan3A_40  : i32 {
      %get3A = arith.index_cast %scan3A_42 : i32 to index
      %get3A_43 = arith.constant 0 : index
      %get3A_44 = tpu.vector_load %arg10[%get3A, %get3A_43] {strides = array<i32>} : memref<64x16xf32, #tpu.memory_space<vmem>>, vector<1x16xf32>,
      %get3A_45 = vector.shape_cast %get3A_44 : vector<1x16xf32> to vector<16xf32>
      %get3A_46 = arith.index_cast %scan3A_42 : i32 to index
      %get3A_47 = arith.constant 0 : index
      %get3A_48 = tpu.vector_load %arg11[%get3A_46, %get3A_47] {strides = array<i32>} : memref<64x16xf32, #tpu.memory_space<vmem>>, vector<1x16xf32>,
      %get3A_49 = vector.shape_cast %get3A_48 : vector<1x16xf32> to vector<16xf32>
      %get3A_50 = arith.index_cast %scan3A_42 : i32 to index
      %get3A_51 = arith.constant 0 : index
      %get3A_52 = tpu.vector_load %arg12[%get3A_50, %get3A_51] {strides = array<i32>} : memref<64x768xf32, #tpu.memory_space<vmem>>, vector<1x16xf32>,
      %get3A_53 = vector.shape_cast %get3A_52 : vector<1x16xf32> to vector<16xf32>
      %mul3A_54 = arith.mulf %get3A_53, %get3A_45 : vector<16xf32>
      %get3A_55 = arith.index_cast %scan3A_42 : i32 to index
      %get3A_56 = arith.constant 0 : index
      %get3A_57 = tpu.vector_load %arg13[%get3A_55, %get3A_56] {strides = array<i32>} : memref<64x768xf32, #tpu.memory_space<vmem>>, vector<1x16xf32>,
      %get3A_58 = vector.shape_cast %get3A_57 : vector<1x16xf32> to vector<16xf32>
      %mul3A_59 = arith.mulf %get3A_58, %get3A_49 : vector<16xf32>
      %add3A_60 = arith.addf %mul3A_54, %mul3A_59 : vector<16xf32>
      %swap3A = arith.index_cast %scan3A_42 : i32 to index
      %swap3A_61 = arith.constant 0 : index
      %swap3A_62 = tpu.vector_load %arg12[%swap3A, %swap3A_61] {strides = array<i32>} : memref<64x768xf32, #tpu.memory_space<vmem>>, vector<1x16xf32>,
      %swap3A_63 = vector.shape_cast %swap3A_62 : vector<1x16xf32> to vector<16xf32>
      %swap3A_64 = vector.shape_cast %add3A_60 : vector<16xf32> to vector<1x16xf32>
      tpu.vector_store %arg12[%swap3A, %swap3A_61], %swap3A_64 {strides = array<i32>} : memref<64x768xf32, #tpu.memory_space<vmem>>, vector<1x16xf32>,
      %get3A_65 = arith.index_cast %scan3A_42 : i32 to index
      %get3A_66 = arith.constant 16 : index
      %get3A_67 = tpu.vector_load %arg12[%get3A_65, %get3A_66] {strides = array<i32>} : memref<64x768xf32, #tpu.memory_space<vmem>>, vector<1x16xf32>,
      %get3A_68 = vector.shape_cast %get3A_67 : vector<1x16xf32> to vector<16xf32>
      %mul3A_69 = arith.mulf %get3A_68, %get3A_45 : vector<16xf32>
      %get3A_70 = arith.index_cast %scan3A_42 : i32 to index
      %get3A_71 = arith.constant 16 : index
      %get3A_72 = tpu.vector_load %arg13[%get3A_70, %get3A_71] {strides = array<i32>} : memref<64x768xf32, #tpu.memory_space<vmem>>, vector<1x16xf32>,
      %get3A_73 = vector.shape_cast %get3A_72 : vector<1x16xf32> to vector<16xf32>
      %mul3A_74 = arith.mulf %get3A_73, %get3A_49 : vector<16xf32>
      %add3A_75 = arith.addf %mul3A_69, %mul3A_74 : vector<16xf32>
      %swap3A_76 = arith.index_cast %scan3A_42 : i32 to index
      %swap3A_77 = arith.constant 16 : index
      %swap3A_78 = tpu.vector_load %arg12[%swap3A_76, %swap3A_77] {strides = array<i32>} : memref<64x768xf32, #tpu.memory_space<vmem>>, vector<1x16xf32>,
      %swap3A_79 = vector.shape_cast %swap3A_78 : vector<1x16xf32> to vector<16xf32>
      %swap3A_80 = vector.shape_cast %add3A_75 : vector<16xf32> to vector<1x16xf32>
      tpu.vector_store %arg12[%swap3A_76, %swap3A_77], %swap3A_80 {strides = array<i32>} : memref<64x768xf32, #tpu.memory_space<vmem>>, vector<1x16xf32>,
      %get3A_81 = arith.index_cast %scan3A_42 : i32 to index
      %get3A_82 = arith.constant 32 : index
      %get3A_83 = tpu.vector_load %arg12[%get3A_81, %get3A_82] {strides = array<i32>} : memref<64x768xf32, #tpu.memory_space<vmem>>, vector<1x16xf32>,
      %get3A_84 = vector.shape_cast %get3A_83 : vector<1x16xf32> to vector<16xf32>
      %mul3A_85 = arith.mulf %get3A_84, %get3A_45 : vector<16xf32>
      %get3A_86 = arith.index_cast %scan3A_42 : i32 to index
      %get3A_87 = arith.constant 32 : index
      %get3A_88 = tpu.vector_load %arg13[%get3A_86, %get3A_87] {strides = array<i32>} : memref<64x768xf32, #tpu.memory_space<vmem>>, vector<1x16xf32>,
      %get3A_89 = vector.shape_cast %get3A_88 : vector<1x16xf32> to vector<16xf32>
      %mul3A_90 = arith.mulf %get3A_89, %get3A_49 : vector<16xf32>
      %add3A_91 = arith.addf %mul3A_85, %mul3A_90 : vector<16xf32>
      %swap3A_92 = arith.index_cast %scan3A_42 : i32 to index
      %swap3A_93 = arith.constant 32 : index
      %swap3A_94 = tpu.vector_load %arg12[%swap3A_92, %swap3A_93] {strides = array<i32>} : memref<64x768xf32, #tpu.memory_space<vmem>>, vector<1x16xf32>,
      %swap3A_95 = vector.shape_cast %swap3A_94 : vector<1x16xf32> to vector<16xf32>
      %swap3A_96 = vector.shape_cast %add3A_91 : vector<16xf32> to vector<1x16xf32>
      tpu.vector_store %arg12[%swap3A_92, %swap3A_93], %swap3A_96 {strides = array<i32>} : memref<64x768xf32, #tpu.memory_space<vmem>>, vector<1x16xf32>,
      %get3A_97 = arith.index_cast %scan3A_42 : i32 to index
      %get3A_98 = arith.constant 48 : index
      %get3A_99 = tpu.vector_load %arg12[%get3A_97, %get3A_98] {strides = array<i32>} : memref<64x768xf32, #tpu.memory_space<vmem>>, vector<1x16xf32>,
      %get3A_100 = vector.shape_cast %get3A_99 : vector<1x16xf32> to vector<16xf32>
      %mul3A_101 = arith.mulf %get3A_100, %get3A_45 : vector<16xf32>
      %get3A_102 = arith.index_cast %scan3A_42 : i32 to index
      %get3A_103 = arith.constant 48 : index
      %get3A_104 = tpu.vector_load %arg13[%get3A_102, %get3A_103] {strides = array<i32>} : memref<64x768xf32, #tpu.memory_space<vmem>>, vector<1x16xf32>,
      %get3A_105 = vector.shape_cast %get3A_104 : vector<1x16xf32> to vector<16xf32>
      %mul3A_106 = arith.mulf %get3A_105, %get3A_49 : vector<16xf32>
      %add3A_107 = arith.addf %mul3A_101, %mul3A_106 : vector<16xf32>
      %swap3A_108 = arith.index_cast %scan3A_42 : i32 to index
      %swap3A_109 = arith.constant 48 : index
      %swap3A_110 = tpu.vector_load %arg12[%swap3A_108, %swap3A_109] {strides = array<i32>} : memref<64x768xf32, #tpu.memory_space<vmem>>, vector<1x16xf32>,
      %swap3A_111 = vector.shape_cast %swap3A_110 : vector<1x16xf32> to vector<16xf32>
      %swap3A_112 = vector.shape_cast %add3A_107 : vector<16xf32> to vector<1x16xf32>
      tpu.vector_store %arg12[%swap3A_108, %swap3A_109], %swap3A_112 {strides = array<i32>} : memref<64x768xf32, #tpu.memory_space<vmem>>, vector<1x16xf32>,
      %get3A_113 = arith.index_cast %scan3A_42 : i32 to index
      %get3A_114 = arith.constant 64 : index
      %get3A_115 = tpu.vector_load %arg12[%get3A_113, %get3A_114] {strides = array<i32>} : memref<64x768xf32, #tpu.memory_space<vmem>>, vector<1x16xf32>,
      %get3A_116 = vector.shape_cast %get3A_115 : vector<1x16xf32> to vector<16xf32>
      %mul3A_117 = arith.mulf %get3A_116, %get3A_45 : vector<16xf32>
      %get3A_118 = arith.index_cast %scan3A_42 : i32 to index
      %get3A_119 = arith.constant 64 : index
      %get3A_120 = tpu.vector_load %arg13[%get3A_118, %get3A_119] {strides = array<i32>} : memref<64x768xf32, #tpu.memory_space<vmem>>, vector<1x16xf32>,
      %get3A_121 = vector.shape_cast %get3A_120 : vector<1x16xf32> to vector<16xf32>
      %mul3A_122 = arith.mulf %get3A_121, %get3A_49 : vector<16xf32>
      %add3A_123 = arith.addf %mul3A_117, %mul3A_122 : vector<16xf32>
      %swap3A_124 = arith.index_cast %scan3A_42 : i32 to index
      %swap3A_125 = arith.constant 64 : index
      %swap3A_126 = tpu.vector_load %arg12[%swap3A_124, %swap3A_125] {strides = array<i32>} : memref<64x768xf32, #tpu.memory_space<vmem>>, vector<1x16xf32>,
      %swap3A_127 = vector.shape_cast %swap3A_126 : vector<1x16xf32> to vector<16xf32>
      %swap3A_128 = vector.shape_cast %add3A_123 : vector<16xf32> to vector<1x16xf32>
      tpu.vector_store %arg12[%swap3A_124, %swap3A_125], %swap3A_128 {strides = array<i32>} : memref<64x768xf32, #tpu.memory_space<vmem>>, vector<1x16xf32>,
      %get3A_129 = arith.index_cast %scan3A_42 : i32 to index
      %get3A_130 = arith.constant 80 : index
      %get3A_131 = tpu.vector_load %arg12[%get3A_129, %get3A_130] {strides = array<i32>} : memref<64x768xf32, #tpu.memory_space<vmem>>, vector<1x16xf32>,
      %get3A_132 = vector.shape_cast %get3A_131 : vector<1x16xf32> to vector<16xf32>
      %mul3A_133 = arith.mulf %get3A_132, %get3A_45 : vector<16xf32>
      %get3A_134 = arith.index_cast %scan3A_42 : i32 to index
      %get3A_135 = arith.constant 80 : index
      %get3A_136 = tpu.vector_load %arg13[%get3A_134, %get3A_135] {strides = array<i32>} : memref<64x768xf32, #tpu.memory_space<vmem>>, vector<1x16xf32>,
      %get3A_137 = vector.shape_cast %get3A_136 : vector<1x16xf32> to vector<16xf32>
      %mul3A_138 = arith.mulf %get3A_137, %get3A_49 : vector<16xf32>
      %add3A_139 = arith.addf %mul3A_133, %mul3A_138 : vector<16xf32>
      %swap3A_140 = arith.index_cast %scan3A_42 : i32 to index
      %swap3A_141 = arith.constant 80 : index
      %swap3A_142 = tpu.vector_load %arg12[%swap3A_140, %swap3A_141] {strides = array<i32>} : memref<64x768xf32, #tpu.memory_space<vmem>>, vector<1x16xf32>,
      %swap3A_143 = vector.shape_cast %swap3A_142 : vector<1x16xf32> to vector<16xf32>
      %swap3A_144 = vector.shape_cast %add3A_139 : vector<16xf32> to vector<1x16xf32>
      tpu.vector_store %arg12[%swap3A_140, %swap3A_141], %swap3A_144 {strides = array<i32>} : memref<64x768xf32, #tpu.memory_space<vmem>>, vector<1x16xf32>,
      %get3A_145 = arith.index_cast %scan3A_42 : i32 to index
      %get3A_146 = arith.constant 96 : index
      %get3A_147 = tpu.vector_load %arg12[%get3A_145, %get3A_146] {strides = array<i32>} : memref<64x768xf32, #tpu.memory_space<vmem>>, vector<1x16xf32>,
      %get3A_148 = vector.shape_cast %get3A_147 : vector<1x16xf32> to vector<16xf32>
      %mul3A_149 = arith.mulf %get3A_148, %get3A_45 : vector<16xf32>
      %get3A_150 = arith.index_cast %scan3A_42 : i32 to index
      %get3A_151 = arith.constant 96 : index
      %get3A_152 = tpu.vector_load %arg13[%get3A_150, %get3A_151] {strides = array<i32>} : memref<64x768xf32, #tpu.memory_space<vmem>>, vector<1x16xf32>,
      %get3A_153 = vector.shape_cast %get3A_152 : vector<1x16xf32> to vector<16xf32>
      %mul3A_154 = arith.mulf %get3A_153, %get3A_49 : vector<16xf32>
      %add3A_155 = arith.addf %mul3A_149, %mul3A_154 : vector<16xf32>
      %swap3A_156 = arith.index_cast %scan3A_42 : i32 to index
      %swap3A_157 = arith.constant 96 : index
      %swap3A_158 = tpu.vector_load %arg12[%swap3A_156, %swap3A_157] {strides = array<i32>} : memref<64x768xf32, #tpu.memory_space<vmem>>, vector<1x16xf32>,
      %swap3A_159 = vector.shape_cast %swap3A_158 : vector<1x16xf32> to vector<16xf32>
      %swap3A_160 = vector.shape_cast %add3A_155 : vector<16xf32> to vector<1x16xf32>
      tpu.vector_store %arg12[%swap3A_156, %swap3A_157], %swap3A_160 {strides = array<i32>} : memref<64x768xf32, #tpu.memory_space<vmem>>, vector<1x16xf32>,
      %get3A_161 = arith.index_cast %scan3A_42 : i32 to index
      %get3A_162 = arith.constant 112 : index
      %get3A_163 = tpu.vector_load %arg12[%get3A_161, %get3A_162] {strides = array<i32>} : memref<64x768xf32, #tpu.memory_space<vmem>>, vector<1x16xf32>,
      %get3A_164 = vector.shape_cast %get3A_163 : vector<1x16xf32> to vector<16xf32>
      %mul3A_165 = arith.mulf %get3A_164, %get3A_45 : vector<16xf32>
      %get3A_166 = arith.index_cast %scan3A_42 : i32 to index
      %get3A_167 = arith.constant 112 : index
      %get3A_168 = tpu.vector_load %arg13[%get3A_166, %get3A_167] {strides = array<i32>} : memref<64x768xf32, #tpu.memory_space<vmem>>, vector<1x16xf32>,
      %get3A_169 = vector.shape_cast %get3A_168 : vector<1x16xf32> to vector<16xf32>
      %mul3A_170 = arith.mulf %get3A_169, %get3A_49 : vector<16xf32>
      %add3A_171 = arith.addf %mul3A_165, %mul3A_170 : vector<16xf32>
      %swap3A_172 = arith.index_cast %scan3A_42 : i32 to index
      %swap3A_173 = arith.constant 112 : index
      %swap3A_174 = tpu.vector_load %arg12[%swap3A_172, %swap3A_173] {strides = array<i32>} : memref<64x768xf32, #tpu.memory_space<vmem>>, vector<1x16xf32>,
      %swap3A_175 = vector.shape_cast %swap3A_174 : vector<1x16xf32> to vector<16xf32>
      %swap3A_176 = vector.shape_cast %add3A_171 : vector<16xf32> to vector<1x16xf32>
      tpu.vector_store %arg12[%swap3A_172, %swap3A_173], %swap3A_176 {strides = array<i32>} : memref<64x768xf32, #tpu.memory_space<vmem>>, vector<1x16xf32>,
      %get3A_177 = arith.index_cast %scan3A_42 : i32 to index
      %get3A_178 = arith.constant 128 : index
      %get3A_179 = tpu.vector_load %arg12[%get3A_177, %get3A_178] {strides = array<i32>} : memref<64x768xf32, #tpu.memory_space<vmem>>, vector<1x16xf32>,
      %get3A_180 = vector.shape_cast %get3A_179 : vector<1x16xf32> to vector<16xf32>
      %mul3A_181 = arith.mulf %get3A_180, %get3A_45 : vector<16xf32>
      %get3A_182 = arith.index_cast %scan3A_42 : i32 to index
      %get3A_183 = arith.constant 128 : index
      %get3A_184 = tpu.vector_load %arg13[%get3A_182, %get3A_183] {strides = array<i32>} : memref<64x768xf32, #tpu.memory_space<vmem>>, vector<1x16xf32>,
      %get3A_185 = vector.shape_cast %get3A_184 : vector<1x16xf32> to vector<16xf32>
      %mul3A_186 = arith.mulf %get3A_185, %get3A_49 : vector<16xf32>
      %add3A_187 = arith.addf %mul3A_181, %mul3A_186 : vector<16xf32>
      %swap3A_188 = arith.index_cast %scan3A_42 : i32 to index
      %swap3A_189 = arith.constant 128 : index
      %swap3A_190 = tpu.vector_load %arg12[%swap3A_188, %swap3A_189] {strides = array<i32>} : memref<64x768xf32, #tpu.memory_space<vmem>>, vector<1x16xf32>,
      %swap3A_191 = vector.shape_cast %swap3A_190 : vector<1x16xf32> to vector<16xf32>
      %swap3A_192 = vector.shape_cast %add3A_187 : vector<16xf32> to vector<1x16xf32>
      tpu.vector_store %arg12[%swap3A_188, %swap3A_189], %swap3A_192 {strides = array<i32>} : memref<64x768xf32, #tpu.memory_space<vmem>>, vector<1x16xf32>,
      %get3A_193 = arith.index_cast %scan3A_42 : i32 to index
      %get3A_194 = arith.constant 144 : index
      %get3A_195 = tpu.vector_load %arg12[%get3A_193, %get3A_194] {strides = array<i32>} : memref<64x768xf32, #tpu.memory_space<vmem>>, vector<1x16xf32>,
      %get3A_196 = vector.shape_cast %get3A_195 : vector<1x16xf32> to vector<16xf32>
      %mul3A_197 = arith.mulf %get3A_196, %get3A_45 : vector<16xf32>
      %get3A_198 = arith.index_cast %scan3A_42 : i32 to index
      %get3A_199 = arith.constant 144 : index
      %get3A_200 = tpu.vector_load %arg13[%get3A_198, %get3A_199] {strides = array<i32>} : memref<64x768xf32, #tpu.memory_space<vmem>>, vector<1x16xf32>,
      %get3A_201 = vector.shape_cast %get3A_200 : vector<1x16xf32> to vector<16xf32>
      %mul3A_202 = arith.mulf %get3A_201, %get3A_49 : vector<16xf32>
      %add3A_203 = arith.addf %mul3A_197, %mul3A_202 : vector<16xf32>
      %swap3A_204 = arith.index_cast %scan3A_42 : i32 to index
      %swap3A_205 = arith.constant 144 : index
      %swap3A_206 = tpu.vector_load %arg12[%swap3A_204, %swap3A_205] {strides = array<i32>} : memref<64x768xf32, #tpu.memory_space<vmem>>, vector<1x16xf32>,
      %swap3A_207 = vector.shape_cast %swap3A_206 : vector<1x16xf32> to vector<16xf32>
      %swap3A_208 = vector.shape_cast %add3A_203 : vector<16xf32> to vector<1x16xf32>
      tpu.vector_store %arg12[%swap3A_204, %swap3A_205], %swap3A_208 {strides = array<i32>} : memref<64x768xf32, #tpu.memory_space<vmem>>, vector<1x16xf32>,
      %get3A_209 = arith.index_cast %scan3A_42 : i32 to index
      %get3A_210 = arith.constant 160 : index
      %get3A_211 = tpu.vector_load %arg12[%get3A_209, %get3A_210] {strides = array<i32>} : memref<64x768xf32, #tpu.memory_space<vmem>>, vector<1x16xf32>,
      %get3A_212 = vector.shape_cast %get3A_211 : vector<1x16xf32> to vector<16xf32>
      %mul3A_213 = arith.mulf %get3A_212, %get3A_45 : vector<16xf32>
      %get3A_214 = arith.index_cast %scan3A_42 : i32 to index
      %get3A_215 = arith.constant 160 : index
      %get3A_216 = tpu.vector_load %arg13[%get3A_214, %get3A_215] {strides = array<i32>} : memref<64x768xf32, #tpu.memory_space<vmem>>, vector<1x16xf32>,
      %get3A_217 = vector.shape_cast %get3A_216 : vector<1x16xf32> to vector<16xf32>
      %mul3A_218 = arith.mulf %get3A_217, %get3A_49 : vector<16xf32>
      %add3A_219 = arith.addf %mul3A_213, %mul3A_218 : vector<16xf32>
      %swap3A_220 = arith.index_cast %scan3A_42 : i32 to index
      %swap3A_221 = arith.constant 160 : index
      %swap3A_222 = tpu.vector_load %arg12[%swap3A_220, %swap3A_221] {strides = array<i32>} : memref<64x768xf32, #tpu.memory_space<vmem>>, vector<1x16xf32>,
      %swap3A_223 = vector.shape_cast %swap3A_222 : vector<1x16xf32> to vector<16xf32>
      %swap3A_224 = vector.shape_cast %add3A_219 : vector<16xf32> to vector<1x16xf32>
      tpu.vector_store %arg12[%swap3A_220, %swap3A_221], %swap3A_224 {strides = array<i32>} : memref<64x768xf32, #tpu.memory_space<vmem>>, vector<1x16xf32>,
      %get3A_225 = arith.index_cast %scan3A_42 : i32 to index
      %get3A_226 = arith.constant 176 : index
      %get3A_227 = tpu.vector_load %arg12[%get3A_225, %get3A_226] {strides = array<i32>} : memref<64x768xf32, #tpu.memory_space<vmem>>, vector<1x16xf32>,
      %get3A_228 = vector.shape_cast %get3A_227 : vector<1x16xf32> to vector<16xf32>
      %mul3A_229 = arith.mulf %get3A_228, %get3A_45 : vector<16xf32>
      %get3A_230 = arith.index_cast %scan3A_42 : i32 to index
      %get3A_231 = arith.constant 176 : index
      %get3A_232 = tpu.vector_load %arg13[%get3A_230, %get3A_231] {strides = array<i32>} : memref<64x768xf32, #tpu.memory_space<vmem>>, vector<1x16xf32>,
      %get3A_233 = vector.shape_cast %get3A_232 : vector<1x16xf32> to vector<16xf32>
      %mul3A_234 = arith.mulf %get3A_233, %get3A_49 : vector<16xf32>
      %add3A_235 = arith.addf %mul3A_229, %mul3A_234 : vector<16xf32>
      %swap3A_236 = arith.index_cast %scan3A_42 : i32 to index
      %swap3A_237 = arith.constant 176 : index
      %swap3A_238 = tpu.vector_load %arg12[%swap3A_236, %swap3A_237] {strides = array<i32>} : memref<64x768xf32, #tpu.memory_space<vmem>>, vector<1x16xf32>,
      %swap3A_239 = vector.shape_cast %swap3A_238 : vector<1x16xf32> to vector<16xf32>
      %swap3A_240 = vector.shape_cast %add3A_235 : vector<16xf32> to vector<1x16xf32>
      tpu.vector_store %arg12[%swap3A_236, %swap3A_237], %swap3A_240 {strides = array<i32>} : memref<64x768xf32, #tpu.memory_space<vmem>>, vector<1x16xf32>,
      %get3A_241 = arith.index_cast %scan3A_42 : i32 to index
      %get3A_242 = arith.constant 192 : index
      %get3A_243 = tpu.vector_load %arg12[%get3A_241, %get3A_242] {strides = array<i32>} : memref<64x768xf32, #tpu.memory_space<vmem>>, vector<1x16xf32>,
      %get3A_244 = vector.shape_cast %get3A_243 : vector<1x16xf32> to vector<16xf32>
      %mul3A_245 = arith.mulf %get3A_244, %get3A_45 : vector<16xf32>
      %get3A_246 = arith.index_cast %scan3A_42 : i32 to index
      %get3A_247 = arith.constant 192 : index
      %get3A_248 = tpu.vector_load %arg13[%get3A_246, %get3A_247] {strides = array<i32>} : memref<64x768xf32, #tpu.memory_space<vmem>>, vector<1x16xf32>,
      %get3A_249 = vector.shape_cast %get3A_248 : vector<1x16xf32> to vector<16xf32>
      %mul3A_250 = arith.mulf %get3A_249, %get3A_49 : vector<16xf32>
      %add3A_251 = arith.addf %mul3A_245, %mul3A_250 : vector<16xf32>
      %swap3A_252 = arith.index_cast %scan3A_42 : i32 to index
      %swap3A_253 = arith.constant 192 : index
      %swap3A_254 = tpu.vector_load %arg12[%swap3A_252, %swap3A_253] {strides = array<i32>} : memref<64x768xf32, #tpu.memory_space<vmem>>, vector<1x16xf32>,
      %swap3A_255 = vector.shape_cast %swap3A_254 : vector<1x16xf32> to vector<16xf32>
      %swap3A_256 = vector.shape_cast %add3A_251 : vector<16xf32> to vector<1x16xf32>
      tpu.vector_store %arg12[%swap3A_252, %swap3A_253], %swap3A_256 {strides = array<i32>} : memref<64x768xf32, #tpu.memory_space<vmem>>, vector<1x16xf32>,
      %get3A_257 = arith.index_cast %scan3A_42 : i32 to index
      %get3A_258 = arith.constant 208 : index
      %get3A_259 = tpu.vector_load %arg12[%get3A_257, %get3A_258] {strides = array<i32>} : memref<64x768xf32, #tpu.memory_space<vmem>>, vector<1x16xf32>,
      %get3A_260 = vector.shape_cast %get3A_259 : vector<1x16xf32> to vector<16xf32>
      %mul3A_261 = arith.mulf %get3A_260, %get3A_45 : vector<16xf32>
      %get3A_262 = arith.index_cast %scan3A_42 : i32 to index
      %get3A_263 = arith.constant 208 : index
      %get3A_264 = tpu.vector_load %arg13[%get3A_262, %get3A_263] {strides = array<i32>} : memref<64x768xf32, #tpu.memory_space<vmem>>, vector<1x16xf32>,
      %get3A_265 = vector.shape_cast %get3A_264 : vector<1x16xf32> to vector<16xf32>
      %mul3A_266 = arith.mulf %get3A_265, %get3A_49 : vector<16xf32>
      %add3A_267 = arith.addf %mul3A_261, %mul3A_266 : vector<16xf32>
      %swap3A_268 = arith.index_cast %scan3A_42 : i32 to index
      %swap3A_269 = arith.constant 208 : index
      %swap3A_270 = tpu.vector_load %arg12[%swap3A_268, %swap3A_269] {strides = array<i32>} : memref<64x768xf32, #tpu.memory_space<vmem>>, vector<1x16xf32>,
      %swap3A_271 = vector.shape_cast %swap3A_270 : vector<1x16xf32> to vector<16xf32>
      %swap3A_272 = vector.shape_cast %add3A_267 : vector<16xf32> to vector<1x16xf32>
      tpu.vector_store %arg12[%swap3A_268, %swap3A_269], %swap3A_272 {strides = array<i32>} : memref<64x768xf32, #tpu.memory_space<vmem>>, vector<1x16xf32>,
      %get3A_273 = arith.index_cast %scan3A_42 : i32 to index
      %get3A_274 = arith.constant 224 : index
      %get3A_275 = tpu.vector_load %arg12[%get3A_273, %get3A_274] {strides = array<i32>} : memref<64x768xf32, #tpu.memory_space<vmem>>, vector<1x16xf32>,
      %get3A_276 = vector.shape_cast %get3A_275 : vector<1x16xf32> to vector<16xf32>
      %mul3A_277 = arith.mulf %get3A_276, %get3A_45 : vector<16xf32>
      %get3A_278 = arith.index_cast %scan3A_42 : i32 to index
      %get3A_279 = arith.constant 224 : index
      %get3A_280 = tpu.vector_load %arg13[%get3A_278, %get3A_279] {strides = array<i32>} : memref<64x768xf32, #tpu.memory_space<vmem>>, vector<1x16xf32>,
      %get3A_281 = vector.shape_cast %get3A_280 : vector<1x16xf32> to vector<16xf32>
      %mul3A_282 = arith.mulf %get3A_281, %get3A_49 : vector<16xf32>
      %add3A_283 = arith.addf %mul3A_277, %mul3A_282 : vector<16xf32>
      %swap3A_284 = arith.index_cast %scan3A_42 : i32 to index
      %swap3A_285 = arith.constant 224 : index
      %swap3A_286 = tpu.vector_load %arg12[%swap3A_284, %swap3A_285] {strides = array<i32>} : memref<64x768xf32, #tpu.memory_space<vmem>>, vector<1x16xf32>,
      %swap3A_287 = vector.shape_cast %swap3A_286 : vector<1x16xf32> to vector<16xf32>
      %swap3A_288 = vector.shape_cast %add3A_283 : vector<16xf32> to vector<1x16xf32>
      tpu.vector_store %arg12[%swap3A_284, %swap3A_285], %swap3A_288 {strides = array<i32>} : memref<64x768xf32, #tpu.memory_space<vmem>>, vector<1x16xf32>,
      %get3A_289 = arith.index_cast %scan3A_42 : i32 to index
      %get3A_290 = arith.constant 240 : index
      %get3A_291 = tpu.vector_load %arg12[%get3A_289, %get3A_290] {strides = array<i32>} : memref<64x768xf32, #tpu.memory_space<vmem>>, vector<1x16xf32>,
      %get3A_292 = vector.shape_cast %get3A_291 : vector<1x16xf32> to vector<16xf32>
      %mul3A_293 = arith.mulf %get3A_292, %get3A_45 : vector<16xf32>
      %get3A_294 = arith.index_cast %scan3A_42 : i32 to index
      %get3A_295 = arith.constant 240 : index
      %get3A_296 = tpu.vector_load %arg13[%get3A_294, %get3A_295] {strides = array<i32>} : memref<64x768xf32, #tpu.memory_space<vmem>>, vector<1x16xf32>,
      %get3A_297 = vector.shape_cast %get3A_296 : vector<1x16xf32> to vector<16xf32>
      %mul3A_298 = arith.mulf %get3A_297, %get3A_49 : vector<16xf32>
      %add3A_299 = arith.addf %mul3A_293, %mul3A_298 : vector<16xf32>
      %swap3A_300 = arith.index_cast %scan3A_42 : i32 to index
      %swap3A_301 = arith.constant 240 : index
      %swap3A_302 = tpu.vector_load %arg12[%swap3A_300, %swap3A_301] {strides = array<i32>} : memref<64x768xf32, #tpu.memory_space<vmem>>, vector<1x16xf32>,
      %swap3A_303 = vector.shape_cast %swap3A_302 : vector<1x16xf32> to vector<16xf32>
      %swap3A_304 = vector.shape_cast %add3A_299 : vector<16xf32> to vector<1x16xf32>
      tpu.vector_store %arg12[%swap3A_300, %swap3A_301], %swap3A_304 {strides = array<i32>} : memref<64x768xf32, #tpu.memory_space<vmem>>, vector<1x16xf32>,
      %get3A_305 = arith.index_cast %scan3A_42 : i32 to index
      %get3A_306 = arith.constant 256 : index
      %get3A_307 = tpu.vector_load %arg12[%get3A_305, %get3A_306] {strides = array<i32>} : memref<64x768xf32, #tpu.memory_space<vmem>>, vector<1x16xf32>,
      %get3A_308 = vector.shape_cast %get3A_307 : vector<1x16xf32> to vector<16xf32>
      %mul3A_309 = arith.mulf %get3A_308, %get3A_45 : vector<16xf32>
      %get3A_310 = arith.index_cast %scan3A_42 : i32 to index
      %get3A_311 = arith.constant 256 : index
      %get3A_312 = tpu.vector_load %arg13[%get3A_310, %get3A_311] {strides = array<i32>} : memref<64x768xf32, #tpu.memory_space<vmem>>, vector<1x16xf32>,
      %get3A_313 = vector.shape_cast %get3A_312 : vector<1x16xf32> to vector<16xf32>
      %mul3A_314 = arith.mulf %get3A_313, %get3A_49 : vector<16xf32>
      %add3A_315 = arith.addf %mul3A_309, %mul3A_314 : vector<16xf32>
      %swap3A_316 = arith.index_cast %scan3A_42 : i32 to index
      %swap3A_317 = arith.constant 256 : index
      %swap3A_318 = tpu.vector_load %arg12[%swap3A_316, %swap3A_317] {strides = array<i32>} : memref<64x768xf32, #tpu.memory_space<vmem>>, vector<1x16xf32>,
      %swap3A_319 = vector.shape_cast %swap3A_318 : vector<1x16xf32> to vector<16xf32>
      %swap3A_320 = vector.shape_cast %add3A_315 : vector<16xf32> to vector<1x16xf32>
      tpu.vector_store %arg12[%swap3A_316, %swap3A_317], %swap3A_320 {strides = array<i32>} : memref<64x768xf32, #tpu.memory_space<vmem>>, vector<1x16xf32>,
      %get3A_321 = arith.index_cast %scan3A_42 : i32 to index
      %get3A_322 = arith.constant 272 : index
      %get3A_323 = tpu.vector_load %arg12[%get3A_321, %get3A_322] {strides = array<i32>} : memref<64x768xf32, #tpu.memory_space<vmem>>, vector<1x16xf32>,
      %get3A_324 = vector.shape_cast %get3A_323 : vector<1x16xf32> to vector<16xf32>
      %mul3A_325 = arith.mulf %get3A_324, %get3A_45 : vector<16xf32>
      %get3A_326 = arith.index_cast %scan3A_42 : i32 to index
      %get3A_327 = arith.constant 272 : index
      %get3A_328 = tpu.vector_load %arg13[%get3A_326, %get3A_327] {strides = array<i32>} : memref<64x768xf32, #tpu.memory_space<vmem>>, vector<1x16xf32>,
      %get3A_329 = vector.shape_cast %get3A_328 : vector<1x16xf32> to vector<16xf32>
      %mul3A_330 = arith.mulf %get3A_329, %get3A_49 : vector<16xf32>
      %add3A_331 = arith.addf %mul3A_325, %mul3A_330 : vector<16xf32>
      %swap3A_332 = arith.index_cast %scan3A_42 : i32 to index
      %swap3A_333 = arith.constant 272 : index
      %swap3A_334 = tpu.vector_load %arg12[%swap3A_332, %swap3A_333] {strides = array<i32>} : memref<64x768xf32, #tpu.memory_space<vmem>>, vector<1x16xf32>,
      %swap3A_335 = vector.shape_cast %swap3A_334 : vector<1x16xf32> to vector<16xf32>
      %swap3A_336 = vector.shape_cast %add3A_331 : vector<16xf32> to vector<1x16xf32>
      tpu.vector_store %arg12[%swap3A_332, %swap3A_333], %swap3A_336 {strides = array<i32>} : memref<64x768xf32, #tpu.memory_space<vmem>>, vector<1x16xf32>,
      %get3A_337 = arith.index_cast %scan3A_42 : i32 to index
      %get3A_338 = arith.constant 288 : index
      %get3A_339 = tpu.vector_load %arg12[%get3A_337, %get3A_338] {strides = array<i32>} : memref<64x768xf32, #tpu.memory_space<vmem>>, vector<1x16xf32>,
      %get3A_340 = vector.shape_cast %get3A_339 : vector<1x16xf32> to vector<16xf32>
      %mul3A_341 = arith.mulf %get3A_340, %get3A_45 : vector<16xf32>
      %get3A_342 = arith.index_cast %scan3A_42 : i32 to index
      %get3A_343 = arith.constant 288 : index
      %get3A_344 = tpu.vector_load %arg13[%get3A_342, %get3A_343] {strides = array<i32>} : memref<64x768xf32, #tpu.memory_space<vmem>>, vector<1x16xf32>,
      %get3A_345 = vector.shape_cast %get3A_344 : vector<1x16xf32> to vector<16xf32>
      %mul3A_346 = arith.mulf %get3A_345, %get3A_49 : vector<16xf32>
      %add3A_347 = arith.addf %mul3A_341, %mul3A_346 : vector<16xf32>
      %swap3A_348 = arith.index_cast %scan3A_42 : i32 to index
      %swap3A_349 = arith.constant 288 : index
      %swap3A_350 = tpu.vector_load %arg12[%swap3A_348, %swap3A_349] {strides = array<i32>} : memref<64x768xf32, #tpu.memory_space<vmem>>, vector<1x16xf32>,
      %swap3A_351 = vector.shape_cast %swap3A_350 : vector<1x16xf32> to vector<16xf32>
      %swap3A_352 = vector.shape_cast %add3A_347 : vector<16xf32> to vector<1x16xf32>
      tpu.vector_store %arg12[%swap3A_348, %swap3A_349], %swap3A_352 {strides = array<i32>} : memref<64x768xf32, #tpu.memory_space<vmem>>, vector<1x16xf32>,
      %get3A_353 = arith.index_cast %scan3A_42 : i32 to index
      %get3A_354 = arith.constant 304 : index
      %get3A_355 = tpu.vector_load %arg12[%get3A_353, %get3A_354] {strides = array<i32>} : memref<64x768xf32, #tpu.memory_space<vmem>>, vector<1x16xf32>,
      %get3A_356 = vector.shape_cast %get3A_355 : vector<1x16xf32> to vector<16xf32>
      %mul3A_357 = arith.mulf %get3A_356, %get3A_45 : vector<16xf32>
      %get3A_358 = arith.index_cast %scan3A_42 : i32 to index
      %get3A_359 = arith.constant 304 : index
      %get3A_360 = tpu.vector_load %arg13[%get3A_358, %get3A_359] {strides = array<i32>} : memref<64x768xf32, #tpu.memory_space<vmem>>, vector<1x16xf32>,
      %get3A_361 = vector.shape_cast %get3A_360 : vector<1x16xf32> to vector<16xf32>
      %mul3A_362 = arith.mulf %get3A_361, %get3A_49 : vector<16xf32>
      %add3A_363 = arith.addf %mul3A_357, %mul3A_362 : vector<16xf32>
      %swap3A_364 = arith.index_cast %scan3A_42 : i32 to index
      %swap3A_365 = arith.constant 304 : index
      %swap3A_366 = tpu.vector_load %arg12[%swap3A_364, %swap3A_365] {strides = array<i32>} : memref<64x768xf32, #tpu.memory_space<vmem>>, vector<1x16xf32>,
      %swap3A_367 = vector.shape_cast %swap3A_366 : vector<1x16xf32> to vector<16xf32>
      %swap3A_368 = vector.shape_cast %add3A_363 : vector<16xf32> to vector<1x16xf32>
      tpu.vector_store %arg12[%swap3A_364, %swap3A_365], %swap3A_368 {strides = array<i32>} : memref<64x768xf32, #tpu.memory_space<vmem>>, vector<1x16xf32>,
      %get3A_369 = arith.index_cast %scan3A_42 : i32 to index
      %get3A_370 = arith.constant 320 : index
      %get3A_371 = tpu.vector_load %arg12[%get3A_369, %get3A_370] {strides = array<i32>} : memref<64x768xf32, #tpu.memory_space<vmem>>, vector<1x16xf32>,
      %get3A_372 = vector.shape_cast %get3A_371 : vector<1x16xf32> to vector<16xf32>
      %mul3A_373 = arith.mulf %get3A_372, %get3A_45 : vector<16xf32>
      %get3A_374 = arith.index_cast %scan3A_42 : i32 to index
      %get3A_375 = arith.constant 320 : index
      %get3A_376 = tpu.vector_load %arg13[%get3A_374, %get3A_375] {strides = array<i32>} : memref<64x768xf32, #tpu.memory_space<vmem>>, vector<1x16xf32>,
      %get3A_377 = vector.shape_cast %get3A_376 : vector<1x16xf32> to vector<16xf32>
      %mul3A_378 = arith.mulf %get3A_377, %get3A_49 : vector<16xf32>
      %add3A_379 = arith.addf %mul3A_373, %mul3A_378 : vector<16xf32>
      %swap3A_380 = arith.index_cast %scan3A_42 : i32 to index
      %swap3A_381 = arith.constant 320 : index
      %swap3A_382 = tpu.vector_load %arg12[%swap3A_380, %swap3A_381] {strides = array<i32>} : memref<64x768xf32, #tpu.memory_space<vmem>>, vector<1x16xf32>,
      %swap3A_383 = vector.shape_cast %swap3A_382 : vector<1x16xf32> to vector<16xf32>
      %swap3A_384 = vector.shape_cast %add3A_379 : vector<16xf32> to vector<1x16xf32>
      tpu.vector_store %arg12[%swap3A_380, %swap3A_381], %swap3A_384 {strides = array<i32>} : memref<64x768xf32, #tpu.memory_space<vmem>>, vector<1x16xf32>,
      %get3A_385 = arith.index_cast %scan3A_42 : i32 to index
      %get3A_386 = arith.constant 336 : index
      %get3A_387 = tpu.vector_load %arg12[%get3A_385, %get3A_386] {strides = array<i32>} : memref<64x768xf32, #tpu.memory_space<vmem>>, vector<1x16xf32>,
      %get3A_388 = vector.shape_cast %get3A_387 : vector<1x16xf32> to vector<16xf32>
      %mul3A_389 = arith.mulf %get3A_388, %get3A_45 : vector<16xf32>
      %get3A_390 = arith.index_cast %scan3A_42 : i32 to index
      %get3A_391 = arith.constant 336 : index
      %get3A_392 = tpu.vector_load %arg13[%get3A_390, %get3A_391] {strides = array<i32>} : memref<64x768xf32, #tpu.memory_space<vmem>>, vector<1x16xf32>,
      %get3A_393 = vector.shape_cast %get3A_392 : vector<1x16xf32> to vector<16xf32>
      %mul3A_394 = arith.mulf %get3A_393, %get3A_49 : vector<16xf32>
      %add3A_395 = arith.addf %mul3A_389, %mul3A_394 : vector<16xf32>
      %swap3A_396 = arith.index_cast %scan3A_42 : i32 to index
      %swap3A_397 = arith.constant 336 : index
      %swap3A_398 = tpu.vector_load %arg12[%swap3A_396, %swap3A_397] {strides = array<i32>} : memref<64x768xf32, #tpu.memory_space<vmem>>, vector<1x16xf32>,
      %swap3A_399 = vector.shape_cast %swap3A_398 : vector<1x16xf32> to vector<16xf32>
      %swap3A_400 = vector.shape_cast %add3A_395 : vector<16xf32> to vector<1x16xf32>
      tpu.vector_store %arg12[%swap3A_396, %swap3A_397], %swap3A_400 {strides = array<i32>} : memref<64x768xf32, #tpu.memory_space<vmem>>, vector<1x16xf32>,
      %get3A_401 = arith.index_cast %scan3A_42 : i32 to index
      %get3A_402 = arith.constant 352 : index
      %get3A_403 = tpu.vector_load %arg12[%get3A_401, %get3A_402] {strides = array<i32>} : memref<64x768xf32, #tpu.memory_space<vmem>>, vector<1x16xf32>,
      %get3A_404 = vector.shape_cast %get3A_403 : vector<1x16xf32> to vector<16xf32>
      %mul3A_405 = arith.mulf %get3A_404, %get3A_45 : vector<16xf32>
      %get3A_406 = arith.index_cast %scan3A_42 : i32 to index
      %get3A_407 = arith.constant 352 : index
      %get3A_408 = tpu.vector_load %arg13[%get3A_406, %get3A_407] {strides = array<i32>} : memref<64x768xf32, #tpu.memory_space<vmem>>, vector<1x16xf32>,
      %get3A_409 = vector.shape_cast %get3A_408 : vector<1x16xf32> to vector<16xf32>
      %mul3A_410 = arith.mulf %get3A_409, %get3A_49 : vector<16xf32>
      %add3A_411 = arith.addf %mul3A_405, %mul3A_410 : vector<16xf32>
      %swap3A_412 = arith.index_cast %scan3A_42 : i32 to index
      %swap3A_413 = arith.constant 352 : index
      %swap3A_414 = tpu.vector_load %arg12[%swap3A_412, %swap3A_413] {strides = array<i32>} : memref<64x768xf32, #tpu.memory_space<vmem>>, vector<1x16xf32>,
      %swap3A_415 = vector.shape_cast %swap3A_414 : vector<1x16xf32> to vector<16xf32>
      %swap3A_416 = vector.shape_cast %add3A_411 : vector<16xf32> to vector<1x16xf32>
      tpu.vector_store %arg12[%swap3A_412, %swap3A_413], %swap3A_416 {strides = array<i32>} : memref<64x768xf32, #tpu.memory_space<vmem>>, vector<1x16xf32>,
      %get3A_417 = arith.index_cast %scan3A_42 : i32 to index
      %get3A_418 = arith.constant 368 : index
      %get3A_419 = tpu.vector_load %arg12[%get3A_417, %get3A_418] {strides = array<i32>} : memref<64x768xf32, #tpu.memory_space<vmem>>, vector<1x16xf32>,
      %get3A_420 = vector.shape_cast %get3A_419 : vector<1x16xf32> to vector<16xf32>
      %mul3A_421 = arith.mulf %get3A_420, %get3A_45 : vector<16xf32>
      %get3A_422 = arith.index_cast %scan3A_42 : i32 to index
      %get3A_423 = arith.constant 368 : index
      %get3A_424 = tpu.vector_load %arg13[%get3A_422, %get3A_423] {strides = array<i32>} : memref<64x768xf32, #tpu.memory_space<vmem>>, vector<1x16xf32>,
      %get3A_425 = vector.shape_cast %get3A_424 : vector<1x16xf32> to vector<16xf32>
      %mul3A_426 = arith.mulf %get3A_425, %get3A_49 : vector<16xf32>
      %add3A_427 = arith.addf %mul3A_421, %mul3A_426 : vector<16xf32>
      %swap3A_428 = arith.index_cast %scan3A_42 : i32 to index
      %swap3A_429 = arith.constant 368 : index
      %swap3A_430 = tpu.vector_load %arg12[%swap3A_428, %swap3A_429] {strides = array<i32>} : memref<64x768xf32, #tpu.memory_space<vmem>>, vector<1x16xf32>,
      %swap3A_431 = vector.shape_cast %swap3A_430 : vector<1x16xf32> to vector<16xf32>
      %swap3A_432 = vector.shape_cast %add3A_427 : vector<16xf32> to vector<1x16xf32>
      tpu.vector_store %arg12[%swap3A_428, %swap3A_429], %swap3A_432 {strides = array<i32>} : memref<64x768xf32, #tpu.memory_space<vmem>>, vector<1x16xf32>,
      %get3A_433 = arith.index_cast %scan3A_42 : i32 to index
      %get3A_434 = arith.constant 384 : index
      %get3A_435 = tpu.vector_load %arg12[%get3A_433, %get3A_434] {strides = array<i32>} : memref<64x768xf32, #tpu.memory_space<vmem>>, vector<1x16xf32>,
      %get3A_436 = vector.shape_cast %get3A_435 : vector<1x16xf32> to vector<16xf32>
      %mul3A_437 = arith.mulf %get3A_436, %get3A_45 : vector<16xf32>
      %get3A_438 = arith.index_cast %scan3A_42 : i32 to index
      %get3A_439 = arith.constant 384 : index
      %get3A_440 = tpu.vector_load %arg13[%get3A_438, %get3A_439] {strides = array<i32>} : memref<64x768xf32, #tpu.memory_space<vmem>>, vector<1x16xf32>,
      %get3A_441 = vector.shape_cast %get3A_440 : vector<1x16xf32> to vector<16xf32>
      %mul3A_442 = arith.mulf %get3A_441, %get3A_49 : vector<16xf32>
      %add3A_443 = arith.addf %mul3A_437, %mul3A_442 : vector<16xf32>
      %swap3A_444 = arith.index_cast %scan3A_42 : i32 to index
      %swap3A_445 = arith.constant 384 : index
      %swap3A_446 = tpu.vector_load %arg12[%swap3A_444, %swap3A_445] {strides = array<i32>} : memref<64x768xf32, #tpu.memory_space<vmem>>, vector<1x16xf32>,
      %swap3A_447 = vector.shape_cast %swap3A_446 : vector<1x16xf32> to vector<16xf32>
      %swap3A_448 = vector.shape_cast %add3A_443 : vector<16xf32> to vector<1x16xf32>
      tpu.vector_store %arg12[%swap3A_444, %swap3A_445], %swap3A_448 {strides = array<i32>} : memref<64x768xf32, #tpu.memory_space<vmem>>, vector<1x16xf32>,
      %get3A_449 = arith.index_cast %scan3A_42 : i32 to index
      %get3A_450 = arith.constant 400 : index
      %get3A_451 = tpu.vector_load %arg12[%get3A_449, %get3A_450] {strides = array<i32>} : memref<64x768xf32, #tpu.memory_space<vmem>>, vector<1x16xf32>,
      %get3A_452 = vector.shape_cast %get3A_451 : vector<1x16xf32> to vector<16xf32>
      %mul3A_453 = arith.mulf %get3A_452, %get3A_45 : vector<16xf32>
      %get3A_454 = arith.index_cast %scan3A_42 : i32 to index
      %get3A_455 = arith.constant 400 : index
      %get3A_456 = tpu.vector_load %arg13[%get3A_454, %get3A_455] {strides = array<i32>} : memref<64x768xf32, #tpu.memory_space<vmem>>, vector<1x16xf32>,
      %get3A_457 = vector.shape_cast %get3A_456 : vector<1x16xf32> to vector<16xf32>
      %mul3A_458 = arith.mulf %get3A_457, %get3A_49 : vector<16xf32>
      %add3A_459 = arith.addf %mul3A_453, %mul3A_458 : vector<16xf32>
      %swap3A_460 = arith.index_cast %scan3A_42 : i32 to index
      %swap3A_461 = arith.constant 400 : index
      %swap3A_462 = tpu.vector_load %arg12[%swap3A_460, %swap3A_461] {strides = array<i32>} : memref<64x768xf32, #tpu.memory_space<vmem>>, vector<1x16xf32>,
      %swap3A_463 = vector.shape_cast %swap3A_462 : vector<1x16xf32> to vector<16xf32>
      %swap3A_464 = vector.shape_cast %add3A_459 : vector<16xf32> to vector<1x16xf32>
      tpu.vector_store %arg12[%swap3A_460, %swap3A_461], %swap3A_464 {strides = array<i32>} : memref<64x768xf32, #tpu.memory_space<vmem>>, vector<1x16xf32>,
      %get3A_465 = arith.index_cast %scan3A_42 : i32 to index
      %get3A_466 = arith.constant 416 : index
      %get3A_467 = tpu.vector_load %arg12[%get3A_465, %get3A_466] {strides = array<i32>} : memref<64x768xf32, #tpu.memory_space<vmem>>, vector<1x16xf32>,
      %get3A_468 = vector.shape_cast %get3A_467 : vector<1x16xf32> to vector<16xf32>
      %mul3A_469 = arith.mulf %get3A_468, %get3A_45 : vector<16xf32>
      %get3A_470 = arith.index_cast %scan3A_42 : i32 to index
      %get3A_471 = arith.constant 416 : index
      %get3A_472 = tpu.vector_load %arg13[%get3A_470, %get3A_471] {strides = array<i32>} : memref<64x768xf32, #tpu.memory_space<vmem>>, vector<1x16xf32>,
      %get3A_473 = vector.shape_cast %get3A_472 : vector<1x16xf32> to vector<16xf32>
      %mul3A_474 = arith.mulf %get3A_473, %get3A_49 : vector<16xf32>
      %add3A_475 = arith.addf %mul3A_469, %mul3A_474 : vector<16xf32>
      %swap3A_476 = arith.index_cast %scan3A_42 : i32 to index
      %swap3A_477 = arith.constant 416 : index
      %swap3A_478 = tpu.vector_load %arg12[%swap3A_476, %swap3A_477] {strides = array<i32>} : memref<64x768xf32, #tpu.memory_space<vmem>>, vector<1x16xf32>,
      %swap3A_479 = vector.shape_cast %swap3A_478 : vector<1x16xf32> to vector<16xf32>
      %swap3A_480 = vector.shape_cast %add3A_475 : vector<16xf32> to vector<1x16xf32>
      tpu.vector_store %arg12[%swap3A_476, %swap3A_477], %swap3A_480 {strides = array<i32>} : memref<64x768xf32, #tpu.memory_space<vmem>>, vector<1x16xf32>,
      %get3A_481 = arith.index_cast %scan3A_42 : i32 to index
      %get3A_482 = arith.constant 432 : index
      %get3A_483 = tpu.vector_load %arg12[%get3A_481, %get3A_482] {strides = array<i32>} : memref<64x768xf32, #tpu.memory_space<vmem>>, vector<1x16xf32>,
      %get3A_484 = vector.shape_cast %get3A_483 : vector<1x16xf32> to vector<16xf32>
      %mul3A_485 = arith.mulf %get3A_484, %get3A_45 : vector<16xf32>
      %get3A_486 = arith.index_cast %scan3A_42 : i32 to index
      %get3A_487 = arith.constant 432 : index
      %get3A_488 = tpu.vector_load %arg13[%get3A_486, %get3A_487] {strides = array<i32>} : memref<64x768xf32, #tpu.memory_space<vmem>>, vector<1x16xf32>,
      %get3A_489 = vector.shape_cast %get3A_488 : vector<1x16xf32> to vector<16xf32>
      %mul3A_490 = arith.mulf %get3A_489, %get3A_49 : vector<16xf32>
      %add3A_491 = arith.addf %mul3A_485, %mul3A_490 : vector<16xf32>
      %swap3A_492 = arith.index_cast %scan3A_42 : i32 to index
      %swap3A_493 = arith.constant 432 : index
      %swap3A_494 = tpu.vector_load %arg12[%swap3A_492, %swap3A_493] {strides = array<i32>} : memref<64x768xf32, #tpu.memory_space<vmem>>, vector<1x16xf32>,
      %swap3A_495 = vector.shape_cast %swap3A_494 : vector<1x16xf32> to vector<16xf32>
      %swap3A_496 = vector.shape_cast %add3A_491 : vector<16xf32> to vector<1x16xf32>
      tpu.vector_store %arg12[%swap3A_492, %swap3A_493], %swap3A_496 {strides = array<i32>} : memref<64x768xf32, #tpu.memory_space<vmem>>, vector<1x16xf32>,
      %get3A_497 = arith.index_cast %scan3A_42 : i32 to index
      %get3A_498 = arith.constant 448 : index
      %get3A_499 = tpu.vector_load %arg12[%get3A_497, %get3A_498] {strides = array<i32>} : memref<64x768xf32, #tpu.memory_space<vmem>>, vector<1x16xf32>,
      %get3A_500 = vector.shape_cast %get3A_499 : vector<1x16xf32> to vector<16xf32>
      %mul3A_501 = arith.mulf %get3A_500, %get3A_45 : vector<16xf32>
      %get3A_502 = arith.index_cast %scan3A_42 : i32 to index
      %get3A_503 = arith.constant 448 : index
      %get3A_504 = tpu.vector_load %arg13[%get3A_502, %get3A_503] {strides = array<i32>} : memref<64x768xf32, #tpu.memory_space<vmem>>, vector<1x16xf32>,
      %get3A_505 = vector.shape_cast %get3A_504 : vector<1x16xf32> to vector<16xf32>
      %mul3A_506 = arith.mulf %get3A_505, %get3A_49 : vector<16xf32>
      %add3A_507 = arith.addf %mul3A_501, %mul3A_506 : vector<16xf32>
      %swap3A_508 = arith.index_cast %scan3A_42 : i32 to index
      %swap3A_509 = arith.constant 448 : index
      %swap3A_510 = tpu.vector_load %arg12[%swap3A_508, %swap3A_509] {strides = array<i32>} : memref<64x768xf32, #tpu.memory_space<vmem>>, vector<1x16xf32>,
      %swap3A_511 = vector.shape_cast %swap3A_510 : vector<1x16xf32> to vector<16xf32>
      %swap3A_512 = vector.shape_cast %add3A_507 : vector<16xf32> to vector<1x16xf32>
      tpu.vector_store %arg12[%swap3A_508, %swap3A_509], %swap3A_512 {strides = array<i32>} : memref<64x768xf32, #tpu.memory_space<vmem>>, vector<1x16xf32>,
      %get3A_513 = arith.index_cast %scan3A_42 : i32 to index
      %get3A_514 = arith.constant 464 : index
      %get3A_515 = tpu.vector_load %arg12[%get3A_513, %get3A_514] {strides = array<i32>} : memref<64x768xf32, #tpu.memory_space<vmem>>, vector<1x16xf32>,
      %get3A_516 = vector.shape_cast %get3A_515 : vector<1x16xf32> to vector<16xf32>
      %mul3A_517 = arith.mulf %get3A_516, %get3A_45 : vector<16xf32>
      %get3A_518 = arith.index_cast %scan3A_42 : i32 to index
      %get3A_519 = arith.constant 464 : index
      %get3A_520 = tpu.vector_load %arg13[%get3A_518, %get3A_519] {strides = array<i32>} : memref<64x768xf32, #tpu.memory_space<vmem>>, vector<1x16xf32>,
      %get3A_521 = vector.shape_cast %get3A_520 : vector<1x16xf32> to vector<16xf32>
      %mul3A_522 = arith.mulf %get3A_521, %get3A_49 : vector<16xf32>
      %add3A_523 = arith.addf %mul3A_517, %mul3A_522 : vector<16xf32>
      %swap3A_524 = arith.index_cast %scan3A_42 : i32 to index
      %swap3A_525 = arith.constant 464 : index
      %swap3A_526 = tpu.vector_load %arg12[%swap3A_524, %swap3A_525] {strides = array<i32>} : memref<64x768xf32, #tpu.memory_space<vmem>>, vector<1x16xf32>,
      %swap3A_527 = vector.shape_cast %swap3A_526 : vector<1x16xf32> to vector<16xf32>
      %swap3A_528 = vector.shape_cast %add3A_523 : vector<16xf32> to vector<1x16xf32>
      tpu.vector_store %arg12[%swap3A_524, %swap3A_525], %swap3A_528 {strides = array<i32>} : memref<64x768xf32, #tpu.memory_space<vmem>>, vector<1x16xf32>,
      %get3A_529 = arith.index_cast %scan3A_42 : i32 to index
      %get3A_530 = arith.constant 480 : index
      %get3A_531 = tpu.vector_load %arg12[%get3A_529, %get3A_530] {strides = array<i32>} : memref<64x768xf32, #tpu.memory_space<vmem>>, vector<1x16xf32>,
      %get3A_532 = vector.shape_cast %get3A_531 : vector<1x16xf32> to vector<16xf32>
      %mul3A_533 = arith.mulf %get3A_532, %get3A_45 : vector<16xf32>
      %get3A_534 = arith.index_cast %scan3A_42 : i32 to index
      %get3A_535 = arith.constant 480 : index
      %get3A_536 = tpu.vector_load %arg13[%get3A_534, %get3A_535] {strides = array<i32>} : memref<64x768xf32, #tpu.memory_space<vmem>>, vector<1x16xf32>,
      %get3A_537 = vector.shape_cast %get3A_536 : vector<1x16xf32> to vector<16xf32>
      %mul3A_538 = arith.mulf %get3A_537, %get3A_49 : vector<16xf32>
      %add3A_539 = arith.addf %mul3A_533, %mul3A_538 : vector<16xf32>
      %swap3A_540 = arith.index_cast %scan3A_42 : i32 to index
      %swap3A_541 = arith.constant 480 : index
      %swap3A_542 = tpu.vector_load %arg12[%swap3A_540, %swap3A_541] {strides = array<i32>} : memref<64x768xf32, #tpu.memory_space<vmem>>, vector<1x16xf32>,
      %swap3A_543 = vector.shape_cast %swap3A_542 : vector<1x16xf32> to vector<16xf32>
      %swap3A_544 = vector.shape_cast %add3A_539 : vector<16xf32> to vector<1x16xf32>
      tpu.vector_store %arg12[%swap3A_540, %swap3A_541], %swap3A_544 {strides = array<i32>} : memref<64x768xf32, #tpu.memory_space<vmem>>, vector<1x16xf32>,
      %get3A_545 = arith.index_cast %scan3A_42 : i32 to index
      %get3A_546 = arith.constant 496 : index
      %get3A_547 = tpu.vector_load %arg12[%get3A_545, %get3A_546] {strides = array<i32>} : memref<64x768xf32, #tpu.memory_space<vmem>>, vector<1x16xf32>,
      %get3A_548 = vector.shape_cast %get3A_547 : vector<1x16xf32> to vector<16xf32>
      %mul3A_549 = arith.mulf %get3A_548, %get3A_45 : vector<16xf32>
      %get3A_550 = arith.index_cast %scan3A_42 : i32 to index
      %get3A_551 = arith.constant 496 : index
      %get3A_552 = tpu.vector_load %arg13[%get3A_550, %get3A_551] {strides = array<i32>} : memref<64x768xf32, #tpu.memory_space<vmem>>, vector<1x16xf32>,
      %get3A_553 = vector.shape_cast %get3A_552 : vector<1x16xf32> to vector<16xf32>
      %mul3A_554 = arith.mulf %get3A_553, %get3A_49 : vector<16xf32>
      %add3A_555 = arith.addf %mul3A_549, %mul3A_554 : vector<16xf32>
      %swap3A_556 = arith.index_cast %scan3A_42 : i32 to index
      %swap3A_557 = arith.constant 496 : index
      %swap3A_558 = tpu.vector_load %arg12[%swap3A_556, %swap3A_557] {strides = array<i32>} : memref<64x768xf32, #tpu.memory_space<vmem>>, vector<1x16xf32>,
      %swap3A_559 = vector.shape_cast %swap3A_558 : vector<1x16xf32> to vector<16xf32>
      %swap3A_560 = vector.shape_cast %add3A_555 : vector<16xf32> to vector<1x16xf32>
      tpu.vector_store %arg12[%swap3A_556, %swap3A_557], %swap3A_560 {strides = array<i32>} : memref<64x768xf32, #tpu.memory_space<vmem>>, vector<1x16xf32>,
      %get3A_561 = arith.index_cast %scan3A_42 : i32 to index
      %get3A_562 = arith.constant 512 : index
      %get3A_563 = tpu.vector_load %arg12[%get3A_561, %get3A_562] {strides = array<i32>} : memref<64x768xf32, #tpu.memory_space<vmem>>, vector<1x16xf32>,
      %get3A_564 = vector.shape_cast %get3A_563 : vector<1x16xf32> to vector<16xf32>
      %mul3A_565 = arith.mulf %get3A_564, %get3A_45 : vector<16xf32>
      %get3A_566 = arith.index_cast %scan3A_42 : i32 to index
      %get3A_567 = arith.constant 512 : index
      %get3A_568 = tpu.vector_load %arg13[%get3A_566, %get3A_567] {strides = array<i32>} : memref<64x768xf32, #tpu.memory_space<vmem>>, vector<1x16xf32>,
      %get3A_569 = vector.shape_cast %get3A_568 : vector<1x16xf32> to vector<16xf32>
      %mul3A_570 = arith.mulf %get3A_569, %get3A_49 : vector<16xf32>
      %add3A_571 = arith.addf %mul3A_565, %mul3A_570 : vector<16xf32>
      %swap3A_572 = arith.index_cast %scan3A_42 : i32 to index
      %swap3A_573 = arith.constant 512 : index
      %swap3A_574 = tpu.vector_load %arg12[%swap3A_572, %swap3A_573] {strides = array<i32>} : memref<64x768xf32, #tpu.memory_space<vmem>>, vector<1x16xf32>,
      %swap3A_575 = vector.shape_cast %swap3A_574 : vector<1x16xf32> to vector<16xf32>
      %swap3A_576 = vector.shape_cast %add3A_571 : vector<16xf32> to vector<1x16xf32>
      tpu.vector_store %arg12[%swap3A_572, %swap3A_573], %swap3A_576 {strides = array<i32>} : memref<64x768xf32, #tpu.memory_space<vmem>>, vector<1x16xf32>,
      %get3A_577 = arith.index_cast %scan3A_42 : i32 to index
      %get3A_578 = arith.constant 528 : index
      %get3A_579 = tpu.vector_load %arg12[%get3A_577, %get3A_578] {strides = array<i32>} : memref<64x768xf32, #tpu.memory_space<vmem>>, vector<1x16xf32>,
      %get3A_580 = vector.shape_cast %get3A_579 : vector<1x16xf32> to vector<16xf32>
      %mul3A_581 = arith.mulf %get3A_580, %get3A_45 : vector<16xf32>
      %get3A_582 = arith.index_cast %scan3A_42 : i32 to index
      %get3A_583 = arith.constant 528 : index
      %get3A_584 = tpu.vector_load %arg13[%get3A_582, %get3A_583] {strides = array<i32>} : memref<64x768xf32, #tpu.memory_space<vmem>>, vector<1x16xf32>,
      %get3A_585 = vector.shape_cast %get3A_584 : vector<1x16xf32> to vector<16xf32>
      %mul3A_586 = arith.mulf %get3A_585, %get3A_49 : vector<16xf32>
      %add3A_587 = arith.addf %mul3A_581, %mul3A_586 : vector<16xf32>
      %swap3A_588 = arith.index_cast %scan3A_42 : i32 to index
      %swap3A_589 = arith.constant 528 : index
      %swap3A_590 = tpu.vector_load %arg12[%swap3A_588, %swap3A_589] {strides = array<i32>} : memref<64x768xf32, #tpu.memory_space<vmem>>, vector<1x16xf32>,
      %swap3A_591 = vector.shape_cast %swap3A_590 : vector<1x16xf32> to vector<16xf32>
      %swap3A_592 = vector.shape_cast %add3A_587 : vector<16xf32> to vector<1x16xf32>
      tpu.vector_store %arg12[%swap3A_588, %swap3A_589], %swap3A_592 {strides = array<i32>} : memref<64x768xf32, #tpu.memory_space<vmem>>, vector<1x16xf32>,
      %get3A_593 = arith.index_cast %scan3A_42 : i32 to index
      %get3A_594 = arith.constant 544 : index
      %get3A_595 = tpu.vector_load %arg12[%get3A_593, %get3A_594] {strides = array<i32>} : memref<64x768xf32, #tpu.memory_space<vmem>>, vector<1x16xf32>,
      %get3A_596 = vector.shape_cast %get3A_595 : vector<1x16xf32> to vector<16xf32>
      %mul3A_597 = arith.mulf %get3A_596, %get3A_45 : vector<16xf32>
      %get3A_598 = arith.index_cast %scan3A_42 : i32 to index
      %get3A_599 = arith.constant 544 : index
      %get3A_600 = tpu.vector_load %arg13[%get3A_598, %get3A_599] {strides = array<i32>} : memref<64x768xf32, #tpu.memory_space<vmem>>, vector<1x16xf32>,
      %get3A_601 = vector.shape_cast %get3A_600 : vector<1x16xf32> to vector<16xf32>
      %mul3A_602 = arith.mulf %get3A_601, %get3A_49 : vector<16xf32>
      %add3A_603 = arith.addf %mul3A_597, %mul3A_602 : vector<16xf32>
      %swap3A_604 = arith.index_cast %scan3A_42 : i32 to index
      %swap3A_605 = arith.constant 544 : index
      %swap3A_606 = tpu.vector_load %arg12[%swap3A_604, %swap3A_605] {strides = array<i32>} : memref<64x768xf32, #tpu.memory_space<vmem>>, vector<1x16xf32>,
      %swap3A_607 = vector.shape_cast %swap3A_606 : vector<1x16xf32> to vector<16xf32>
      %swap3A_608 = vector.shape_cast %add3A_603 : vector<16xf32> to vector<1x16xf32>
      tpu.vector_store %arg12[%swap3A_604, %swap3A_605], %swap3A_608 {strides = array<i32>} : memref<64x768xf32, #tpu.memory_space<vmem>>, vector<1x16xf32>,
      %get3A_609 = arith.index_cast %scan3A_42 : i32 to index
      %get3A_610 = arith.constant 560 : index
      %get3A_611 = tpu.vector_load %arg12[%get3A_609, %get3A_610] {strides = array<i32>} : memref<64x768xf32, #tpu.memory_space<vmem>>, vector<1x16xf32>,
      %get3A_612 = vector.shape_cast %get3A_611 : vector<1x16xf32> to vector<16xf32>
      %mul3A_613 = arith.mulf %get3A_612, %get3A_45 : vector<16xf32>
      %get3A_614 = arith.index_cast %scan3A_42 : i32 to index
      %get3A_615 = arith.constant 560 : index
      %get3A_616 = tpu.vector_load %arg13[%get3A_614, %get3A_615] {strides = array<i32>} : memref<64x768xf32, #tpu.memory_space<vmem>>, vector<1x16xf32>,
      %get3A_617 = vector.shape_cast %get3A_616 : vector<1x16xf32> to vector<16xf32>
      %mul3A_618 = arith.mulf %get3A_617, %get3A_49 : vector<16xf32>
      %add3A_619 = arith.addf %mul3A_613, %mul3A_618 : vector<16xf32>
      %swap3A_620 = arith.index_cast %scan3A_42 : i32 to index
      %swap3A_621 = arith.constant 560 : index
      %swap3A_622 = tpu.vector_load %arg12[%swap3A_620, %swap3A_621] {strides = array<i32>} : memref<64x768xf32, #tpu.memory_space<vmem>>, vector<1x16xf32>,
      %swap3A_623 = vector.shape_cast %swap3A_622 : vector<1x16xf32> to vector<16xf32>
      %swap3A_624 = vector.shape_cast %add3A_619 : vector<16xf32> to vector<1x16xf32>
      tpu.vector_store %arg12[%swap3A_620, %swap3A_621], %swap3A_624 {strides = array<i32>} : memref<64x768xf32, #tpu.memory_space<vmem>>, vector<1x16xf32>,
      %get3A_625 = arith.index_cast %scan3A_42 : i32 to index
      %get3A_626 = arith.constant 576 : index
      %get3A_627 = tpu.vector_load %arg12[%get3A_625, %get3A_626] {strides = array<i32>} : memref<64x768xf32, #tpu.memory_space<vmem>>, vector<1x16xf32>,
      %get3A_628 = vector.shape_cast %get3A_627 : vector<1x16xf32> to vector<16xf32>
      %mul3A_629 = arith.mulf %get3A_628, %get3A_45 : vector<16xf32>
      %get3A_630 = arith.index_cast %scan3A_42 : i32 to index
      %get3A_631 = arith.constant 576 : index
      %get3A_632 = tpu.vector_load %arg13[%get3A_630, %get3A_631] {strides = array<i32>} : memref<64x768xf32, #tpu.memory_space<vmem>>, vector<1x16xf32>,
      %get3A_633 = vector.shape_cast %get3A_632 : vector<1x16xf32> to vector<16xf32>
      %mul3A_634 = arith.mulf %get3A_633, %get3A_49 : vector<16xf32>
      %add3A_635 = arith.addf %mul3A_629, %mul3A_634 : vector<16xf32>
      %swap3A_636 = arith.index_cast %scan3A_42 : i32 to index
      %swap3A_637 = arith.constant 576 : index
      %swap3A_638 = tpu.vector_load %arg12[%swap3A_636, %swap3A_637] {strides = array<i32>} : memref<64x768xf32, #tpu.memory_space<vmem>>, vector<1x16xf32>,
      %swap3A_639 = vector.shape_cast %swap3A_638 : vector<1x16xf32> to vector<16xf32>
      %swap3A_640 = vector.shape_cast %add3A_635 : vector<16xf32> to vector<1x16xf32>
      tpu.vector_store %arg12[%swap3A_636, %swap3A_637], %swap3A_640 {strides = array<i32>} : memref<64x768xf32, #tpu.memory_space<vmem>>, vector<1x16xf32>,
      %get3A_641 = arith.index_cast %scan3A_42 : i32 to index
      %get3A_642 = arith.constant 592 : index
      %get3A_643 = tpu.vector_load %arg12[%get3A_641, %get3A_642] {strides = array<i32>} : memref<64x768xf32, #tpu.memory_space<vmem>>, vector<1x16xf32>,
      %get3A_644 = vector.shape_cast %get3A_643 : vector<1x16xf32> to vector<16xf32>
      %mul3A_645 = arith.mulf %get3A_644, %get3A_45 : vector<16xf32>
      %get3A_646 = arith.index_cast %scan3A_42 : i32 to index
      %get3A_647 = arith.constant 592 : index
      %get3A_648 = tpu.vector_load %arg13[%get3A_646, %get3A_647] {strides = array<i32>} : memref<64x768xf32, #tpu.memory_space<vmem>>, vector<1x16xf32>,
      %get3A_649 = vector.shape_cast %get3A_648 : vector<1x16xf32> to vector<16xf32>
      %mul3A_650 = arith.mulf %get3A_649, %get3A_49 : vector<16xf32>
      %add3A_651 = arith.addf %mul3A_645, %mul3A_650 : vector<16xf32>
      %swap3A_652 = arith.index_cast %scan3A_42 : i32 to index
      %swap3A_653 = arith.constant 592 : index
      %swap3A_654 = tpu.vector_load %arg12[%swap3A_652, %swap3A_653] {strides = array<i32>} : memref<64x768xf32, #tpu.memory_space<vmem>>, vector<1x16xf32>,
      %swap3A_655 = vector.shape_cast %swap3A_654 : vector<1x16xf32> to vector<16xf32>
      %swap3A_656 = vector.shape_cast %add3A_651 : vector<16xf32> to vector<1x16xf32>
      tpu.vector_store %arg12[%swap3A_652, %swap3A_653], %swap3A_656 {strides = array<i32>} : memref<64x768xf32, #tpu.memory_space<vmem>>, vector<1x16xf32>,
      %get3A_657 = arith.index_cast %scan3A_42 : i32 to index
      %get3A_658 = arith.constant 608 : index
      %get3A_659 = tpu.vector_load %arg12[%get3A_657, %get3A_658] {strides = array<i32>} : memref<64x768xf32, #tpu.memory_space<vmem>>, vector<1x16xf32>,
      %get3A_660 = vector.shape_cast %get3A_659 : vector<1x16xf32> to vector<16xf32>
      %mul3A_661 = arith.mulf %get3A_660, %get3A_45 : vector<16xf32>
      %get3A_662 = arith.index_cast %scan3A_42 : i32 to index
      %get3A_663 = arith.constant 608 : index
      %get3A_664 = tpu.vector_load %arg13[%get3A_662, %get3A_663] {strides = array<i32>} : memref<64x768xf32, #tpu.memory_space<vmem>>, vector<1x16xf32>,
      %get3A_665 = vector.shape_cast %get3A_664 : vector<1x16xf32> to vector<16xf32>
      %mul3A_666 = arith.mulf %get3A_665, %get3A_49 : vector<16xf32>
      %add3A_667 = arith.addf %mul3A_661, %mul3A_666 : vector<16xf32>
      %swap3A_668 = arith.index_cast %scan3A_42 : i32 to index
      %swap3A_669 = arith.constant 608 : index
      %swap3A_670 = tpu.vector_load %arg12[%swap3A_668, %swap3A_669] {strides = array<i32>} : memref<64x768xf32, #tpu.memory_space<vmem>>, vector<1x16xf32>,
      %swap3A_671 = vector.shape_cast %swap3A_670 : vector<1x16xf32> to vector<16xf32>
      %swap3A_672 = vector.shape_cast %add3A_667 : vector<16xf32> to vector<1x16xf32>
      tpu.vector_store %arg12[%swap3A_668, %swap3A_669], %swap3A_672 {strides = array<i32>} : memref<64x768xf32, #tpu.memory_space<vmem>>, vector<1x16xf32>,
      %get3A_673 = arith.index_cast %scan3A_42 : i32 to index
      %get3A_674 = arith.constant 624 : index
      %get3A_675 = tpu.vector_load %arg12[%get3A_673, %get3A_674] {strides = array<i32>} : memref<64x768xf32, #tpu.memory_space<vmem>>, vector<1x16xf32>,
      %get3A_676 = vector.shape_cast %get3A_675 : vector<1x16xf32> to vector<16xf32>
      %mul3A_677 = arith.mulf %get3A_676, %get3A_45 : vector<16xf32>
      %get3A_678 = arith.index_cast %scan3A_42 : i32 to index
      %get3A_679 = arith.constant 624 : index
      %get3A_680 = tpu.vector_load %arg13[%get3A_678, %get3A_679] {strides = array<i32>} : memref<64x768xf32, #tpu.memory_space<vmem>>, vector<1x16xf32>,
      %get3A_681 = vector.shape_cast %get3A_680 : vector<1x16xf32> to vector<16xf32>
      %mul3A_682 = arith.mulf %get3A_681, %get3A_49 : vector<16xf32>
      %add3A_683 = arith.addf %mul3A_677, %mul3A_682 : vector<16xf32>
      %swap3A_684 = arith.index_cast %scan3A_42 : i32 to index
      %swap3A_685 = arith.constant 624 : index
      %swap3A_686 = tpu.vector_load %arg12[%swap3A_684, %swap3A_685] {strides = array<i32>} : memref<64x768xf32, #tpu.memory_space<vmem>>, vector<1x16xf32>,
      %swap3A_687 = vector.shape_cast %swap3A_686 : vector<1x16xf32> to vector<16xf32>
      %swap3A_688 = vector.shape_cast %add3A_683 : vector<16xf32> to vector<1x16xf32>
      tpu.vector_store %arg12[%swap3A_684, %swap3A_685], %swap3A_688 {strides = array<i32>} : memref<64x768xf32, #tpu.memory_space<vmem>>, vector<1x16xf32>,
      %get3A_689 = arith.index_cast %scan3A_42 : i32 to index
      %get3A_690 = arith.constant 640 : index
      %get3A_691 = tpu.vector_load %arg12[%get3A_689, %get3A_690] {strides = array<i32>} : memref<64x768xf32, #tpu.memory_space<vmem>>, vector<1x16xf32>,
      %get3A_692 = vector.shape_cast %get3A_691 : vector<1x16xf32> to vector<16xf32>
      %mul3A_693 = arith.mulf %get3A_692, %get3A_45 : vector<16xf32>
      %get3A_694 = arith.index_cast %scan3A_42 : i32 to index
      %get3A_695 = arith.constant 640 : index
      %get3A_696 = tpu.vector_load %arg13[%get3A_694, %get3A_695] {strides = array<i32>} : memref<64x768xf32, #tpu.memory_space<vmem>>, vector<1x16xf32>,
      %get3A_697 = vector.shape_cast %get3A_696 : vector<1x16xf32> to vector<16xf32>
      %mul3A_698 = arith.mulf %get3A_697, %get3A_49 : vector<16xf32>
      %add3A_699 = arith.addf %mul3A_693, %mul3A_698 : vector<16xf32>
      %swap3A_700 = arith.index_cast %scan3A_42 : i32 to index
      %swap3A_701 = arith.constant 640 : index
      %swap3A_702 = tpu.vector_load %arg12[%swap3A_700, %swap3A_701] {strides = array<i32>} : memref<64x768xf32, #tpu.memory_space<vmem>>, vector<1x16xf32>,
      %swap3A_703 = vector.shape_cast %swap3A_702 : vector<1x16xf32> to vector<16xf32>
      %swap3A_704 = vector.shape_cast %add3A_699 : vector<16xf32> to vector<1x16xf32>
      tpu.vector_store %arg12[%swap3A_700, %swap3A_701], %swap3A_704 {strides = array<i32>} : memref<64x768xf32, #tpu.memory_space<vmem>>, vector<1x16xf32>,
      %get3A_705 = arith.index_cast %scan3A_42 : i32 to index
      %get3A_706 = arith.constant 656 : index
      %get3A_707 = tpu.vector_load %arg12[%get3A_705, %get3A_706] {strides = array<i32>} : memref<64x768xf32, #tpu.memory_space<vmem>>, vector<1x16xf32>,
      %get3A_708 = vector.shape_cast %get3A_707 : vector<1x16xf32> to vector<16xf32>
      %mul3A_709 = arith.mulf %get3A_708, %get3A_45 : vector<16xf32>
      %get3A_710 = arith.index_cast %scan3A_42 : i32 to index
      %get3A_711 = arith.constant 656 : index
      %get3A_712 = tpu.vector_load %arg13[%get3A_710, %get3A_711] {strides = array<i32>} : memref<64x768xf32, #tpu.memory_space<vmem>>, vector<1x16xf32>,
      %get3A_713 = vector.shape_cast %get3A_712 : vector<1x16xf32> to vector<16xf32>
      %mul3A_714 = arith.mulf %get3A_713, %get3A_49 : vector<16xf32>
      %add3A_715 = arith.addf %mul3A_709, %mul3A_714 : vector<16xf32>
      %swap3A_716 = arith.index_cast %scan3A_42 : i32 to index
      %swap3A_717 = arith.constant 656 : index
      %swap3A_718 = tpu.vector_load %arg12[%swap3A_716, %swap3A_717] {strides = array<i32>} : memref<64x768xf32, #tpu.memory_space<vmem>>, vector<1x16xf32>,
      %swap3A_719 = vector.shape_cast %swap3A_718 : vector<1x16xf32> to vector<16xf32>
      %swap3A_720 = vector.shape_cast %add3A_715 : vector<16xf32> to vector<1x16xf32>
      tpu.vector_store %arg12[%swap3A_716, %swap3A_717], %swap3A_720 {strides = array<i32>} : memref<64x768xf32, #tpu.memory_space<vmem>>, vector<1x16xf32>,
      %get3A_721 = arith.index_cast %scan3A_42 : i32 to index
      %get3A_722 = arith.constant 672 : index
      %get3A_723 = tpu.vector_load %arg12[%get3A_721, %get3A_722] {strides = array<i32>} : memref<64x768xf32, #tpu.memory_space<vmem>>, vector<1x16xf32>,
      %get3A_724 = vector.shape_cast %get3A_723 : vector<1x16xf32> to vector<16xf32>
      %mul3A_725 = arith.mulf %get3A_724, %get3A_45 : vector<16xf32>
      %get3A_726 = arith.index_cast %scan3A_42 : i32 to index
      %get3A_727 = arith.constant 672 : index
      %get3A_728 = tpu.vector_load %arg13[%get3A_726, %get3A_727] {strides = array<i32>} : memref<64x768xf32, #tpu.memory_space<vmem>>, vector<1x16xf32>,
      %get3A_729 = vector.shape_cast %get3A_728 : vector<1x16xf32> to vector<16xf32>
      %mul3A_730 = arith.mulf %get3A_729, %get3A_49 : vector<16xf32>
      %add3A_731 = arith.addf %mul3A_725, %mul3A_730 : vector<16xf32>
      %swap3A_732 = arith.index_cast %scan3A_42 : i32 to index
      %swap3A_733 = arith.constant 672 : index
      %swap3A_734 = tpu.vector_load %arg12[%swap3A_732, %swap3A_733] {strides = array<i32>} : memref<64x768xf32, #tpu.memory_space<vmem>>, vector<1x16xf32>,
      %swap3A_735 = vector.shape_cast %swap3A_734 : vector<1x16xf32> to vector<16xf32>
      %swap3A_736 = vector.shape_cast %add3A_731 : vector<16xf32> to vector<1x16xf32>
      tpu.vector_store %arg12[%swap3A_732, %swap3A_733], %swap3A_736 {strides = array<i32>} : memref<64x768xf32, #tpu.memory_space<vmem>>, vector<1x16xf32>,
      %get3A_737 = arith.index_cast %scan3A_42 : i32 to index
      %get3A_738 = arith.constant 688 : index
      %get3A_739 = tpu.vector_load %arg12[%get3A_737, %get3A_738] {strides = array<i32>} : memref<64x768xf32, #tpu.memory_space<vmem>>, vector<1x16xf32>,
      %get3A_740 = vector.shape_cast %get3A_739 : vector<1x16xf32> to vector<16xf32>
      %mul3A_741 = arith.mulf %get3A_740, %get3A_45 : vector<16xf32>
      %get3A_742 = arith.index_cast %scan3A_42 : i32 to index
      %get3A_743 = arith.constant 688 : index
      %get3A_744 = tpu.vector_load %arg13[%get3A_742, %get3A_743] {strides = array<i32>} : memref<64x768xf32, #tpu.memory_space<vmem>>, vector<1x16xf32>,
      %get3A_745 = vector.shape_cast %get3A_744 : vector<1x16xf32> to vector<16xf32>
      %mul3A_746 = arith.mulf %get3A_745, %get3A_49 : vector<16xf32>
      %add3A_747 = arith.addf %mul3A_741, %mul3A_746 : vector<16xf32>
      %swap3A_748 = arith.index_cast %scan3A_42 : i32 to index
      %swap3A_749 = arith.constant 688 : index
      %swap3A_750 = tpu.vector_load %arg12[%swap3A_748, %swap3A_749] {strides = array<i32>} : memref<64x768xf32, #tpu.memory_space<vmem>>, vector<1x16xf32>,
      %swap3A_751 = vector.shape_cast %swap3A_750 : vector<1x16xf32> to vector<16xf32>
      %swap3A_752 = vector.shape_cast %add3A_747 : vector<16xf32> to vector<1x16xf32>
      tpu.vector_store %arg12[%swap3A_748, %swap3A_749], %swap3A_752 {strides = array<i32>} : memref<64x768xf32, #tpu.memory_space<vmem>>, vector<1x16xf32>,
      %get3A_753 = arith.index_cast %scan3A_42 : i32 to index
      %get3A_754 = arith.constant 704 : index
      %get3A_755 = tpu.vector_load %arg12[%get3A_753, %get3A_754] {strides = array<i32>} : memref<64x768xf32, #tpu.memory_space<vmem>>, vector<1x16xf32>,
      %get3A_756 = vector.shape_cast %get3A_755 : vector<1x16xf32> to vector<16xf32>
      %mul3A_757 = arith.mulf %get3A_756, %get3A_45 : vector<16xf32>
      %get3A_758 = arith.index_cast %scan3A_42 : i32 to index
      %get3A_759 = arith.constant 704 : index
      %get3A_760 = tpu.vector_load %arg13[%get3A_758, %get3A_759] {strides = array<i32>} : memref<64x768xf32, #tpu.memory_space<vmem>>, vector<1x16xf32>,
      %get3A_761 = vector.shape_cast %get3A_760 : vector<1x16xf32> to vector<16xf32>
      %mul3A_762 = arith.mulf %get3A_761, %get3A_49 : vector<16xf32>
      %add3A_763 = arith.addf %mul3A_757, %mul3A_762 : vector<16xf32>
      %swap3A_764 = arith.index_cast %scan3A_42 : i32 to index
      %swap3A_765 = arith.constant 704 : index
      %swap3A_766 = tpu.vector_load %arg12[%swap3A_764, %swap3A_765] {strides = array<i32>} : memref<64x768xf32, #tpu.memory_space<vmem>>, vector<1x16xf32>,
      %swap3A_767 = vector.shape_cast %swap3A_766 : vector<1x16xf32> to vector<16xf32>
      %swap3A_768 = vector.shape_cast %add3A_763 : vector<16xf32> to vector<1x16xf32>
      tpu.vector_store %arg12[%swap3A_764, %swap3A_765], %swap3A_768 {strides = array<i32>} : memref<64x768xf32, #tpu.memory_space<vmem>>, vector<1x16xf32>,
      %get3A_769 = arith.index_cast %scan3A_42 : i32 to index
      %get3A_770 = arith.constant 720 : index
      %get3A_771 = tpu.vector_load %arg12[%get3A_769, %get3A_770] {strides = array<i32>} : memref<64x768xf32, #tpu.memory_space<vmem>>, vector<1x16xf32>,
      %get3A_772 = vector.shape_cast %get3A_771 : vector<1x16xf32> to vector<16xf32>
      %mul3A_773 = arith.mulf %get3A_772, %get3A_45 : vector<16xf32>
      %get3A_774 = arith.index_cast %scan3A_42 : i32 to index
      %get3A_775 = arith.constant 720 : index
      %get3A_776 = tpu.vector_load %arg13[%get3A_774, %get3A_775] {strides = array<i32>} : memref<64x768xf32, #tpu.memory_space<vmem>>, vector<1x16xf32>,
      %get3A_777 = vector.shape_cast %get3A_776 : vector<1x16xf32> to vector<16xf32>
      %mul3A_778 = arith.mulf %get3A_777, %get3A_49 : vector<16xf32>
      %add3A_779 = arith.addf %mul3A_773, %mul3A_778 : vector<16xf32>
      %swap3A_780 = arith.index_cast %scan3A_42 : i32 to index
      %swap3A_781 = arith.constant 720 : index
      %swap3A_782 = tpu.vector_load %arg12[%swap3A_780, %swap3A_781] {strides = array<i32>} : memref<64x768xf32, #tpu.memory_space<vmem>>, vector<1x16xf32>,
      %swap3A_783 = vector.shape_cast %swap3A_782 : vector<1x16xf32> to vector<16xf32>
      %swap3A_784 = vector.shape_cast %add3A_779 : vector<16xf32> to vector<1x16xf32>
      tpu.vector_store %arg12[%swap3A_780, %swap3A_781], %swap3A_784 {strides = array<i32>} : memref<64x768xf32, #tpu.memory_space<vmem>>, vector<1x16xf32>,
      %get3A_785 = arith.index_cast %scan3A_42 : i32 to index
      %get3A_786 = arith.constant 736 : index
      %get3A_787 = tpu.vector_load %arg12[%get3A_785, %get3A_786] {strides = array<i32>} : memref<64x768xf32, #tpu.memory_space<vmem>>, vector<1x16xf32>,
      %get3A_788 = vector.shape_cast %get3A_787 : vector<1x16xf32> to vector<16xf32>
      %mul3A_789 = arith.mulf %get3A_788, %get3A_45 : vector<16xf32>
      %get3A_790 = arith.index_cast %scan3A_42 : i32 to index
      %get3A_791 = arith.constant 736 : index
      %get3A_792 = tpu.vector_load %arg13[%get3A_790, %get3A_791] {strides = array<i32>} : memref<64x768xf32, #tpu.memory_space<vmem>>, vector<1x16xf32>,
      %get3A_793 = vector.shape_cast %get3A_792 : vector<1x16xf32> to vector<16xf32>
      %mul3A_794 = arith.mulf %get3A_793, %get3A_49 : vector<16xf32>
      %add3A_795 = arith.addf %mul3A_789, %mul3A_794 : vector<16xf32>
      %swap3A_796 = arith.index_cast %scan3A_42 : i32 to index
      %swap3A_797 = arith.constant 736 : index
      %swap3A_798 = tpu.vector_load %arg12[%swap3A_796, %swap3A_797] {strides = array<i32>} : memref<64x768xf32, #tpu.memory_space<vmem>>, vector<1x16xf32>,
      %swap3A_799 = vector.shape_cast %swap3A_798 : vector<1x16xf32> to vector<16xf32>
      %swap3A_800 = vector.shape_cast %add3A_795 : vector<16xf32> to vector<1x16xf32>
      tpu.vector_store %arg12[%swap3A_796, %swap3A_797], %swap3A_800 {strides = array<i32>} : memref<64x768xf32, #tpu.memory_space<vmem>>, vector<1x16xf32>,
      %get3A_801 = arith.index_cast %scan3A_42 : i32 to index
      %get3A_802 = arith.constant 752 : index
      %get3A_803 = tpu.vector_load %arg12[%get3A_801, %get3A_802] {strides = array<i32>} : memref<64x768xf32, #tpu.memory_space<vmem>>, vector<1x16xf32>,
      %get3A_804 = vector.shape_cast %get3A_803 : vector<1x16xf32> to vector<16xf32>
      %mul3A_805 = arith.mulf %get3A_804, %get3A_45 : vector<16xf32>
      %get3A_806 = arith.index_cast %scan3A_42 : i32 to index
      %get3A_807 = arith.constant 752 : index
      %get3A_808 = tpu.vector_load %arg13[%get3A_806, %get3A_807] {strides = array<i32>} : memref<64x768xf32, #tpu.memory_space<vmem>>, vector<1x16xf32>,
      %get3A_809 = vector.shape_cast %get3A_808 : vector<1x16xf32> to vector<16xf32>
      %mul3A_810 = arith.mulf %get3A_809, %get3A_49 : vector<16xf32>
      %add3A_811 = arith.addf %mul3A_805, %mul3A_810 : vector<16xf32>
      %swap3A_812 = arith.index_cast %scan3A_42 : i32 to index
      %swap3A_813 = arith.constant 752 : index
      %swap3A_814 = tpu.vector_load %arg12[%swap3A_812, %swap3A_813] {strides = array<i32>} : memref<64x768xf32, #tpu.memory_space<vmem>>, vector<1x16xf32>,
      %swap3A_815 = vector.shape_cast %swap3A_814 : vector<1x16xf32> to vector<16xf32>
      %swap3A_816 = vector.shape_cast %add3A_811 : vector<16xf32> to vector<1x16xf32>
      tpu.vector_store %arg12[%swap3A_812, %swap3A_813], %swap3A_816 {strides = array<i32>} : memref<64x768xf32, #tpu.memory_space<vmem>>, vector<1x16xf32>,
    }
    %scan3A_41 = arith.constant 64 : i32
    "tpu.region"() ({
      %run_scoped3A = tpu.sem_alloc : memref<!tpu.dma_semaphore, #tpu.memory_space<semaphore_mem>>
      %dma_start3A_42 = arith.constant 0 : i32
      %dma_start3A_43 = tpu.memref_slice %arg7[%mul3A_2, %dma_start3A_42] : memref<2048x768xf32, #tpu.memory_space<hbm>> -> memref<64x768xf32, #tpu.memory_space<hbm>>
      %dma_start3A_44 = arith.constant 0 : i32
      %dma_start3A_45 = tpu.memref_slice %arg7[%mul3A_2, %dma_start3A_44] : memref<2048x768xf32, #tpu.memory_space<hbm>> -> memref<64x768xf32, #tpu.memory_space<hbm>>
      tpu.enqueue_dma source(%arg12 : memref<64x768xf32, #tpu.memory_space<vmem>>) target(%dma_start3A_45 : memref<64x768xf32, #tpu.memory_space<hbm>>) target_semaphore(%run_scoped3A : memref<!tpu.dma_semaphore, #tpu.memory_space<semaphore_mem>>)
      %dma_wait3A_46 = arith.constant 0 : i32
      %dma_wait3A_47 = tpu.memref_slice %arg7[%mul3A_2, %dma_wait3A_46] : memref<2048x768xf32, #tpu.memory_space<hbm>> -> memref<64x768xf32, #tpu.memory_space<hbm>>
      %dma_wait3A_48 = arith.constant 0 : i32
      %dma_wait3A_49 = tpu.memref_slice %arg7[%mul3A_2, %dma_wait3A_48] : memref<2048x768xf32, #tpu.memory_space<hbm>> -> memref<64x768xf32, #tpu.memory_space<hbm>>
      tpu.wait_dma2 semaphore(%run_scoped3A : memref<!tpu.dma_semaphore, #tpu.memory_space<semaphore_mem>>) src(%arg12 : memref<64x768xf32, #tpu.memory_space<vmem>>) dst(%dma_wait3A_49 : memref<64x768xf32, #tpu.memory_space<hbm>>)
      tpu.yield
    }) : () -> ()
    return
  }
}

#map = affine_map<(d0, d1) -> (0, 0)>
#map1 = affine_map<(d0, d1) -> (0)>
module attributes {stable_mosaic.version = 14 : i64} {
  func.func @_sc_dispatch_body(%arg0: i32, %arg1: i32, %arg2: memref<2048x768xf32, #tpu.memory_space<hbm>>, %arg3: memref<2048xi32, #tpu.memory_space<hbm>>, %arg4: memref<2048xi32, #tpu.memory_space<hbm>>, %arg5: memref<8192x768xf32, #tpu.memory_space<hbm>>, %arg6: memref<32xi32, #tpu.memory_space<vmem>>, %arg7: memref<32xi32, #tpu.memory_space<vmem>>, %arg8: memref<32xi32, #tpu.memory_space<vmem>>, %arg9: memref<32xi32, #tpu.memory_space<vmem>>, %arg10: memref<32x768xf32, #tpu.memory_space<vmem>>, %arg11: memref<32x768xf32, #tpu.memory_space<vmem>>, %arg12: memref<!tpu.dma_semaphore, #tpu.memory_space<semaphore_mem>>, %arg13: memref<!tpu.dma_semaphore, #tpu.memory_space<semaphore_mem>>, %arg14: memref<!tpu.dma_semaphore, #tpu.memory_space<semaphore_mem>>) attributes {dimension_semantics = [#tpu.dimension_semantics<core_parallel>, #tpu.dimension_semantics<subcore_parallel>], iteration_bounds = array<i64: 2, 16>, scalar_prefetch = 0 : i64, scratch_operands = 9 : i64, tpu.core_type = #tpu.core_type<sc_vector_subcore>, window_params = [{transform_indices = #map}, {transform_indices = #map1}, {transform_indices = #map1}, {transform_indices = #map}]} {
    %mul3A = arith.constant 2 : i32
    %mul3A_0 = arith.muli %arg1, %mul3A : i32
    %add3A = arith.addi %mul3A_0, %arg0 : i32
    %mul3A_1 = arith.constant 64 : i32
    %mul3A_2 = arith.muli %add3A, %mul3A_1 : i32
    %dma_start3A = tpu.memref_slice %arg3[%mul3A_2] : memref<2048xi32, #tpu.memory_space<hbm>> -> memref<32xi32, #tpu.memory_space<hbm>>
    %dma_start3A_3 = tpu.memref_slice %arg3[%mul3A_2] : memref<2048xi32, #tpu.memory_space<hbm>> -> memref<32xi32, #tpu.memory_space<hbm>>
    tpu.enqueue_dma source(%dma_start3A_3 : memref<32xi32, #tpu.memory_space<hbm>>) target(%arg6 : memref<32xi32, #tpu.memory_space<vmem>>) target_semaphore(%arg12 : memref<!tpu.dma_semaphore, #tpu.memory_space<semaphore_mem>>)
    %dma_start3A_4 = tpu.memref_slice %arg4[%mul3A_2] : memref<2048xi32, #tpu.memory_space<hbm>> -> memref<32xi32, #tpu.memory_space<hbm>>
    %dma_start3A_5 = tpu.memref_slice %arg4[%mul3A_2] : memref<2048xi32, #tpu.memory_space<hbm>> -> memref<32xi32, #tpu.memory_space<hbm>>
    tpu.enqueue_dma source(%dma_start3A_5 : memref<32xi32, #tpu.memory_space<hbm>>) target(%arg7 : memref<32xi32, #tpu.memory_space<vmem>>) target_semaphore(%arg12 : memref<!tpu.dma_semaphore, #tpu.memory_space<semaphore_mem>>)
    %dma_start3A_6 = arith.constant 0 : i32
    %dma_start3A_7 = tpu.memref_slice %arg2[%mul3A_2, %dma_start3A_6] : memref<2048x768xf32, #tpu.memory_space<hbm>> -> memref<32x768xf32, #tpu.memory_space<hbm>>
    %dma_start3A_8 = arith.constant 0 : i32
    %dma_start3A_9 = tpu.memref_slice %arg2[%mul3A_2, %dma_start3A_8] : memref<2048x768xf32, #tpu.memory_space<hbm>> -> memref<32x768xf32, #tpu.memory_space<hbm>>
    tpu.enqueue_dma source(%dma_start3A_9 : memref<32x768xf32, #tpu.memory_space<hbm>>) target(%arg10 : memref<32x768xf32, #tpu.memory_space<vmem>>) target_semaphore(%arg12 : memref<!tpu.dma_semaphore, #tpu.memory_space<semaphore_mem>>)
    %add3A_10 = arith.constant 32 : i32
    %add3A_11 = arith.addi %mul3A_2, %add3A_10 : i32
    %dma_start3A_12 = tpu.memref_slice %arg3[%add3A_11] : memref<2048xi32, #tpu.memory_space<hbm>> -> memref<32xi32, #tpu.memory_space<hbm>>
    %dma_start3A_13 = tpu.memref_slice %arg3[%add3A_11] : memref<2048xi32, #tpu.memory_space<hbm>> -> memref<32xi32, #tpu.memory_space<hbm>>
    tpu.enqueue_dma source(%dma_start3A_13 : memref<32xi32, #tpu.memory_space<hbm>>) target(%arg8 : memref<32xi32, #tpu.memory_space<vmem>>) target_semaphore(%arg13 : memref<!tpu.dma_semaphore, #tpu.memory_space<semaphore_mem>>)
    %add3A_14 = arith.constant 32 : i32
    %add3A_15 = arith.addi %mul3A_2, %add3A_14 : i32
    %dma_start3A_16 = tpu.memref_slice %arg4[%add3A_15] : memref<2048xi32, #tpu.memory_space<hbm>> -> memref<32xi32, #tpu.memory_space<hbm>>
    %dma_start3A_17 = tpu.memref_slice %arg4[%add3A_15] : memref<2048xi32, #tpu.memory_space<hbm>> -> memref<32xi32, #tpu.memory_space<hbm>>
    tpu.enqueue_dma source(%dma_start3A_17 : memref<32xi32, #tpu.memory_space<hbm>>) target(%arg9 : memref<32xi32, #tpu.memory_space<vmem>>) target_semaphore(%arg13 : memref<!tpu.dma_semaphore, #tpu.memory_space<semaphore_mem>>)
    %add3A_18 = arith.constant 32 : i32
    %add3A_19 = arith.addi %mul3A_2, %add3A_18 : i32
    %dma_start3A_20 = arith.constant 0 : i32
    %dma_start3A_21 = tpu.memref_slice %arg2[%add3A_19, %dma_start3A_20] : memref<2048x768xf32, #tpu.memory_space<hbm>> -> memref<32x768xf32, #tpu.memory_space<hbm>>
    %dma_start3A_22 = arith.constant 0 : i32
    %dma_start3A_23 = tpu.memref_slice %arg2[%add3A_19, %dma_start3A_22] : memref<2048x768xf32, #tpu.memory_space<hbm>> -> memref<32x768xf32, #tpu.memory_space<hbm>>
    tpu.enqueue_dma source(%dma_start3A_23 : memref<32x768xf32, #tpu.memory_space<hbm>>) target(%arg11 : memref<32x768xf32, #tpu.memory_space<vmem>>) target_semaphore(%arg13 : memref<!tpu.dma_semaphore, #tpu.memory_space<semaphore_mem>>)
    %dma_wait3A = tpu.memref_slice %arg3[%mul3A_2] : memref<2048xi32, #tpu.memory_space<hbm>> -> memref<32xi32, #tpu.memory_space<hbm>>
    %dma_wait3A_24 = tpu.memref_slice %arg3[%mul3A_2] : memref<2048xi32, #tpu.memory_space<hbm>> -> memref<32xi32, #tpu.memory_space<hbm>>
    tpu.wait_dma2 semaphore(%arg12 : memref<!tpu.dma_semaphore, #tpu.memory_space<semaphore_mem>>) src(%dma_wait3A_24 : memref<32xi32, #tpu.memory_space<hbm>>) dst(%arg6 : memref<32xi32, #tpu.memory_space<vmem>>)
    %dma_wait3A_25 = tpu.memref_slice %arg4[%mul3A_2] : memref<2048xi32, #tpu.memory_space<hbm>> -> memref<32xi32, #tpu.memory_space<hbm>>
    %dma_wait3A_26 = tpu.memref_slice %arg4[%mul3A_2] : memref<2048xi32, #tpu.memory_space<hbm>> -> memref<32xi32, #tpu.memory_space<hbm>>
    tpu.wait_dma2 semaphore(%arg12 : memref<!tpu.dma_semaphore, #tpu.memory_space<semaphore_mem>>) src(%dma_wait3A_26 : memref<32xi32, #tpu.memory_space<hbm>>) dst(%arg7 : memref<32xi32, #tpu.memory_space<vmem>>)
    %dma_wait3A_27 = arith.constant 0 : i32
    %dma_wait3A_28 = tpu.memref_slice %arg2[%mul3A_2, %dma_wait3A_27] : memref<2048x768xf32, #tpu.memory_space<hbm>> -> memref<32x768xf32, #tpu.memory_space<hbm>>
    %dma_wait3A_29 = arith.constant 0 : i32
    %dma_wait3A_30 = tpu.memref_slice %arg2[%mul3A_2, %dma_wait3A_29] : memref<2048x768xf32, #tpu.memory_space<hbm>> -> memref<32x768xf32, #tpu.memory_space<hbm>>
    tpu.wait_dma2 semaphore(%arg12 : memref<!tpu.dma_semaphore, #tpu.memory_space<semaphore_mem>>) src(%dma_wait3A_30 : memref<32x768xf32, #tpu.memory_space<hbm>>) dst(%arg10 : memref<32x768xf32, #tpu.memory_space<vmem>>)
    %dma_start3A_31 = arith.constant 0 : i32
    %dma_start3A_32 = arith.constant 0 : i32
    %dma_start3A_33 = tpu.memref_slice %arg5[%dma_start3A_31, %dma_start3A_32] : memref<8192x768xf32, #tpu.memory_space<hbm>> -> memref<8192x768xf32, #tpu.memory_space<hbm>>
    tpu.enqueue_indirect_dma source(%arg10 : memref<32x768xf32, #tpu.memory_space<vmem>>) target(%dma_start3A_33 : memref<8192x768xf32, #tpu.memory_space<hbm>>) offsets(%arg6 : memref<32xi32, #tpu.memory_space<vmem>>) semaphore(%arg14 : memref<!tpu.dma_semaphore, #tpu.memory_space<semaphore_mem>>)
    %dma_start3A_34 = arith.constant 0 : i32
    %dma_start3A_35 = arith.constant 0 : i32
    %dma_start3A_36 = tpu.memref_slice %arg5[%dma_start3A_34, %dma_start3A_35] : memref<8192x768xf32, #tpu.memory_space<hbm>> -> memref<8192x768xf32, #tpu.memory_space<hbm>>
    tpu.enqueue_indirect_dma source(%arg10 : memref<32x768xf32, #tpu.memory_space<vmem>>) target(%dma_start3A_36 : memref<8192x768xf32, #tpu.memory_space<hbm>>) offsets(%arg7 : memref<32xi32, #tpu.memory_space<vmem>>) semaphore(%arg14 : memref<!tpu.dma_semaphore, #tpu.memory_space<semaphore_mem>>)
    %dma_wait3A_37 = tpu.memref_slice %arg3[%add3A_11] : memref<2048xi32, #tpu.memory_space<hbm>> -> memref<32xi32, #tpu.memory_space<hbm>>
    %dma_wait3A_38 = tpu.memref_slice %arg3[%add3A_11] : memref<2048xi32, #tpu.memory_space<hbm>> -> memref<32xi32, #tpu.memory_space<hbm>>
    tpu.wait_dma2 semaphore(%arg13 : memref<!tpu.dma_semaphore, #tpu.memory_space<semaphore_mem>>) src(%dma_wait3A_38 : memref<32xi32, #tpu.memory_space<hbm>>) dst(%arg8 : memref<32xi32, #tpu.memory_space<vmem>>)
    %dma_wait3A_39 = tpu.memref_slice %arg4[%add3A_15] : memref<2048xi32, #tpu.memory_space<hbm>> -> memref<32xi32, #tpu.memory_space<hbm>>
    %dma_wait3A_40 = tpu.memref_slice %arg4[%add3A_15] : memref<2048xi32, #tpu.memory_space<hbm>> -> memref<32xi32, #tpu.memory_space<hbm>>
    tpu.wait_dma2 semaphore(%arg13 : memref<!tpu.dma_semaphore, #tpu.memory_space<semaphore_mem>>) src(%dma_wait3A_40 : memref<32xi32, #tpu.memory_space<hbm>>) dst(%arg9 : memref<32xi32, #tpu.memory_space<vmem>>)
    %dma_wait3A_41 = arith.constant 0 : i32
    %dma_wait3A_42 = tpu.memref_slice %arg2[%add3A_19, %dma_wait3A_41] : memref<2048x768xf32, #tpu.memory_space<hbm>> -> memref<32x768xf32, #tpu.memory_space<hbm>>
    %dma_wait3A_43 = arith.constant 0 : i32
    %dma_wait3A_44 = tpu.memref_slice %arg2[%add3A_19, %dma_wait3A_43] : memref<2048x768xf32, #tpu.memory_space<hbm>> -> memref<32x768xf32, #tpu.memory_space<hbm>>
    tpu.wait_dma2 semaphore(%arg13 : memref<!tpu.dma_semaphore, #tpu.memory_space<semaphore_mem>>) src(%dma_wait3A_44 : memref<32x768xf32, #tpu.memory_space<hbm>>) dst(%arg11 : memref<32x768xf32, #tpu.memory_space<vmem>>)
    %dma_start3A_45 = arith.constant 0 : i32
    %dma_start3A_46 = arith.constant 0 : i32
    %dma_start3A_47 = tpu.memref_slice %arg5[%dma_start3A_45, %dma_start3A_46] : memref<8192x768xf32, #tpu.memory_space<hbm>> -> memref<8192x768xf32, #tpu.memory_space<hbm>>
    tpu.enqueue_indirect_dma source(%arg11 : memref<32x768xf32, #tpu.memory_space<vmem>>) target(%dma_start3A_47 : memref<8192x768xf32, #tpu.memory_space<hbm>>) offsets(%arg8 : memref<32xi32, #tpu.memory_space<vmem>>) semaphore(%arg14 : memref<!tpu.dma_semaphore, #tpu.memory_space<semaphore_mem>>)
    %dma_start3A_48 = arith.constant 0 : i32
    %dma_start3A_49 = arith.constant 0 : i32
    %dma_start3A_50 = tpu.memref_slice %arg5[%dma_start3A_48, %dma_start3A_49] : memref<8192x768xf32, #tpu.memory_space<hbm>> -> memref<8192x768xf32, #tpu.memory_space<hbm>>
    tpu.enqueue_indirect_dma source(%arg11 : memref<32x768xf32, #tpu.memory_space<vmem>>) target(%dma_start3A_50 : memref<8192x768xf32, #tpu.memory_space<hbm>>) offsets(%arg9 : memref<32xi32, #tpu.memory_space<vmem>>) semaphore(%arg14 : memref<!tpu.dma_semaphore, #tpu.memory_space<semaphore_mem>>)
    %dma_wait3A_51 = arith.constant 0 : i32
    %dma_wait3A_52 = arith.constant 0 : i32
    %dma_wait3A_53 = tpu.memref_slice %arg5[%dma_wait3A_51, %dma_wait3A_52] : memref<8192x768xf32, #tpu.memory_space<hbm>> -> memref<8192x768xf32, #tpu.memory_space<hbm>>
    tpu.wait_indirect_dma semaphore(%arg14 : memref<!tpu.dma_semaphore, #tpu.memory_space<semaphore_mem>>) src(%arg10 : memref<32x768xf32, #tpu.memory_space<vmem>>) dst(%dma_wait3A_53 : memref<8192x768xf32, #tpu.memory_space<hbm>>)
    %dma_wait3A_54 = arith.constant 0 : i32
    %dma_wait3A_55 = arith.constant 0 : i32
    %dma_wait3A_56 = tpu.memref_slice %arg5[%dma_wait3A_54, %dma_wait3A_55] : memref<8192x768xf32, #tpu.memory_space<hbm>> -> memref<8192x768xf32, #tpu.memory_space<hbm>>
    tpu.wait_indirect_dma semaphore(%arg14 : memref<!tpu.dma_semaphore, #tpu.memory_space<semaphore_mem>>) src(%arg10 : memref<32x768xf32, #tpu.memory_space<vmem>>) dst(%dma_wait3A_56 : memref<8192x768xf32, #tpu.memory_space<hbm>>)
    %dma_wait3A_57 = arith.constant 0 : i32
    %dma_wait3A_58 = arith.constant 0 : i32
    %dma_wait3A_59 = tpu.memref_slice %arg5[%dma_wait3A_57, %dma_wait3A_58] : memref<8192x768xf32, #tpu.memory_space<hbm>> -> memref<8192x768xf32, #tpu.memory_space<hbm>>
    tpu.wait_indirect_dma semaphore(%arg14 : memref<!tpu.dma_semaphore, #tpu.memory_space<semaphore_mem>>) src(%arg11 : memref<32x768xf32, #tpu.memory_space<vmem>>) dst(%dma_wait3A_59 : memref<8192x768xf32, #tpu.memory_space<hbm>>)
    %dma_wait3A_60 = arith.constant 0 : i32
    %dma_wait3A_61 = arith.constant 0 : i32
    %dma_wait3A_62 = tpu.memref_slice %arg5[%dma_wait3A_60, %dma_wait3A_61] : memref<8192x768xf32, #tpu.memory_space<hbm>> -> memref<8192x768xf32, #tpu.memory_space<hbm>>
    tpu.wait_indirect_dma semaphore(%arg14 : memref<!tpu.dma_semaphore, #tpu.memory_space<semaphore_mem>>) src(%arg11 : memref<32x768xf32, #tpu.memory_space<vmem>>) dst(%dma_wait3A_62 : memref<8192x768xf32, #tpu.memory_space<hbm>>)
    return
  }
}

module attributes {stable_mosaic.version = 14 : i64} {
  func.func @_group_body(%arg0: i32, %arg1: memref<128xi32, #tpu.memory_space<smem>>, %arg2: memref<128xi32, #tpu.memory_space<smem>>, %arg3: memref<512x768xf32, #tpu.memory_space<vmem>>, %arg4: memref<1x768x768xbf16, #tpu.memory_space<vmem>>, %arg5: memref<1x1x768xf32, #tpu.memory_space<vmem>>, %arg6: memref<1x768x768xbf16, #tpu.memory_space<vmem>>, %arg7: memref<1x1x768xf32, #tpu.memory_space<vmem>>, %arg8: memref<512x768xf32, #tpu.memory_space<vmem>>) attributes {dimension_semantics = [#tpu.dimension_semantics<arbitrary>], iteration_bounds = array<i64: 16>, scalar_prefetch = 2 : i64, scratch_operands = 0 : i64, tpu.core_type = #tpu.core_type<tc>, window_params = [{transform_indices = @transform_0, window_bounds = array<i64: 512, 768>}, {transform_indices = @transform_1, window_bounds = array<i64: 1, 768, 768>}, {transform_indices = @transform_2, window_bounds = array<i64: 1, 1, 768>}, {transform_indices = @transform_3, window_bounds = array<i64: 1, 768, 768>}, {transform_indices = @transform_4, window_bounds = array<i64: 1, 1, 768>}, {transform_indices = @transform_5, window_bounds = array<i64: 512, 768>}]} {
    %get3A = arith.index_cast %arg0 : i32 to index
    %get3A_0 = memref.load %arg2[%get3A] : memref<128xi32, #tpu.memory_space<smem>>
    %ne3A = arith.constant 0 : i32
    %ne3A_1 = arith.cmpi ne, %get3A_0, %ne3A : i32
    %convert_element_type3A = arith.extui %ne3A_1 : i1 to i32
    %cond3A = arith.constant 0 : i32
    %cond3A_2 = arith.cmpi ne, %convert_element_type3A, %cond3A : i32
    scf.if %cond3A_2 {
      %get3A_3 = arith.constant 0 : index
      %get3A_4 = arith.constant 0 : index
      %get3A_5 = vector.load %arg3[%get3A_3, %get3A_4] : memref<512x768xf32, #tpu.memory_space<vmem>>, vector<512x768xf32>
      %convert_element_type3A_6 = arith.truncf %get3A_5 : vector<512x768xf32> to vector<512x768xbf16>
      %get3A_7 = arith.constant 0 : index
      %get3A_8 = arith.constant 0 : index
      %get3A_9 = arith.constant 0 : index
      %get3A_10 = vector.load %arg4[%get3A_7, %get3A_8, %get3A_9] : memref<1x768x768xbf16, #tpu.memory_space<vmem>>, vector<1x768x768xbf16>
      %get3A_11 = vector.shape_cast %get3A_10 : vector<1x768x768xbf16> to vector<768x768xbf16>
      %dot_general3A = arith.constant dense<0.000000e+00> : vector<512x768xf32>
      %dot_general3A_12 = tpu.matmul %convert_element_type3A_6, %get3A_11, %dot_general3A {dimension_numbers = #tpu.dot_dimension_numbers<[1], [0], [0], [1], [0, 0, 1, 1], [], []>, transpose_lhs_hint = false} : vector<512x768xbf16>, vector<768x768xbf16>, vector<512x768xf32> -> vector<512x768xf32>
      %get3A_13 = arith.constant 0 : index
      %get3A_14 = arith.constant 0 : index
      %get3A_15 = arith.constant 0 : index
      %get3A_16 = vector.load %arg5[%get3A_13, %get3A_14, %get3A_15] : memref<1x1x768xf32, #tpu.memory_space<vmem>>, vector<1x1x768xf32>
      %get3A_17 = vector.shape_cast %get3A_16 : vector<1x1x768xf32> to vector<1x768xf32>
      %add3A = vector.broadcast %get3A_17 : vector<1x768xf32> to vector<512x768xf32>
      %add3A_18 = arith.addf %dot_general3A_12, %add3A : vector<512x768xf32>
      %max3A = arith.constant 0.000000e+00 : f32
      %max3A_19 = vector.broadcast %max3A : f32 to vector<512x768xf32>
      %max3A_20 = arith.maximumf %add3A_18, %max3A_19 : vector<512x768xf32>
      %convert_element_type3A_21 = arith.truncf %max3A_20 : vector<512x768xf32> to vector<512x768xbf16>
      %get3A_22 = arith.constant 0 : index
      %get3A_23 = arith.constant 0 : index
      %get3A_24 = arith.constant 0 : index
      %get3A_25 = vector.load %arg6[%get3A_22, %get3A_23, %get3A_24] : memref<1x768x768xbf16, #tpu.memory_space<vmem>>, vector<1x768x768xbf16>
      %get3A_26 = vector.shape_cast %get3A_25 : vector<1x768x768xbf16> to vector<768x768xbf16>
      %dot_general3A_27 = arith.constant dense<0.000000e+00> : vector<512x768xf32>
      %dot_general3A_28 = tpu.matmul %convert_element_type3A_21, %get3A_26, %dot_general3A_27 {dimension_numbers = #tpu.dot_dimension_numbers<[1], [0], [0], [1], [0, 0, 1, 1], [], []>, transpose_lhs_hint = false} : vector<512x768xbf16>, vector<768x768xbf16>, vector<512x768xf32> -> vector<512x768xf32>
      %get3A_29 = arith.constant 0 : index
      %get3A_30 = arith.constant 0 : index
      %get3A_31 = arith.constant 0 : index
      %get3A_32 = vector.load %arg7[%get3A_29, %get3A_30, %get3A_31] : memref<1x1x768xf32, #tpu.memory_space<vmem>>, vector<1x1x768xf32>
      %get3A_33 = vector.shape_cast %get3A_32 : vector<1x1x768xf32> to vector<1x768xf32>
      %add3A_34 = vector.broadcast %get3A_33 : vector<1x768xf32> to vector<512x768xf32>
      %add3A_35 = arith.addf %dot_general3A_28, %add3A_34 : vector<512x768xf32>
      %swap3A = arith.constant 0 : index
      %swap3A_36 = arith.constant 0 : index
      %swap3A_37 = vector.load %arg8[%swap3A, %swap3A_36] : memref<512x768xf32, #tpu.memory_space<vmem>>, vector<512x768xf32>
      tpu.vector_store %arg8[%swap3A, %swap3A_36], %add3A_35 {strides = array<i32>} : memref<512x768xf32, #tpu.memory_space<vmem>>, vector<512x768xf32>,
    } else {
    }
    return
  }
  func.func @transform_0(%arg0: i32, %arg1: memref<128xi32, #tpu.memory_space<smem>>, %arg2: memref<128xi32, #tpu.memory_space<smem>>) -> (i32, i32) {
    %c0_i32 = arith.constant 0 : i32
    %c0_i32_0 = arith.constant 0 : i32
    return %arg0, %c0_i32 : i32, i32
  }
  func.func @transform_1(%arg0: i32, %arg1: memref<128xi32, #tpu.memory_space<smem>>, %arg2: memref<128xi32, #tpu.memory_space<smem>>) -> (i32, i32, i32) {
    %get3A = arith.index_cast %arg0 : i32 to index
    %get3A_0 = memref.load %arg1[%get3A] : memref<128xi32, #tpu.memory_space<smem>>
    %c0_i32 = arith.constant 0 : i32
    %c0_i32_1 = arith.constant 0 : i32
    %c0_i32_2 = arith.constant 0 : i32
    return %get3A_0, %c0_i32, %c0_i32_1 : i32, i32, i32
  }
  func.func @transform_2(%arg0: i32, %arg1: memref<128xi32, #tpu.memory_space<smem>>, %arg2: memref<128xi32, #tpu.memory_space<smem>>) -> (i32, i32, i32) {
    %get3A = arith.index_cast %arg0 : i32 to index
    %get3A_0 = memref.load %arg1[%get3A] : memref<128xi32, #tpu.memory_space<smem>>
    %c0_i32 = arith.constant 0 : i32
    %c0_i32_1 = arith.constant 0 : i32
    %c0_i32_2 = arith.constant 0 : i32
    return %get3A_0, %c0_i32, %c0_i32_1 : i32, i32, i32
  }
  func.func @transform_3(%arg0: i32, %arg1: memref<128xi32, #tpu.memory_space<smem>>, %arg2: memref<128xi32, #tpu.memory_space<smem>>) -> (i32, i32, i32) {
    %get3A = arith.index_cast %arg0 : i32 to index
    %get3A_0 = memref.load %arg1[%get3A] : memref<128xi32, #tpu.memory_space<smem>>
    %c0_i32 = arith.constant 0 : i32
    %c0_i32_1 = arith.constant 0 : i32
    %c0_i32_2 = arith.constant 0 : i32
    return %get3A_0, %c0_i32, %c0_i32_1 : i32, i32, i32
  }
  func.func @transform_4(%arg0: i32, %arg1: memref<128xi32, #tpu.memory_space<smem>>, %arg2: memref<128xi32, #tpu.memory_space<smem>>) -> (i32, i32, i32) {
    %get3A = arith.index_cast %arg0 : i32 to index
    %get3A_0 = memref.load %arg1[%get3A] : memref<128xi32, #tpu.memory_space<smem>>
    %c0_i32 = arith.constant 0 : i32
    %c0_i32_1 = arith.constant 0 : i32
    %c0_i32_2 = arith.constant 0 : i32
    return %get3A_0, %c0_i32, %c0_i32_1 : i32, i32, i32
  }
  func.func @transform_5(%arg0: i32, %arg1: memref<128xi32, #tpu.memory_space<smem>>, %arg2: memref<128xi32, #tpu.memory_space<smem>>) -> (i32, i32) {
    %c0_i32 = arith.constant 0 : i32
    %c0_i32_0 = arith.constant 0 : i32
    return %arg0, %c0_i32 : i32, i32
  }
}

module attributes {stable_mosaic.version = 14 : i64} {
  func.func @_route_body(%arg0: memref<2048x768xf32, #tpu.memory_space<vmem>>, %arg1: memref<768x8xf32, #tpu.memory_space<vmem>>, %arg2: memref<2048xi32, #tpu.memory_space<vmem>>, %arg3: memref<2048xi32, #tpu.memory_space<vmem>>, %arg4: memref<2048x16xf32, #tpu.memory_space<vmem>>, %arg5: memref<2048x16xf32, #tpu.memory_space<vmem>>, %arg6: memref<128xi32, #tpu.memory_space<vmem>>, %arg7: memref<128xi32, #tpu.memory_space<vmem>>, %arg8: memref<1x128xf32, #tpu.memory_space<vmem>>) attributes {dimension_semantics = [], scalar_prefetch = 0 : i64, scratch_operands = 0 : i64, tpu.core_type = #tpu.core_type<tc>} {
    %get3A = arith.constant 0 : index
    %get3A_0 = arith.constant 0 : index
    %get3A_1 = vector.load %arg0[%get3A, %get3A_0] : memref<2048x768xf32, #tpu.memory_space<vmem>>, vector<2048x768xf32>
    %get3A_2 = arith.constant 0 : index
    %get3A_3 = arith.constant 0 : index
    %get3A_4 = vector.load %arg1[%get3A_2, %get3A_3] : memref<768x8xf32, #tpu.memory_space<vmem>>, vector<768x8xf32>
    %dot_general3A = arith.constant dense<0.000000e+00> : vector<2048x8xf32>
    %dot_general3A_5 = tpu.matmul %get3A_1, %get3A_4, %dot_general3A {dimension_numbers = #tpu.dot_dimension_numbers<[1], [0], [0], [1], [0, 0, 1, 1], [], []>, transpose_lhs_hint = false} : vector<2048x768xf32>, vector<768x8xf32>, vector<2048x8xf32> -> vector<2048x8xf32>
    %iota3A = tpu.iota {dimensions = array<i32: 1>} : vector<2048x8xi32>
    %reduce_max3A = arith.constant dense<0xFF800000> : vector<2048xf32>
    %reduce_max3A_6 = vector.multi_reduction <maximumf>, %dot_general3A_5, %reduce_max3A [1] : vector<2048x8xf32> to vector<2048xf32>
    %broadcast_in_dim3A = vector.shape_cast %reduce_max3A_6 : vector<2048xf32> to vector<2048x1xf32>
    %ge3A = vector.broadcast %broadcast_in_dim3A : vector<2048x1xf32> to vector<2048x8xf32>
    %ge3A_7 = arith.cmpf oge, %dot_general3A_5, %ge3A : vector<2048x8xf32>
    %jit3A = arith.constant 8 : i32
    %broadcast_in_dim3A_8 = vector.broadcast %jit3A : i32 to vector<2048x8xi32>
    %select_n3A = arith.select %ge3A_7, %iota3A, %broadcast_in_dim3A_8 : vector<2048x8xi1>, vector<2048x8xi32>
    %reduce_min3A = arith.constant dense<2147483647> : vector<2048xi32>
    %reduce_min3A_9 = vector.multi_reduction <minsi>, %select_n3A, %reduce_min3A [1] : vector<2048x8xi32> to vector<2048xi32>
    %broadcast_in_dim3A_10 = vector.shape_cast %reduce_min3A_9 : vector<2048xi32> to vector<2048x1xi32>
    %eq3A = vector.broadcast %broadcast_in_dim3A_10 : vector<2048x1xi32> to vector<2048x8xi32>
    %eq3A_11 = arith.cmpi eq, %iota3A, %eq3A : vector<2048x8xi32>
    %jit3A_12 = arith.constant -1.000000e+30 : f32
    %broadcast_in_dim3A_13 = vector.broadcast %jit3A_12 : f32 to vector<2048x8xf32>
    %select_n3A_14 = arith.select %eq3A_11, %broadcast_in_dim3A_13, %dot_general3A_5 : vector<2048x8xi1>, vector<2048x8xf32>
    %reduce_max3A_15 = arith.constant dense<0xFF800000> : vector<2048xf32>
    %reduce_max3A_16 = vector.multi_reduction <maximumf>, %select_n3A_14, %reduce_max3A_15 [1] : vector<2048x8xf32> to vector<2048xf32>
    %broadcast_in_dim3A_17 = vector.shape_cast %reduce_max3A_16 : vector<2048xf32> to vector<2048x1xf32>
    %ge3A_18 = vector.broadcast %broadcast_in_dim3A_17 : vector<2048x1xf32> to vector<2048x8xf32>
    %ge3A_19 = arith.cmpf oge, %select_n3A_14, %ge3A_18 : vector<2048x8xf32>
    %jit3A_20 = arith.constant 8 : i32
    %broadcast_in_dim3A_21 = vector.broadcast %jit3A_20 : i32 to vector<2048x8xi32>
    %select_n3A_22 = arith.select %ge3A_19, %iota3A, %broadcast_in_dim3A_21 : vector<2048x8xi1>, vector<2048x8xi32>
    %reduce_min3A_23 = arith.constant dense<2147483647> : vector<2048xi32>
    %reduce_min3A_24 = vector.multi_reduction <minsi>, %select_n3A_22, %reduce_min3A_23 [1] : vector<2048x8xi32> to vector<2048xi32>
    %broadcast_in_dim3A_25 = vector.shape_cast %reduce_min3A_24 : vector<2048xi32> to vector<2048x1xi32>
    %eq3A_26 = vector.broadcast %broadcast_in_dim3A_25 : vector<2048x1xi32> to vector<2048x8xi32>
    %eq3A_27 = arith.cmpi eq, %iota3A, %eq3A_26 : vector<2048x8xi32>
    %squeeze3A = vector.shape_cast %broadcast_in_dim3A_17 : vector<2048x1xf32> to vector<2048xf32>
    %squeeze3A_28 = vector.shape_cast %broadcast_in_dim3A : vector<2048x1xf32> to vector<2048xf32>
    %sub3A = arith.subf %squeeze3A, %squeeze3A_28 : vector<2048xf32>
    %exp3A = math.exp %sub3A : vector<2048xf32>
    %add3A = arith.constant 1.000000e+00 : f32
    %add3A_29 = vector.broadcast %add3A : f32 to vector<2048xf32>
    %add3A_30 = arith.addf %add3A_29, %exp3A : vector<2048xf32>
    %div3A = arith.constant 1.000000e+00 : f32
    %div3A_31 = vector.broadcast %div3A : f32 to vector<2048xf32>
    %div3A_32 = arith.divf %div3A_31, %add3A_30 : vector<2048xf32>
    %sub3A_33 = arith.constant 1.000000e+00 : f32
    %sub3A_34 = vector.broadcast %sub3A_33 : f32 to vector<2048xf32>
    %sub3A_35 = arith.subf %sub3A_34, %div3A_32 : vector<2048xf32>
    %convert_element_type3A = arith.extui %eq3A_11 : vector<2048x8xi1> to vector<2048x8xi32>
    %convert_element_type3A_36 = arith.sitofp %convert_element_type3A : vector<2048x8xi32> to vector<2048x8xf32>
    %convert_element_type3A_37 = arith.extui %eq3A_27 : vector<2048x8xi1> to vector<2048x8xi32>
    %convert_element_type3A_38 = arith.sitofp %convert_element_type3A_37 : vector<2048x8xi32> to vector<2048x8xf32>
    %iota3A_39 = tpu.iota {dimensions = array<i32: 0>} : vector<256x256xi32>
    %iota3A_40 = tpu.iota {dimensions = array<i32: 1>} : vector<256x256xi32>
    %ge3A_41 = arith.cmpi sge, %iota3A_39, %iota3A_40 : vector<256x256xi32>
    %convert_element_type3A_42 = arith.extui %ge3A_41 : vector<256x256xi1> to vector<256x256xi32>
    %convert_element_type3A_43 = arith.sitofp %convert_element_type3A_42 : vector<256x256xi32> to vector<256x256xf32>
    %convert_element_type3A_44 = arith.truncf %convert_element_type3A_43 : vector<256x256xf32> to vector<256x256xbf16>
    %concatenate3A = tpu.concatenate %convert_element_type3A_36, %convert_element_type3A_38 in 0 : vector<2048x8xf32>, vector<2048x8xf32> -> vector<4096x8xf32>
    %convert_element_type3A_45 = arith.truncf %concatenate3A : vector<4096x8xf32> to vector<4096x8xbf16>
    %broadcast_in_dim3A_46 = arith.constant 0.000000e+00 : f32
    %broadcast_in_dim3A_47 = vector.broadcast %broadcast_in_dim3A_46 : f32 to vector<1x8xf32>
    %slice3A = vector.extract_strided_slice %convert_element_type3A_45 {offsets = [0, 0], sizes = [256, 8], strides = [1, 1]} : vector<4096x8xbf16> to vector<256x8xbf16>
    %dot_general3A_48 = arith.constant dense<0.000000e+00> : vector<256x8xf32>
    %dot_general3A_49 = tpu.matmul %convert_element_type3A_44, %slice3A, %dot_general3A_48 {dimension_numbers = #tpu.dot_dimension_numbers<[1], [0], [0], [1], [0, 0, 1, 1], [], []>, transpose_lhs_hint = false} : vector<256x256xbf16>, vector<256x8xbf16>, vector<256x8xf32> -> vector<256x8xf32>
    %add3A_50 = vector.broadcast %broadcast_in_dim3A_47 : vector<1x8xf32> to vector<256x8xf32>
    %add3A_51 = arith.addf %dot_general3A_49, %add3A_50 : vector<256x8xf32>
    %slice3A_52 = vector.extract_strided_slice %dot_general3A_49 {offsets = [255, 0], sizes = [1, 8], strides = [1, 1]} : vector<256x8xf32> to vector<1x8xf32>
    %add3A_53 = arith.addf %broadcast_in_dim3A_47, %slice3A_52 : vector<1x8xf32>
    %slice3A_54 = vector.extract_strided_slice %convert_element_type3A_45 {offsets = [256, 0], sizes = [256, 8], strides = [1, 1]} : vector<4096x8xbf16> to vector<256x8xbf16>
    %dot_general3A_55 = arith.constant dense<0.000000e+00> : vector<256x8xf32>
    %dot_general3A_56 = tpu.matmul %convert_element_type3A_44, %slice3A_54, %dot_general3A_55 {dimension_numbers = #tpu.dot_dimension_numbers<[1], [0], [0], [1], [0, 0, 1, 1], [], []>, transpose_lhs_hint = false} : vector<256x256xbf16>, vector<256x8xbf16>, vector<256x8xf32> -> vector<256x8xf32>
    %add3A_57 = vector.broadcast %add3A_53 : vector<1x8xf32> to vector<256x8xf32>
    %add3A_58 = arith.addf %dot_general3A_56, %add3A_57 : vector<256x8xf32>
    %slice3A_59 = vector.extract_strided_slice %dot_general3A_56 {offsets = [255, 0], sizes = [1, 8], strides = [1, 1]} : vector<256x8xf32> to vector<1x8xf32>
    %add3A_60 = arith.addf %add3A_53, %slice3A_59 : vector<1x8xf32>
    %slice3A_61 = vector.extract_strided_slice %convert_element_type3A_45 {offsets = [512, 0], sizes = [256, 8], strides = [1, 1]} : vector<4096x8xbf16> to vector<256x8xbf16>
    %dot_general3A_62 = arith.constant dense<0.000000e+00> : vector<256x8xf32>
    %dot_general3A_63 = tpu.matmul %convert_element_type3A_44, %slice3A_61, %dot_general3A_62 {dimension_numbers = #tpu.dot_dimension_numbers<[1], [0], [0], [1], [0, 0, 1, 1], [], []>, transpose_lhs_hint = false} : vector<256x256xbf16>, vector<256x8xbf16>, vector<256x8xf32> -> vector<256x8xf32>
    %add3A_64 = vector.broadcast %add3A_60 : vector<1x8xf32> to vector<256x8xf32>
    %add3A_65 = arith.addf %dot_general3A_63, %add3A_64 : vector<256x8xf32>
    %slice3A_66 = vector.extract_strided_slice %dot_general3A_63 {offsets = [255, 0], sizes = [1, 8], strides = [1, 1]} : vector<256x8xf32> to vector<1x8xf32>
    %add3A_67 = arith.addf %add3A_60, %slice3A_66 : vector<1x8xf32>
    %slice3A_68 = vector.extract_strided_slice %convert_element_type3A_45 {offsets = [768, 0], sizes = [256, 8], strides = [1, 1]} : vector<4096x8xbf16> to vector<256x8xbf16>
    %dot_general3A_69 = arith.constant dense<0.000000e+00> : vector<256x8xf32>
    %dot_general3A_70 = tpu.matmul %convert_element_type3A_44, %slice3A_68, %dot_general3A_69 {dimension_numbers = #tpu.dot_dimension_numbers<[1], [0], [0], [1], [0, 0, 1, 1], [], []>, transpose_lhs_hint = false} : vector<256x256xbf16>, vector<256x8xbf16>, vector<256x8xf32> -> vector<256x8xf32>
    %add3A_71 = vector.broadcast %add3A_67 : vector<1x8xf32> to vector<256x8xf32>
    %add3A_72 = arith.addf %dot_general3A_70, %add3A_71 : vector<256x8xf32>
    %slice3A_73 = vector.extract_strided_slice %dot_general3A_70 {offsets = [255, 0], sizes = [1, 8], strides = [1, 1]} : vector<256x8xf32> to vector<1x8xf32>
    %add3A_74 = arith.addf %add3A_67, %slice3A_73 : vector<1x8xf32>
    %slice3A_75 = vector.extract_strided_slice %convert_element_type3A_45 {offsets = [1024, 0], sizes = [256, 8], strides = [1, 1]} : vector<4096x8xbf16> to vector<256x8xbf16>
    %dot_general3A_76 = arith.constant dense<0.000000e+00> : vector<256x8xf32>
    %dot_general3A_77 = tpu.matmul %convert_element_type3A_44, %slice3A_75, %dot_general3A_76 {dimension_numbers = #tpu.dot_dimension_numbers<[1], [0], [0], [1], [0, 0, 1, 1], [], []>, transpose_lhs_hint = false} : vector<256x256xbf16>, vector<256x8xbf16>, vector<256x8xf32> -> vector<256x8xf32>
    %add3A_78 = vector.broadcast %add3A_74 : vector<1x8xf32> to vector<256x8xf32>
    %add3A_79 = arith.addf %dot_general3A_77, %add3A_78 : vector<256x8xf32>
    %slice3A_80 = vector.extract_strided_slice %dot_general3A_77 {offsets = [255, 0], sizes = [1, 8], strides = [1, 1]} : vector<256x8xf32> to vector<1x8xf32>
    %add3A_81 = arith.addf %add3A_74, %slice3A_80 : vector<1x8xf32>
    %slice3A_82 = vector.extract_strided_slice %convert_element_type3A_45 {offsets = [1280, 0], sizes = [256, 8], strides = [1, 1]} : vector<4096x8xbf16> to vector<256x8xbf16>
    %dot_general3A_83 = arith.constant dense<0.000000e+00> : vector<256x8xf32>
    %dot_general3A_84 = tpu.matmul %convert_element_type3A_44, %slice3A_82, %dot_general3A_83 {dimension_numbers = #tpu.dot_dimension_numbers<[1], [0], [0], [1], [0, 0, 1, 1], [], []>, transpose_lhs_hint = false} : vector<256x256xbf16>, vector<256x8xbf16>, vector<256x8xf32> -> vector<256x8xf32>
    %add3A_85 = vector.broadcast %add3A_81 : vector<1x8xf32> to vector<256x8xf32>
    %add3A_86 = arith.addf %dot_general3A_84, %add3A_85 : vector<256x8xf32>
    %slice3A_87 = vector.extract_strided_slice %dot_general3A_84 {offsets = [255, 0], sizes = [1, 8], strides = [1, 1]} : vector<256x8xf32> to vector<1x8xf32>
    %add3A_88 = arith.addf %add3A_81, %slice3A_87 : vector<1x8xf32>
    %slice3A_89 = vector.extract_strided_slice %convert_element_type3A_45 {offsets = [1536, 0], sizes = [256, 8], strides = [1, 1]} : vector<4096x8xbf16> to vector<256x8xbf16>
    %dot_general3A_90 = arith.constant dense<0.000000e+00> : vector<256x8xf32>
    %dot_general3A_91 = tpu.matmul %convert_element_type3A_44, %slice3A_89, %dot_general3A_90 {dimension_numbers = #tpu.dot_dimension_numbers<[1], [0], [0], [1], [0, 0, 1, 1], [], []>, transpose_lhs_hint = false} : vector<256x256xbf16>, vector<256x8xbf16>, vector<256x8xf32> -> vector<256x8xf32>
    %add3A_92 = vector.broadcast %add3A_88 : vector<1x8xf32> to vector<256x8xf32>
    %add3A_93 = arith.addf %dot_general3A_91, %add3A_92 : vector<256x8xf32>
    %slice3A_94 = vector.extract_strided_slice %dot_general3A_91 {offsets = [255, 0], sizes = [1, 8], strides = [1, 1]} : vector<256x8xf32> to vector<1x8xf32>
    %add3A_95 = arith.addf %add3A_88, %slice3A_94 : vector<1x8xf32>
    %slice3A_96 = vector.extract_strided_slice %convert_element_type3A_45 {offsets = [1792, 0], sizes = [256, 8], strides = [1, 1]} : vector<4096x8xbf16> to vector<256x8xbf16>
    %dot_general3A_97 = arith.constant dense<0.000000e+00> : vector<256x8xf32>
    %dot_general3A_98 = tpu.matmul %convert_element_type3A_44, %slice3A_96, %dot_general3A_97 {dimension_numbers = #tpu.dot_dimension_numbers<[1], [0], [0], [1], [0, 0, 1, 1], [], []>, transpose_lhs_hint = false} : vector<256x256xbf16>, vector<256x8xbf16>, vector<256x8xf32> -> vector<256x8xf32>
    %add3A_99 = vector.broadcast %add3A_95 : vector<1x8xf32> to vector<256x8xf32>
    %add3A_100 = arith.addf %dot_general3A_98, %add3A_99 : vector<256x8xf32>
    %slice3A_101 = vector.extract_strided_slice %dot_general3A_98 {offsets = [255, 0], sizes = [1, 8], strides = [1, 1]} : vector<256x8xf32> to vector<1x8xf32>
    %add3A_102 = arith.addf %add3A_95, %slice3A_101 : vector<1x8xf32>
    %slice3A_103 = vector.extract_strided_slice %convert_element_type3A_45 {offsets = [2048, 0], sizes = [256, 8], strides = [1, 1]} : vector<4096x8xbf16> to vector<256x8xbf16>
    %dot_general3A_104 = arith.constant dense<0.000000e+00> : vector<256x8xf32>
    %dot_general3A_105 = tpu.matmul %convert_element_type3A_44, %slice3A_103, %dot_general3A_104 {dimension_numbers = #tpu.dot_dimension_numbers<[1], [0], [0], [1], [0, 0, 1, 1], [], []>, transpose_lhs_hint = false} : vector<256x256xbf16>, vector<256x8xbf16>, vector<256x8xf32> -> vector<256x8xf32>
    %add3A_106 = vector.broadcast %add3A_102 : vector<1x8xf32> to vector<256x8xf32>
    %add3A_107 = arith.addf %dot_general3A_105, %add3A_106 : vector<256x8xf32>
    %slice3A_108 = vector.extract_strided_slice %dot_general3A_105 {offsets = [255, 0], sizes = [1, 8], strides = [1, 1]} : vector<256x8xf32> to vector<1x8xf32>
    %add3A_109 = arith.addf %add3A_102, %slice3A_108 : vector<1x8xf32>
    %slice3A_110 = vector.extract_strided_slice %convert_element_type3A_45 {offsets = [2304, 0], sizes = [256, 8], strides = [1, 1]} : vector<4096x8xbf16> to vector<256x8xbf16>
    %dot_general3A_111 = arith.constant dense<0.000000e+00> : vector<256x8xf32>
    %dot_general3A_112 = tpu.matmul %convert_element_type3A_44, %slice3A_110, %dot_general3A_111 {dimension_numbers = #tpu.dot_dimension_numbers<[1], [0], [0], [1], [0, 0, 1, 1], [], []>, transpose_lhs_hint = false} : vector<256x256xbf16>, vector<256x8xbf16>, vector<256x8xf32> -> vector<256x8xf32>
    %add3A_113 = vector.broadcast %add3A_109 : vector<1x8xf32> to vector<256x8xf32>
    %add3A_114 = arith.addf %dot_general3A_112, %add3A_113 : vector<256x8xf32>
    %slice3A_115 = vector.extract_strided_slice %dot_general3A_112 {offsets = [255, 0], sizes = [1, 8], strides = [1, 1]} : vector<256x8xf32> to vector<1x8xf32>
    %add3A_116 = arith.addf %add3A_109, %slice3A_115 : vector<1x8xf32>
    %slice3A_117 = vector.extract_strided_slice %convert_element_type3A_45 {offsets = [2560, 0], sizes = [256, 8], strides = [1, 1]} : vector<4096x8xbf16> to vector<256x8xbf16>
    %dot_general3A_118 = arith.constant dense<0.000000e+00> : vector<256x8xf32>
    %dot_general3A_119 = tpu.matmul %convert_element_type3A_44, %slice3A_117, %dot_general3A_118 {dimension_numbers = #tpu.dot_dimension_numbers<[1], [0], [0], [1], [0, 0, 1, 1], [], []>, transpose_lhs_hint = false} : vector<256x256xbf16>, vector<256x8xbf16>, vector<256x8xf32> -> vector<256x8xf32>
    %add3A_120 = vector.broadcast %add3A_116 : vector<1x8xf32> to vector<256x8xf32>
    %add3A_121 = arith.addf %dot_general3A_119, %add3A_120 : vector<256x8xf32>
    %slice3A_122 = vector.extract_strided_slice %dot_general3A_119 {offsets = [255, 0], sizes = [1, 8], strides = [1, 1]} : vector<256x8xf32> to vector<1x8xf32>
    %add3A_123 = arith.addf %add3A_116, %slice3A_122 : vector<1x8xf32>
    %slice3A_124 = vector.extract_strided_slice %convert_element_type3A_45 {offsets = [2816, 0], sizes = [256, 8], strides = [1, 1]} : vector<4096x8xbf16> to vector<256x8xbf16>
    %dot_general3A_125 = arith.constant dense<0.000000e+00> : vector<256x8xf32>
    %dot_general3A_126 = tpu.matmul %convert_element_type3A_44, %slice3A_124, %dot_general3A_125 {dimension_numbers = #tpu.dot_dimension_numbers<[1], [0], [0], [1], [0, 0, 1, 1], [], []>, transpose_lhs_hint = false} : vector<256x256xbf16>, vector<256x8xbf16>, vector<256x8xf32> -> vector<256x8xf32>
    %add3A_127 = vector.broadcast %add3A_123 : vector<1x8xf32> to vector<256x8xf32>
    %add3A_128 = arith.addf %dot_general3A_126, %add3A_127 : vector<256x8xf32>
    %slice3A_129 = vector.extract_strided_slice %dot_general3A_126 {offsets = [255, 0], sizes = [1, 8], strides = [1, 1]} : vector<256x8xf32> to vector<1x8xf32>
    %add3A_130 = arith.addf %add3A_123, %slice3A_129 : vector<1x8xf32>
    %slice3A_131 = vector.extract_strided_slice %convert_element_type3A_45 {offsets = [3072, 0], sizes = [256, 8], strides = [1, 1]} : vector<4096x8xbf16> to vector<256x8xbf16>
    %dot_general3A_132 = arith.constant dense<0.000000e+00> : vector<256x8xf32>
    %dot_general3A_133 = tpu.matmul %convert_element_type3A_44, %slice3A_131, %dot_general3A_132 {dimension_numbers = #tpu.dot_dimension_numbers<[1], [0], [0], [1], [0, 0, 1, 1], [], []>, transpose_lhs_hint = false} : vector<256x256xbf16>, vector<256x8xbf16>, vector<256x8xf32> -> vector<256x8xf32>
    %add3A_134 = vector.broadcast %add3A_130 : vector<1x8xf32> to vector<256x8xf32>
    %add3A_135 = arith.addf %dot_general3A_133, %add3A_134 : vector<256x8xf32>
    %slice3A_136 = vector.extract_strided_slice %dot_general3A_133 {offsets = [255, 0], sizes = [1, 8], strides = [1, 1]} : vector<256x8xf32> to vector<1x8xf32>
    %add3A_137 = arith.addf %add3A_130, %slice3A_136 : vector<1x8xf32>
    %slice3A_138 = vector.extract_strided_slice %convert_element_type3A_45 {offsets = [3328, 0], sizes = [256, 8], strides = [1, 1]} : vector<4096x8xbf16> to vector<256x8xbf16>
    %dot_general3A_139 = arith.constant dense<0.000000e+00> : vector<256x8xf32>
    %dot_general3A_140 = tpu.matmul %convert_element_type3A_44, %slice3A_138, %dot_general3A_139 {dimension_numbers = #tpu.dot_dimension_numbers<[1], [0], [0], [1], [0, 0, 1, 1], [], []>, transpose_lhs_hint = false} : vector<256x256xbf16>, vector<256x8xbf16>, vector<256x8xf32> -> vector<256x8xf32>
    %add3A_141 = vector.broadcast %add3A_137 : vector<1x8xf32> to vector<256x8xf32>
    %add3A_142 = arith.addf %dot_general3A_140, %add3A_141 : vector<256x8xf32>
    %slice3A_143 = vector.extract_strided_slice %dot_general3A_140 {offsets = [255, 0], sizes = [1, 8], strides = [1, 1]} : vector<256x8xf32> to vector<1x8xf32>
    %add3A_144 = arith.addf %add3A_137, %slice3A_143 : vector<1x8xf32>
    %slice3A_145 = vector.extract_strided_slice %convert_element_type3A_45 {offsets = [3584, 0], sizes = [256, 8], strides = [1, 1]} : vector<4096x8xbf16> to vector<256x8xbf16>
    %dot_general3A_146 = arith.constant dense<0.000000e+00> : vector<256x8xf32>
    %dot_general3A_147 = tpu.matmul %convert_element_type3A_44, %slice3A_145, %dot_general3A_146 {dimension_numbers = #tpu.dot_dimension_numbers<[1], [0], [0], [1], [0, 0, 1, 1], [], []>, transpose_lhs_hint = false} : vector<256x256xbf16>, vector<256x8xbf16>, vector<256x8xf32> -> vector<256x8xf32>
    %add3A_148 = vector.broadcast %add3A_144 : vector<1x8xf32> to vector<256x8xf32>
    %add3A_149 = arith.addf %dot_general3A_147, %add3A_148 : vector<256x8xf32>
    %slice3A_150 = vector.extract_strided_slice %dot_general3A_147 {offsets = [255, 0], sizes = [1, 8], strides = [1, 1]} : vector<256x8xf32> to vector<1x8xf32>
    %add3A_151 = arith.addf %add3A_144, %slice3A_150 : vector<1x8xf32>
    %slice3A_152 = vector.extract_strided_slice %convert_element_type3A_45 {offsets = [3840, 0], sizes = [256, 8], strides = [1, 1]} : vector<4096x8xbf16> to vector<256x8xbf16>
    %dot_general3A_153 = arith.constant dense<0.000000e+00> : vector<256x8xf32>
    %dot_general3A_154 = tpu.matmul %convert_element_type3A_44, %slice3A_152, %dot_general3A_153 {dimension_numbers = #tpu.dot_dimension_numbers<[1], [0], [0], [1], [0, 0, 1, 1], [], []>, transpose_lhs_hint = false} : vector<256x256xbf16>, vector<256x8xbf16>, vector<256x8xf32> -> vector<256x8xf32>
    %add3A_155 = vector.broadcast %add3A_151 : vector<1x8xf32> to vector<256x8xf32>
    %add3A_156 = arith.addf %dot_general3A_154, %add3A_155 : vector<256x8xf32>
    %concatenate3A_157 = tpu.concatenate %add3A_51, %add3A_58, %add3A_65, %add3A_72, %add3A_79, %add3A_86, %add3A_93, %add3A_100, %add3A_107, %add3A_114, %add3A_121, %add3A_128, %add3A_135, %add3A_142, %add3A_149, %add3A_156 in 0 : vector<256x8xf32>, vector<256x8xf32>, vector<256x8xf32>, vector<256x8xf32>, vector<256x8xf32>, vector<256x8xf32>, vector<256x8xf32>, vector<256x8xf32>, vector<256x8xf32>, vector<256x8xf32>, vector<256x8xf32>, vector<256x8xf32>, vector<256x8xf32>, vector<256x8xf32>, vector<256x8xf32>, vector<256x8xf32> -> vector<4096x8xf32>
    %concatenate3A_158 = tpu.concatenate %convert_element_type3A_36, %convert_element_type3A_38 in 0 : vector<2048x8xf32>, vector<2048x8xf32> -> vector<4096x8xf32>
    %reduce_sum3A = arith.constant dense<0.000000e+00> : vector<8xf32>
    %reduce_sum3A_159 = vector.multi_reduction <add>, %convert_element_type3A_36, %reduce_sum3A [0] : vector<2048x8xf32> to vector<8xf32>
    %reduce_sum3A_160 = arith.constant dense<0.000000e+00> : vector<8xf32>
    %reduce_sum3A_161 = vector.multi_reduction <add>, %convert_element_type3A_38, %reduce_sum3A_160 [0] : vector<2048x8xf32> to vector<8xf32>
    %add3A_162 = arith.addf %reduce_sum3A_159, %reduce_sum3A_161 : vector<8xf32>
    %sub3A_163 = arith.subf %concatenate3A_157, %concatenate3A_158 : vector<4096x8xf32>
    %slice3A_164 = vector.extract_strided_slice %sub3A_163 {offsets = [0, 0], sizes = [2048, 8], strides = [1, 1]} : vector<4096x8xf32> to vector<2048x8xf32>
    %slice3A_165 = vector.extract_strided_slice %sub3A_163 {offsets = [2048, 0], sizes = [2048, 8], strides = [1, 1]} : vector<4096x8xf32> to vector<2048x8xf32>
    %div3A_166 = arith.constant 5.120000e+02 : f32
    %div3A_167 = vector.broadcast %div3A_166 : f32 to vector<8xf32>
    %div3A_168 = arith.divf %add3A_162, %div3A_167 : vector<8xf32>
    %ceil3A = math.ceil %div3A_168 : vector<8xf32>
    %mul3A = arith.constant 5.120000e+02 : f32
    %mul3A_169 = vector.broadcast %mul3A : f32 to vector<8xf32>
    %mul3A_170 = arith.mulf %ceil3A, %mul3A_169 : vector<8xf32>
    %iota3A_171 = tpu.iota {dimensions = array<i32: 0>} : vector<8x8xi32>
    %iota3A_172 = tpu.iota {dimensions = array<i32: 1>} : vector<8x8xi32>
    %le3A = arith.cmpi sle, %iota3A_171, %iota3A_172 : vector<8x8xi32>
    %convert_element_type3A_173 = arith.extui %le3A : vector<8x8xi1> to vector<8x8xi32>
    %convert_element_type3A_174 = arith.sitofp %convert_element_type3A_173 : vector<8x8xi32> to vector<8x8xf32>
    %broadcast_in_dim3A_175 = vector.shape_cast %mul3A_170 : vector<8xf32> to vector<8x1xf32>
    %mul3A_176 = vector.broadcast %broadcast_in_dim3A_175 : vector<8x1xf32> to vector<8x8xf32>
    %mul3A_177 = arith.mulf %mul3A_176, %convert_element_type3A_174 : vector<8x8xf32>
    %reduce_sum3A_178 = arith.constant dense<0.000000e+00> : vector<8xf32>
    %reduce_sum3A_179 = vector.multi_reduction <add>, %mul3A_177, %reduce_sum3A_178 [0] : vector<8x8xf32> to vector<8xf32>
    %sub3A_180 = arith.subf %reduce_sum3A_179, %mul3A_170 : vector<8xf32>
    %broadcast_in_dim3A_181 = vector.shape_cast %sub3A_180 : vector<8xf32> to vector<1x8xf32>
    %add3A_182 = vector.broadcast %broadcast_in_dim3A_181 : vector<1x8xf32> to vector<2048x8xf32>
    %add3A_183 = arith.addf %slice3A_164, %add3A_182 : vector<2048x8xf32>
    %mul3A_184 = arith.mulf %convert_element_type3A_36, %add3A_183 : vector<2048x8xf32>
    %reduce_sum3A_185 = arith.constant dense<0.000000e+00> : vector<2048xf32>
    %reduce_sum3A_186 = vector.multi_reduction <add>, %mul3A_184, %reduce_sum3A_185 [1] : vector<2048x8xf32> to vector<2048xf32>
    %broadcast_in_dim3A_187 = vector.shape_cast %sub3A_180 : vector<8xf32> to vector<1x8xf32>
    %add3A_188 = vector.broadcast %broadcast_in_dim3A_187 : vector<1x8xf32> to vector<2048x8xf32>
    %add3A_189 = arith.addf %slice3A_165, %add3A_188 : vector<2048x8xf32>
    %mul3A_190 = arith.mulf %convert_element_type3A_38, %add3A_189 : vector<2048x8xf32>
    %reduce_sum3A_191 = arith.constant dense<0.000000e+00> : vector<2048xf32>
    %reduce_sum3A_192 = vector.multi_reduction <add>, %mul3A_190, %reduce_sum3A_191 [1] : vector<2048x8xf32> to vector<2048xf32>
    %convert_element_type3A_193 = arith.fptosi %reduce_sum3A_186 : vector<2048xf32> to vector<2048xi32>
    %swap3A = arith.constant 0 : index
    %swap3A_194 = vector.load %arg2[%swap3A] : memref<2048xi32, #tpu.memory_space<vmem>>, vector<2048xi32>
    tpu.vector_store %arg2[%swap3A], %convert_element_type3A_193 {strides = array<i32>} : memref<2048xi32, #tpu.memory_space<vmem>>, vector<2048xi32>,
    %convert_element_type3A_195 = arith.fptosi %reduce_sum3A_192 : vector<2048xf32> to vector<2048xi32>
    %swap3A_196 = arith.constant 0 : index
    %swap3A_197 = vector.load %arg3[%swap3A_196] : memref<2048xi32, #tpu.memory_space<vmem>>, vector<2048xi32>
    tpu.vector_store %arg3[%swap3A_196], %convert_element_type3A_195 {strides = array<i32>} : memref<2048xi32, #tpu.memory_space<vmem>>, vector<2048xi32>,
    %broadcast_in_dim3A_198 = vector.shape_cast %div3A_32 : vector<2048xf32> to vector<2048x1xf32>
    %broadcast_in_dim3A_199 = vector.shape_cast %broadcast_in_dim3A_198 : vector<2048x1xf32> to vector<2048x1xf32>
    %broadcast_in_dim3A_200 = vector.broadcast %broadcast_in_dim3A_199 : vector<2048x1xf32> to vector<2048x16xf32>
    %swap3A_201 = arith.constant 0 : index
    %swap3A_202 = arith.constant 0 : index
    %swap3A_203 = vector.load %arg4[%swap3A_201, %swap3A_202] : memref<2048x16xf32, #tpu.memory_space<vmem>>, vector<2048x16xf32>
    tpu.vector_store %arg4[%swap3A_201, %swap3A_202], %broadcast_in_dim3A_200 {strides = array<i32>} : memref<2048x16xf32, #tpu.memory_space<vmem>>, vector<2048x16xf32>,
    %broadcast_in_dim3A_204 = vector.shape_cast %sub3A_35 : vector<2048xf32> to vector<2048x1xf32>
    %broadcast_in_dim3A_205 = vector.shape_cast %broadcast_in_dim3A_204 : vector<2048x1xf32> to vector<2048x1xf32>
    %broadcast_in_dim3A_206 = vector.broadcast %broadcast_in_dim3A_205 : vector<2048x1xf32> to vector<2048x16xf32>
    %swap3A_207 = arith.constant 0 : index
    %swap3A_208 = arith.constant 0 : index
    %swap3A_209 = vector.load %arg5[%swap3A_207, %swap3A_208] : memref<2048x16xf32, #tpu.memory_space<vmem>>, vector<2048x16xf32>
    tpu.vector_store %arg5[%swap3A_207, %swap3A_208], %broadcast_in_dim3A_206 {strides = array<i32>} : memref<2048x16xf32, #tpu.memory_space<vmem>>, vector<2048x16xf32>,
    %iota3A_210 = tpu.iota {dimensions = array<i32: 1>} : vector<1x128xi32>
    %convert_element_type3A_211 = arith.sitofp %iota3A_210 : vector<1x128xi32> to vector<1x128xf32>
    %mul3A_212 = arith.constant 5.120000e+02 : f32
    %mul3A_213 = vector.broadcast %mul3A_212 : f32 to vector<1x128xf32>
    %mul3A_214 = arith.mulf %convert_element_type3A_211, %mul3A_213 : vector<1x128xf32>
    %broadcast_in_dim3A_215 = vector.shape_cast %reduce_sum3A_179 : vector<8xf32> to vector<8x1xf32>
    %ge3A_216 = vector.broadcast %mul3A_214 : vector<1x128xf32> to vector<8x128xf32>
    %ge3A_217 = vector.broadcast %broadcast_in_dim3A_215 : vector<8x1xf32> to vector<8x128xf32>
    %ge3A_218 = arith.cmpf oge, %ge3A_216, %ge3A_217 : vector<8x128xf32>
    %convert_element_type3A_219 = arith.extui %ge3A_218 : vector<8x128xi1> to vector<8x128xi32>
    %reduce_sum3A_220 = arith.constant dense<0> : vector<128xi32>
    %reduce_sum3A_221 = vector.multi_reduction <add>, %convert_element_type3A_219, %reduce_sum3A_220 [0] : vector<8x128xi32> to vector<128xi32>
    %min3A = arith.constant 7 : i32
    %min3A_222 = vector.broadcast %min3A : i32 to vector<128xi32>
    %min3A_223 = arith.minsi %reduce_sum3A_221, %min3A_222 : vector<128xi32>
    %iota3A_224 = tpu.iota {dimensions = array<i32: 0>} : vector<8x128xi32>
    %broadcast_in_dim3A_225 = vector.shape_cast %min3A_223 : vector<128xi32> to vector<1x128xi32>
    %eq3A_226 = vector.broadcast %broadcast_in_dim3A_225 : vector<1x128xi32> to vector<8x128xi32>
    %eq3A_227 = arith.cmpi eq, %iota3A_224, %eq3A_226 : vector<8x128xi32>
    %convert_element_type3A_228 = arith.extui %eq3A_227 : vector<8x128xi1> to vector<8x128xi32>
    %convert_element_type3A_229 = arith.sitofp %convert_element_type3A_228 : vector<8x128xi32> to vector<8x128xf32>
    %broadcast_in_dim3A_230 = vector.shape_cast %sub3A_180 : vector<8xf32> to vector<8x1xf32>
    %mul3A_231 = vector.broadcast %broadcast_in_dim3A_230 : vector<8x1xf32> to vector<8x128xf32>
    %mul3A_232 = arith.mulf %convert_element_type3A_229, %mul3A_231 : vector<8x128xf32>
    %reduce_sum3A_233 = arith.constant dense<0.000000e+00> : vector<128xf32>
    %reduce_sum3A_234 = vector.multi_reduction <add>, %mul3A_232, %reduce_sum3A_233 [0] : vector<8x128xf32> to vector<128xf32>
    %broadcast_in_dim3A_235 = vector.shape_cast %add3A_162 : vector<8xf32> to vector<8x1xf32>
    %mul3A_236 = vector.broadcast %broadcast_in_dim3A_235 : vector<8x1xf32> to vector<8x128xf32>
    %mul3A_237 = arith.mulf %convert_element_type3A_229, %mul3A_236 : vector<8x128xf32>
    %reduce_sum3A_238 = arith.constant dense<0.000000e+00> : vector<128xf32>
    %reduce_sum3A_239 = vector.multi_reduction <add>, %mul3A_237, %reduce_sum3A_238 [0] : vector<8x128xf32> to vector<128xf32>
    %lt3A = arith.constant 8 : i32
    %lt3A_240 = vector.broadcast %lt3A : i32 to vector<128xi32>
    %lt3A_241 = arith.cmpi slt, %reduce_sum3A_221, %lt3A_240 : vector<128xi32>
    %squeeze3A_242 = vector.shape_cast %mul3A_214 : vector<1x128xf32> to vector<128xf32>
    %sub3A_243 = arith.subf %squeeze3A_242, %reduce_sum3A_234 : vector<128xf32>
    %lt3A_244 = arith.cmpf olt, %sub3A_243, %reduce_sum3A_239 : vector<128xf32>
    %and3A = arith.andi %lt3A_241, %lt3A_244 : vector<128xi1>
    %convert_element_type3A_245 = arith.extui %and3A : vector<128xi1> to vector<128xi32>
    %swap3A_246 = arith.constant 0 : index
    %swap3A_247 = vector.load %arg6[%swap3A_246] : memref<128xi32, #tpu.memory_space<vmem>>, vector<128xi32>
    tpu.vector_store %arg6[%swap3A_246], %min3A_223 {strides = array<i32>} : memref<128xi32, #tpu.memory_space<vmem>>, vector<128xi32>,
    %swap3A_248 = arith.constant 0 : index
    %swap3A_249 = vector.load %arg7[%swap3A_248] : memref<128xi32, #tpu.memory_space<vmem>>, vector<128xi32>
    tpu.vector_store %arg7[%swap3A_248], %convert_element_type3A_245 {strides = array<i32>} : memref<128xi32, #tpu.memory_space<vmem>>, vector<128xi32>,
    %broadcast_in_dim3A_250 = vector.shape_cast %div3A_32 : vector<2048xf32> to vector<2048x1xf32>
    %mul3A_251 = vector.broadcast %broadcast_in_dim3A_250 : vector<2048x1xf32> to vector<2048x8xf32>
    %mul3A_252 = arith.mulf %convert_element_type3A_36, %mul3A_251 : vector<2048x8xf32>
    %broadcast_in_dim3A_253 = vector.shape_cast %sub3A_35 : vector<2048xf32> to vector<2048x1xf32>
    %mul3A_254 = vector.broadcast %broadcast_in_dim3A_253 : vector<2048x1xf32> to vector<2048x8xf32>
    %mul3A_255 = arith.mulf %convert_element_type3A_38, %mul3A_254 : vector<2048x8xf32>
    %add3A_256 = arith.addf %mul3A_252, %mul3A_255 : vector<2048x8xf32>
    %reduce_sum3A_257 = arith.constant dense<0.000000e+00> : vector<8xf32>
    %reduce_sum3A_258 = vector.multi_reduction <add>, %add3A_256, %reduce_sum3A_257 [0] : vector<2048x8xf32> to vector<8xf32>
    %reduce_sum3A_259 = vector.shape_cast %reduce_sum3A_258 : vector<8xf32> to vector<1x8xf32>
    %reduce_sum3A_260 = arith.constant dense<0.000000e+00> : vector<1xf32>
    %reduce_sum3A_261 = vector.multi_reduction <add>, %reduce_sum3A_259, %reduce_sum3A_260 [1] : vector<1x8xf32> to vector<1xf32>
    %reduce_sum3A_262 = vector.shape_cast %reduce_sum3A_261 : vector<1xf32> to vector<1x1xf32>
    %reduce_sum3A_263 = vector.extract %reduce_sum3A_262[0, 0] : f32 from vector<1x1xf32>
    %div3A_264 = arith.constant 8.000000e+00 : f32
    %div3A_265 = arith.divf %reduce_sum3A_263, %div3A_264 : f32
    %sub3A_266 = vector.broadcast %div3A_265 : f32 to vector<8xf32>
    %sub3A_267 = arith.subf %reduce_sum3A_258, %sub3A_266 : vector<8xf32>
    %integer_pow3A = arith.mulf %sub3A_267, %sub3A_267 : vector<8xf32>
    %reduce_sum3A_268 = vector.shape_cast %integer_pow3A : vector<8xf32> to vector<1x8xf32>
    %reduce_sum3A_269 = arith.constant dense<0.000000e+00> : vector<1xf32>
    %reduce_sum3A_270 = vector.multi_reduction <add>, %reduce_sum3A_268, %reduce_sum3A_269 [1] : vector<1x8xf32> to vector<1xf32>
    %reduce_sum3A_271 = vector.shape_cast %reduce_sum3A_270 : vector<1xf32> to vector<1x1xf32>
    %reduce_sum3A_272 = vector.extract %reduce_sum3A_271[0, 0] : f32 from vector<1x1xf32>
    %div3A_273 = arith.constant 7.000000e+00 : f32
    %div3A_274 = arith.divf %reduce_sum3A_272, %div3A_273 : f32
    %mul3A_275 = arith.mulf %div3A_265, %div3A_265 : f32
    %add3A_276 = arith.constant 1.000000e-10 : f32
    %add3A_277 = arith.addf %mul3A_275, %add3A_276 : f32
    %div3A_278 = arith.divf %div3A_274, %add3A_277 : f32
    %reduce_sum3A_279 = vector.shape_cast %add3A_162 : vector<8xf32> to vector<1x8xf32>
    %reduce_sum3A_280 = arith.constant dense<0.000000e+00> : vector<1xf32>
    %reduce_sum3A_281 = vector.multi_reduction <add>, %reduce_sum3A_279, %reduce_sum3A_280 [1] : vector<1x8xf32> to vector<1xf32>
    %reduce_sum3A_282 = vector.shape_cast %reduce_sum3A_281 : vector<1xf32> to vector<1x1xf32>
    %reduce_sum3A_283 = vector.extract %reduce_sum3A_282[0, 0] : f32 from vector<1x1xf32>
    %div3A_284 = arith.constant 8.000000e+00 : f32
    %div3A_285 = arith.divf %reduce_sum3A_283, %div3A_284 : f32
    %sub3A_286 = vector.broadcast %div3A_285 : f32 to vector<8xf32>
    %sub3A_287 = arith.subf %add3A_162, %sub3A_286 : vector<8xf32>
    %integer_pow3A_288 = arith.mulf %sub3A_287, %sub3A_287 : vector<8xf32>
    %reduce_sum3A_289 = vector.shape_cast %integer_pow3A_288 : vector<8xf32> to vector<1x8xf32>
    %reduce_sum3A_290 = arith.constant dense<0.000000e+00> : vector<1xf32>
    %reduce_sum3A_291 = vector.multi_reduction <add>, %reduce_sum3A_289, %reduce_sum3A_290 [1] : vector<1x8xf32> to vector<1xf32>
    %reduce_sum3A_292 = vector.shape_cast %reduce_sum3A_291 : vector<1xf32> to vector<1x1xf32>
    %reduce_sum3A_293 = vector.extract %reduce_sum3A_292[0, 0] : f32 from vector<1x1xf32>
    %div3A_294 = arith.constant 7.000000e+00 : f32
    %div3A_295 = arith.divf %reduce_sum3A_293, %div3A_294 : f32
    %mul3A_296 = arith.mulf %div3A_285, %div3A_285 : f32
    %add3A_297 = arith.constant 1.000000e-10 : f32
    %add3A_298 = arith.addf %mul3A_296, %add3A_297 : f32
    %div3A_299 = arith.divf %div3A_295, %add3A_298 : f32
    %add3A_300 = arith.addf %div3A_278, %div3A_299 : f32
    %mul3A_301 = arith.constant 0.00999999977 : f32
    %mul3A_302 = arith.mulf %add3A_300, %mul3A_301 : f32
    %broadcast_in_dim3A_303 = vector.broadcast %mul3A_302 : f32 to vector<1x128xf32>
    %swap3A_304 = arith.constant 0 : index
    %swap3A_305 = arith.constant 0 : index
    %swap3A_306 = vector.load %arg8[%swap3A_304, %swap3A_305] : memref<1x128xf32, #tpu.memory_space<vmem>>, vector<1x128xf32>
    tpu.vector_store %arg8[%swap3A_304, %swap3A_305], %broadcast_in_dim3A_303 {strides = array<i32>} : memref<1x128xf32, #tpu.memory_space<vmem>>, vector<1x128xf32>,
    return
  }
}

</mosaic_0001>

<sc_bundles>
// kernel: kernel.6.cloned.1.call-start
scs
__scs_entry_jumppad:
0x0: {  	(pc) =	sbr.rel $0x88, $3  }
0x1: {  	(tag) =	ssettag $0x0;
	lr =	simm.s32 $0x1  }
0x2: {  	[smem:$0x3F9B] =	sst lr;
	_ =	strace $0xD0000000  }
0x3: {  	_ = 	snop  }
0x4: {  	_ = 	snop  }
0x5: {  	_ = 	snop  }
0x6: {  	_ = 	snop  }
0x7: {  	_ = 	snop  }
__scs_overlays_trampoline_lowered:
0x8: {  	[smem:$0x3FAA] =	sst s0  }
0x9: {  	[smem:$0x3FAB] =	sst s1  }
0xa: {  	[smem:$0x3FAC] =	sst s2  }
0xb: {  	[smem:$0x3FAD] =	sst s3  }
0xc: {  	[smem:$0x3FAE] =	sst s4  }
0xd: {  	[smem:$0x3FAF] =	sst s5  }
0xe: {  	[smem:$0x3FB0] =	sst s6  }
0xf: {  	[smem:$0x3FB1] =	sst s7  }
0x10: {  	[smem:$0x3FB2] =	sst s8  }
0x11: {  	[smem:$0x3FB3] =	sst s9;
	s0 =	simm.s32 @!p0 $0x0  }
0x12: {  	s1 =	sld [smem:$0x3F99];
	s0 =	simm.s32 @p0 $0x1  }
0x13: {  	[smem:$0x3FB4] =	sst s0;
	s0 =	simm.s32 @!p1 $0x0  }
0x14: {  	s2 =	sld [smem:$0x3F98];
	s0 =	simm.s32 @p1 $0x1  }
0x15: {  	[smem:$0x3FB5] =	sst s0;
	s0 =	simm.s32 @!p2 $0x0  }
0x16: {  	s3 =	sld [smem:$0x3FDB];
	s0 =	simm.s32 @p2 $0x1  }
0x17: {  	s4 =	simm.s32 $0x1BF5;
	[smem:$0x3FB7] =	sst s0  }
0x18: {  	s0 =	sld [smem:$0x3F9A];
	_ =	swait.ge [sflag:s4], $0x0  }
0x19: {  	s7 =	sld [smem:$0x3F9B]  }
0x1a: {  	s8 =	sadd.s32 $0xFFFFE003, lr  }
0x1b: {  	s9 =	sadd.s32 $0xFFFFFEF7, lr;
	s5 =	simm.s32 $0xFFFFFFFF;
	p2 =	slt.u32 s8, $0xFFFFF086  }
0x1c: {  	p1 =	slt.u32 s9, $0xF7A;
	s5 =	simm.s32 @!p2 $0x0  }
0x1d: {  	s5 =	simm.s32 @p1 $0x1;
	p0 =	seq.s32 s7, s2  }
0x1e: {  	s7 =	smul.u32 @!p0 $0xF7A, s2;
	p2 =	seq.s32 @!p0 s5, $0x0  }
0x1f: {  	s9 =	smul.u32 $0xF7A, s1;
	s8 =	simm.s32 @!p0 $0x1BF5;
	p2 =	por !p2, p0  }
0x20: {  	[sflag:s8] =	ssyncset.s32 @!p0 $0xFFFFF086;
	s6 =	sadd.s32 @!p0 s3, s7;
	s7 =	simm.s32 @!p0 $0x108  }
0x21: {  	s3 =	sadd.s32 s3, s9;
	s6 =	sadd.s32 @!p0 $0x88, s6;
	s7 =	simm.s32 @p2 $0x1082  }
0x22: {  	[simem:s7], [sflag:s8] =	dma.local @!p0 [hbm:s6], $0xF7A  }
0x23: {  	s9 =	sor.u32 $0xD0000000, s2;
	s6 =	simm.s32 $0x108;
	_ =	swait.ge @!p0 [sflag:s8], $0x0  }
0x24: {  	s3 =	sadd.s32 $0x88, s3;
	s6 =	simm.s32 @!p1 $0x1082;
	[sflag:s4] =	ssyncset.s32 $0xFFFFF086  }
0x25: {  	[simem:s6], [sflag:s4] =	dma.local [hbm:s3], $0xF7A  }
0x26: {  	[smem:$0x3F9B] =	sst s1;
	(tag) =	ssettag s2;
	_ =	strace s9  }
0x27: {  	s1 =	sld [smem:$0x3FAB]  }
0x28: {  	s2 =	sld [smem:$0x3FAC]  }
0x29: {  	s4 =	sld [smem:$0x3FAE]  }
0x2a: {  	p0 =	seq.s32 s5, $0x0;
	s5 =	sld [smem:$0x3FAF]  }
0x2b: {  	s6 =	sld [smem:$0x3FB0]  }
0x2c: {  	s7 =	sld [smem:$0x3FB1]  }
0x2d: {  	s3 =	simm.s32 $0x108;
	s8 =	sld [smem:$0x3FB2]  }
0x2e: {  	s3 =	simm.s32 @!p0 $0x1082;
	s9 =	sld [smem:$0x3FB3]  }
0x2f: {  	lr =	sadd.s32 s0, s3;
	s0 =	sld [smem:$0x3FAA]  }
0x30: {  	s3 =	sld [smem:$0x3FAD]  }
0x31: {  	[smem:$0x3FB6] =	sst s10  }
0x32: {  	s10 =	sld [smem:$0x3FB4];
	_ =	sdelay $0x3  }
0x33: {  	p0 =	seq.s32 s10, $0x1;
	s10 =	sld [smem:$0x3FB6];
	_ =	sdelay $0x3  }
0x34: {  	[smem:$0x3FB6] =	sst s10  }
0x35: {  	s10 =	sld [smem:$0x3FB5];
	_ =	sdelay $0x3  }
0x36: {  	p1 =	seq.s32 s10, $0x1;
	s10 =	sld [smem:$0x3FB6];
	_ =	sdelay $0x3  }
0x37: {  	[smem:$0x3FB6] =	sst s10  }
0x38: {  	s10 =	sld [smem:$0x3FB7]  }
0x39: {  	_ = 	snop;
	(pc) =	sbr.ind lr, $3  }
0x3a: {  	_ = 	snop  }
0x3b: {  	_ = 	snop  }
0x3c: {  	p2 =	seq.s32 s10, $0x1;
	s10 =	sld [smem:$0x3FB6]  }
0x3d: {  	_ =	shalt  }
0x3e: {  	_ =	shalt  }
0x3f: {  	_ =	shalt  }
0x40: {  	_ =	shalt  }
0x41: {  	_ =	shalt  }
0x42: {  	_ =	shalt  }
0x43: {  	_ =	shalt  }
0x44: {  	_ =	shalt  }
0x45: {  	_ =	shalt  }
0x46: {  	_ =	shalt  }
0x47: {  	_ =	shalt  }
0x48: {  	_ =	shalt  }
0x49: {  	_ =	shalt  }
0x4a: {  	_ =	shalt  }
0x4b: {  	_ =	shalt  }
0x4c: {  	_ =	shalt  }
0x4d: {  	_ =	shalt  }
0x4e: {  	_ =	shalt  }
0x4f: {  	_ =	shalt  }
0x50: {  	_ =	shalt  }
0x51: {  	_ =	shalt  }
0x52: {  	_ =	shalt  }
0x53: {  	_ =	shalt  }
0x54: {  	_ =	shalt  }
0x55: {  	_ =	shalt  }
0x56: {  	_ =	shalt  }
0x57: {  	_ =	shalt  }
0x58: {  	_ =	shalt  }
0x59: {  	_ =	shalt  }
0x5a: {  	_ =	shalt  }
0x5b: {  	_ =	shalt  }
0x5c: {  	_ =	shalt  }
0x5d: {  	_ =	shalt  }
0x5e: {  	_ =	shalt  }
0x5f: {  	_ =	shalt  }
0x60: {  	_ =	shalt  }
0x61: {  	_ =	shalt  }
0x62: {  	_ =	shalt  }
0x63: {  	_ =	shalt  }
0x64: {  	_ =	shalt  }
0x65: {  	_ =	shalt  }
0x66: {  	_ =	shalt  }
0x67: {  	_ =	shalt  }
0x68: {  	_ =	shalt  }
0x69: {  	_ =	shalt  }
0x6a: {  	_ =	shalt  }
0x6b: {  	_ =	shalt  }
0x6c: {  	_ =	shalt  }
0x6d: {  	_ =	shalt  }
0x6e: {  	_ =	shalt  }
0x6f: {  	_ =	shalt  }
0x70: {  	_ =	shalt  }
0x71: {  	_ =	shalt  }
0x72: {  	_ =	shalt  }
0x73: {  	_ =	shalt  }
0x74: {  	_ =	shalt  }
0x75: {  	_ =	shalt  }
0x76: {  	_ =	shalt  }
0x77: {  	_ =	shalt  }
0x78: {  	_ =	shalt  }
0x79: {  	_ =	shalt  }
0x7a: {  	_ =	shalt  }
0x7b: {  	_ =	shalt  }
0x7c: {  	_ =	shalt  }
0x7d: {  	_ =	shalt  }
0x7e: {  	_ =	shalt  }
0x7f: {  	_ =	shalt  }
0x80: {  	_ =	shalt  }
0x81: {  	_ =	shalt  }
0x82: {  	_ =	shalt  }
0x83: {  	_ =	shalt  }
0x84: {  	_ =	shalt  }
0x85: {  	_ =	shalt  }
0x86: {  	_ =	shalt  }
0x87: {  	_ =	shalt  }
.Lfunc_end0:
.L_simem_size_0:
called_computation_lowered:
.L_overlay_start_0:
0x88: {  	s2 =	sld [smem:$0x3FD9]  }
0x89: {  	s3 =	sld [smem:$0x3FFE];
	_ =	sdelay $0x1  }
0x8a: {  	s1 =	srdreg.scid  }
0x8b: {  	s0 =	sand.u32 $0x1, s1  }
0x8c: {  	s17 =	sshll.u32 s0, $0xA;
	s2 =	sadd.s32 s3, s2  }
0x8d: {  	s2 =	sadd.s32 s2, s17  }
0x8e: {  	[smem:$0x3FC2] =	sst s2  }
0x8f: {  	_ = 	snop  }
0x90: {  	s2 =	sld [smem:$0x3FC9];
	(tm) =	ssettm $0x1  }
0x91: {  	s18 =	sld [smem:$0x3FFB];
	_ =	sdelay $0x3  }
0x92: {  	_ =	strace s18  }
0x93: {  	s3 =	sld [smem:$0x3FFC];
	_ =	sdelay $0x3  }
0x94: {  	_ =	strace s3  }
0x95: {  	s3 =	sld [smem:$0x3FFD];
	_ =	sdelay $0x3  }
0x96: {  	_ =	strace s3  }
0x97: {  	_ =	strace $0x8FFFFFFF  }
0x98: {  	s19 =	sld [smem:$0x3FDB];
	_ =	sdelay $0x1  }
0x99: {  	s4 =	simm.s32 $_scs_section_size  }
0x9a: {  	s5 =	simm.s32 $_size__tile_overlayer_lowered;
	s6 =	simm.s32 $_tile_overlayer_lowered  }
0x9b: {  	s22 =	simm.s32 $0x1BFF;
	s21 =	sshll.u32 s6, $0x1;
	s3 =	sadd.s32 s4, s19  }
0x9c: {  	s7 =	simm.s32 $0x0;
	s20 =	sshll.u32 s5, $0x1;
	s5 =	sadd.s32 s21, s3  }
0x9d: {  	[timem:s7], [sflag:s22] =	dma.local [hbm:s5], s20  }
0x9e: {  	_ =	swait.ge [sflag:s22], s20  }
0x9f: {  	s4 =	ssub.s32 $0x0, s20;
	[sflag:s22] =	ssyncset.done $0x0  }
0xa0: {  	[sflag:s22] =	ssyncadd.s32 s4;
	_ =	sdelay $0x1  }
0xa1: {  	s23 =	simm.s32 $0x1B8B  }
0xa2: {  	_ =	swait.ge [sflag:s23], $0x1  }
0xa3: {  	[sflag:s23] =	ssyncset.done $0x0  }
0xa4: {  	s25 =	simm.s32 $0x1B8E;
	s24 =	sld [smem:$0x3FFE];
	[sflag:s23] =	ssyncadd.s32 $0xFFFFFFFF  }
0xa5: {  	s26 =	simm.s32 $execute0_lowered;
	[smem:$0x3FD2] =	sst s25  }
0xa6: {  	s5 =	sshll.u32 s26, $0x1;
	_ =	strace $0x80000046;
	[dreg:$0x1] =	wrdreg $0xFFFFFFFF  }
0xa7: {  	s28 =	simm.s32 $_size_execute0_lowered;
	s3 =	sadd.s32 s3, s5;
	[dreg:$0x0] =	wrdreg $0x0  }
0xa8: {  	s5 =	sshll.u32 s28, $0x1;
	[dreg:$0x2] =	wrdreg s3  }
0xa9: {  	[dreg:$0x3] =	wrdreg s5  }
0xaa: {  	[dreg:$0x4] =	wrdreg $0xC0  }
0xab: {  	_ =	task [dreg:s7], $0x5FFFF  }
0xac: {  	[dreg:$0x1] =	wrdreg $0xFFFFFFFF  }
0xad: {  	[dreg:$0x0] =	wrdreg $0x60  }
0xae: {  	[dreg:$0x2] =	wrdreg s2  }
0xaf: {  	[dreg:$0x3] =	wrdreg s24  }
0xb0: {  	[dreg:$0x4] =	wrdreg $0x9  }
0xb1: {  	_ =	task.clear_ibuf [dreg:s7], $0x5FFFF;
	_ =	strace $0x90000046  }
0xb2: {  	s29 =	simm.s32 $0x9;
	_ =	strace $0x80000048  }
0xb3: {  	_ =	swait.ge [sflag:s29], $0x1  }
0xb4: {  	[sflag:s29] =	ssyncadd.s32 $0xFFFFFFFF  }
0xb5: {  	_ =	strace $0x90000048  }
0xb6: {  	_ =	sfence  }
0xb7: {  	s30 =	sld [smem:$0x0];
	_ =	sdelay $0x2  }
0xb8: {  	s31 =	sshll.u32 s1, $0xD;
	s1 =	sshrl.u32 s1, $0x2  }
0xb9: {  	s3 =	sand.u32 $0x4000, s31;
	s1 =	sadd.s32 s1, s30  }
0xba: {  	s0 =	sor.u32 s3, s0;
	s1 =	sshll.u32 s1, $0x11  }
0xbb: {  	s0 =	sor.u32 s1, s0  }
0xbc: {  	s0 =	sadd.s32 $0x8F2B, s0  }
0xbd: {  	[sflag:s0] =	ssyncadd.remote.s32 $0x1  }
0xbe: {  	_ =	sfence.sel $0xFFFF  }
0xbf: {  	[dreg:$0x0] =	wrdreg $0xFFFFFFFF;
	(pc) =	sbr.abs _section_cstart, $3  }
0xc0: {  	[dreg:$0x1] =	wrdreg $0xFFFFFFFF  }
0xc1: {  	_ =	task.clear_ibuf [dreg:s7], $0x2FFFF;
	_ =	strace $0x9FFFFFFF  }
0xc2: {  	(tm) =	ssettm $0x7FFFFFFF  }
0xc3: {  	_ =	shalt  }
tec
execute0_lowered:
.L_overlay_start_1:
0x0: {  	(tag) =	ssettag $0x1  }
0x1: {  	s0 =	rddreg [dreg:$0x0]  }
0x2: {  	s1 =	rddreg [dreg:$0x1];
	s3 =	srdreg.scid  }
0x3: {  	s2 =	simm.s32 $0x0;
	s4 =	stileid.u32;
	s24 =	simm.s32 $0x80  }
0x4: {  	s25 =	simm.s32 $0x100;
	s26 =	simm.s32 $0x180;
	s9 =	simm.s32 $0x1  }
0x5: {  	s28 =	simm.s32 $0x9200;
	s29 =	simm.s32 $0x9A00;
	s30 =	simm.s32 $0xA200  }
0x6: {  	s31 =	simm.s32 $0xAA00;
	s10 =	simm.s32 $0x3;
	s15 =	simm.s32 $0x2A00  }
0x7: {  	s3 =	sand.u32 $0x1, s3;
	[smem:$0x7FF] =	sst s2;
	s4 =	sshll.u32 s4, $0x4  }
0x8: {  	s6 =	sadd.s32 $0x2C00, s1;
	_ =	strace $0x80000047;
	[dreg:$0x9] =	wrdreg s24  }
0x9: {  	s16 =	sadd.s32 $0x2E00, s1;
	s5 =	sshll.u32 s3, $0x3;
	[dreg:$0xa] =	wrdreg s25  }
0xa: {  	s20 =	ssub.s32 $0x2, s3;
	s3 =	sadd.s32 $0x13000, s1;
	[dreg:$0xb] =	wrdreg s26  }
0xb: {  	s24 =	simm.s32 $0x7A00;
	s25 =	simm.s32 $0x8200;
	s26 =	simm.s32 $0x8A00  }
0xc: {  	s4 =	sor.u32 s5, s4;
	s22 =	sshrl.u32 s20, $0x1;
	s5 =	sadd.s32 $0x13200, s1  }
0xd: {  	s7 =	sadd.s32 s6, s4;
	s8 =	smul.u32 $0x300, s4;
	s17 =	sadd.s32 s16, s4  }
0xe: {  	s4 =	sor.u32 $0x4, s4;
	s23 =	ssub.s32 s20, s22;
	[dreg:$0x3] =	wrdreg s7  }
0xf: {  	s20 =	simm.s32 $0x5200;
	s22 =	simm.s32 $0x5A00;
	[dreg:$0x4] =	wrdreg s17  }
0x10: {  	s6 =	sadd.s32 s6, s4;
	s19 =	smul.u32 $0x300, s4;
	s21 =	sadd.s32 s16, s4  }
0x11: {  	s4 =	sadd.s32 $0x13100, s1;
	s7 =	simm.s32 $0x200;
	s1 =	simm.s32 $0xBA00  }
0x12: {  	s16 =	simm.s32 $0x3200;
	s17 =	simm.s32 $0x3A00;
	[dreg:$0x6] =	wrdreg s6  }
0x13: {  	s18 =	sadd.s32 s0, s8;
	[dreg:$0x7] =	wrdreg s21;
	s6 =	smax.u32 s23, $0x1  }
0x14: {  	v2 =	vlaneseq.u32;
	s8 =	simm.s32 $0x6200;
	s21 =	simm.s32 $0x2;
	s23 =	simm.s32 $0x7200  }
0x15: {  	vm0 =	vmmov $0xffff;
	v1 =	vshrl.u32 v2, $0x3;
	[dreg:$0x5] =	wrdreg s18;
	s0 =	sadd.s32 s0, s19;
	s18 =	simm.s32 $0x4200  }
0x16: {  	v0 =	vand.u32 $0x7, v2;
	v2 =	vor.u32 $0x8, v2;
	v1 =	vmul.u32 $0x8, v1;
	s19 =	simm.s32 $0x4A00;
	[dreg:$0x8] =	wrdreg s0;
	s0 =	simm.s32 $0xB200  }
.LBB2_1:
0x17: {  	s11 =	rddreg [dreg:$0x3]  }
0x18: {  	s12 =	rddreg [dreg:$0x4]  }
0x19: {  	s13 =	rddreg [dreg:$0x9]  }
0x1a: {  	s14 =	rddreg [dreg:$0x5]  }
0x1b: {  	[tilespmem:s2], [sflag:$0x1] =	stream.linear.gather [hbm4b:s11+s2], $0x20, $0x38;
	[tilespmem:$0xC200] =	vst v63  }
0x1c: {  	s11 =	rddreg [dreg:$0x6]  }
0x1d: {  	[tilespmem:s13], [sflag:$0x1] =	stream.linear.gather [hbm4b:s12+s2], $0x20, $0x38;
	[tilespmem:$0xC200] =	vst v63  }
0x1e: {  	s12 =	rddreg [dreg:$0xa]  }
0x1f: {  	[tilespmem:s7], [sflag:$0x1] =	stream.linear.gather [hbm4b:s14+s2], $0x6000, $0x38;
	[tilespmem:$0xC200] =	vst v63  }
0x20: {  	s13 =	rddreg [dreg:$0x7]  }
0x21: {  	[tilespmem:s12], [sflag:$0x2] =	stream.linear.gather [hbm4b:s11+s2], $0x20, $0x38;
	[tilespmem:$0xC200] =	vst v63  }
0x22: {  	s14 =	rddreg [dreg:$0xb]  }
0x23: {  	[tilespmem:s14], [sflag:$0x2] =	stream.linear.gather [hbm4b:s13+s2], $0x20, $0x38;
	[tilespmem:$0xC200] =	vst v63  }
0x24: {  	s12 =	rddreg [dreg:$0x8]  }
0x25: {  	[tilespmem:s8], [sflag:$0x2] =	stream.linear.gather [hbm4b:s12+s2], $0x6000, $0x38;
	[tilespmem:$0xC200] =	vst v63  }
0x26: {  	_ =	swait.ge [sflag:s9], $0x20  }
0x27: {  	[sflag:s9] =	ssyncset.done $0x0  }
0x28: {  	[sflag:s9] =	ssyncadd.s32 $0xFFFFFFE0  }
0x29: {  	_ =	swait.ge [sflag:s9], $0x20  }
0x2a: {  	[sflag:s9] =	ssyncset.done $0x0  }
0x2b: {  	[sflag:s9] =	ssyncadd.s32 $0xFFFFFFE0  }
0x2c: {  	_ =	swait.ge [sflag:s9], $0x6000  }
0x2d: {  	[sflag:s9] =	ssyncset.done $0x0  }
0x2e: {  	[sflag:s9] =	ssyncadd.s32 $0xFFFFA000  }
0x2f: {  	v3 =	vld [tilespmem:$0x0];
	_ =	sdelay $0x4  }
0x30: {  	v4 =	vshrl.u32 v3, $0x3  }
0x31: {  	v4 =	vmul.u32 $0x30, v4  }
0x32: {  	v3 =	vand.u32 $0x7, v3  }
0x33: {  	v3 =	vor.u32 v3, v4  }
0x34: {  	v4 =	vperm.xlane v3, v0;
	_ =	sdelay $0x1  }
0x35: {  	v4 =	vadd.s32 v1, v4;
	_ =	sdelay $0x3  }
0x36: {  	v3 =	vperm.xlane v3, v2  }
0x37: {  	[hbm4b:s3+s2] =	stream.indirect_vreg.scatter [tilespmem:s7], [sflag:$0x3], $0x80, v4, vm0, $0xb8;
	[tilespmem:$0xC200] =	vst v63  }
0x38: {  	s11 =	simm.s32 $0xA00;
	v3 =	vadd.s32 v1, v3  }
0x39: {  	[hbm4b:s4+s2] =	stream.indirect_vreg.scatter [tilespmem:s11], [sflag:$0x3], $0x80, v4, vm0, $0xb8;
	[tilespmem:$0xC200] =	vst v63  }
0x3a: {  	s12 =	simm.s32 $0x1200  }
0x3b: {  	[hbm4b:s5+s2] =	stream.indirect_vreg.scatter [tilespmem:s12], [sflag:$0x3], $0x80, v4, vm0, $0xb8;
	[tilespmem:$0xC200] =	vst v63  }
0x3c: {  	s13 =	simm.s32 $0x1A00  }
0x3d: {  	[hbm4b:s3+s2] =	stream.indirect_vreg.scatter [tilespmem:s13], [sflag:$0x3], $0x80, v3, vm0, $0xb8;
	[tilespmem:$0xC200] =	vst v63  }
0x3e: {  	s14 =	simm.s32 $0x2200  }
0x3f: {  	[hbm4b:s4+s2] =	stream.indirect_vreg.scatter [tilespmem:s14], [sflag:$0x3], $0x80, v3, vm0, $0xb8;
	[tilespmem:$0xC200] =	vst v63  }
0x40: {  	_ = 	snop  }
0x41: {  	[hbm4b:s5+s2] =	stream.indirect_vreg.scatter [tilespmem:s15], [sflag:$0x3], $0x80, v3, vm0, $0xb8;
	[tilespmem:$0xC200] =	vst v63  }
0x42: {  	v3 =	vld [tilespmem:$0x10];
	_ =	sdelay $0x4  }
0x43: {  	v57 =	vshrl.u32 v3, $0x3  }
0x44: {  	v4 =	vmul.u32 $0x30, v57  }
0x45: {  	v3 =	vand.u32 $0x7, v3  }
0x46: {  	v3 =	vor.u32 v3, v4  }
0x47: {  	v4 =	vperm.xlane v3, v0;
	_ =	sdelay $0x1  }
0x48: {  	v4 =	vadd.s32 v1, v4;
	_ =	sdelay $0x3  }
0x49: {  	v3 =	vperm.xlane v3, v2  }
0x4a: {  	[hbm4b:s3+s2] =	stream.indirect_vreg.scatter [tilespmem:s16], [sflag:$0x3], $0x80, v4, vm0, $0xb8;
	[tilespmem:$0xC200] =	vst v63  }
0x4b: {  	v3 =	vadd.s32 v1, v3  }
0x4c: {  	[hbm4b:s4+s2] =	stream.indirect_vreg.scatter [tilespmem:s17], [sflag:$0x3], $0x80, v4, vm0, $0xb8;
	[tilespmem:$0xC200] =	vst v63  }
0x4d: {  	_ = 	snop  }
0x4e: {  	[hbm4b:s5+s2] =	stream.indirect_vreg.scatter [tilespmem:s18], [sflag:$0x3], $0x80, v4, vm0, $0xb8;
	[tilespmem:$0xC200] =	vst v63  }
0x4f: {  	_ = 	snop  }
0x50: {  	[hbm4b:s3+s2] =	stream.indirect_vreg.scatter [tilespmem:s19], [sflag:$0x3], $0x80, v3, vm0, $0xb8;
	[tilespmem:$0xC200] =	vst v63  }
0x51: {  	_ = 	snop  }
0x52: {  	[hbm4b:s4+s2] =	stream.indirect_vreg.scatter [tilespmem:s20], [sflag:$0x3], $0x80, v3, vm0, $0xb8;
	[tilespmem:$0xC200] =	vst v63  }
0x53: {  	_ = 	snop  }
0x54: {  	[hbm4b:s5+s2] =	stream.indirect_vreg.scatter [tilespmem:s22], [sflag:$0x3], $0x80, v3, vm0, $0xb8;
	[tilespmem:$0xC200] =	vst v63  }
0x55: {  	v3 =	vld [tilespmem:$0x80];
	_ =	sdelay $0x4  }
0x56: {  	v58 =	vshrl.u32 v3, $0x3  }
0x57: {  	v4 =	vmul.u32 $0x30, v58  }
0x58: {  	v3 =	vand.u32 $0x7, v3  }
0x59: {  	v3 =	vor.u32 v3, v4  }
0x5a: {  	v4 =	vperm.xlane v3, v0;
	_ =	sdelay $0x1  }
0x5b: {  	v4 =	vadd.s32 v1, v4;
	_ =	sdelay $0x3  }
0x5c: {  	v3 =	vperm.xlane v3, v2  }
0x5d: {  	[hbm4b:s3+s2] =	stream.indirect_vreg.scatter [tilespmem:s7], [sflag:$0x3], $0x80, v4, vm0, $0xb8;
	[tilespmem:$0xC200] =	vst v63  }
0x5e: {  	v3 =	vadd.s32 v1, v3  }
0x5f: {  	[hbm4b:s4+s2] =	stream.indirect_vreg.scatter [tilespmem:s11], [sflag:$0x3], $0x80, v4, vm0, $0xb8;
	[tilespmem:$0xC200] =	vst v63  }
0x60: {  	_ = 	snop  }
0x61: {  	[hbm4b:s5+s2] =	stream.indirect_vreg.scatter [tilespmem:s12], [sflag:$0x3], $0x80, v4, vm0, $0xb8;
	[tilespmem:$0xC200] =	vst v63  }
0x62: {  	_ = 	snop  }
0x63: {  	[hbm4b:s3+s2] =	stream.indirect_vreg.scatter [tilespmem:s13], [sflag:$0x3], $0x80, v3, vm0, $0xb8;
	[tilespmem:$0xC200] =	vst v63  }
0x64: {  	_ = 	snop  }
0x65: {  	[hbm4b:s4+s2] =	stream.indirect_vreg.scatter [tilespmem:s14], [sflag:$0x3], $0x80, v3, vm0, $0xb8;
	[tilespmem:$0xC200] =	vst v63  }
0x66: {  	_ = 	snop  }
0x67: {  	[hbm4b:s5+s2] =	stream.indirect_vreg.scatter [tilespmem:s15], [sflag:$0x3], $0x80, v3, vm0, $0xb8;
	[tilespmem:$0xC200] =	vst v63  }
0x68: {  	v3 =	vld [tilespmem:$0x90];
	_ =	sdelay $0x4  }
0x69: {  	v59 =	vshrl.u32 v3, $0x3  }
0x6a: {  	v4 =	vmul.u32 $0x30, v59  }
0x6b: {  	v3 =	vand.u32 $0x7, v3  }
0x6c: {  	v3 =	vor.u32 v3, v4  }
0x6d: {  	v4 =	vperm.xlane v3, v0;
	_ =	sdelay $0x1  }
0x6e: {  	v4 =	vadd.s32 v1, v4;
	_ =	sdelay $0x3  }
0x6f: {  	v3 =	vperm.xlane v3, v2  }
0x70: {  	[hbm4b:s3+s2] =	stream.indirect_vreg.scatter [tilespmem:s16], [sflag:$0x3], $0x80, v4, vm0, $0xb8;
	[tilespmem:$0xC200] =	vst v63  }
0x71: {  	v3 =	vadd.s32 v1, v3  }
0x72: {  	[hbm4b:s4+s2] =	stream.indirect_vreg.scatter [tilespmem:s17], [sflag:$0x3], $0x80, v4, vm0, $0xb8;
	[tilespmem:$0xC200] =	vst v63  }
0x73: {  	_ = 	snop  }
0x74: {  	[hbm4b:s5+s2] =	stream.indirect_vreg.scatter [tilespmem:s18], [sflag:$0x3], $0x80, v4, vm0, $0xb8;
	[tilespmem:$0xC200] =	vst v63  }
0x75: {  	_ = 	snop  }
0x76: {  	[hbm4b:s3+s2] =	stream.indirect_vreg.scatter [tilespmem:s19], [sflag:$0x3], $0x80, v3, vm0, $0xb8;
	[tilespmem:$0xC200] =	vst v63  }
0x77: {  	_ = 	snop  }
0x78: {  	[hbm4b:s4+s2] =	stream.indirect_vreg.scatter [tilespmem:s20], [sflag:$0x3], $0x80, v3, vm0, $0xb8;
	[tilespmem:$0xC200] =	vst v63  }
0x79: {  	_ = 	snop  }
0x7a: {  	[hbm4b:s5+s2] =	stream.indirect_vreg.scatter [tilespmem:s22], [sflag:$0x3], $0x80, v3, vm0, $0xb8;
	[tilespmem:$0xC200] =	vst v63  }
0x7b: {  	_ =	swait.ge [sflag:s21], $0x20  }
0x7c: {  	[sflag:s21] =	ssyncset.done $0x0  }
0x7d: {  	[sflag:s21] =	ssyncadd.s32 $0xFFFFFFE0  }
0x7e: {  	_ =	swait.ge [sflag:s21], $0x20  }
0x7f: {  	[sflag:s21] =	ssyncset.done $0x0  }
0x80: {  	[sflag:s21] =	ssyncadd.s32 $0xFFFFFFE0  }
0x81: {  	_ =	swait.ge [sflag:s21], $0x6000  }
0x82: {  	[sflag:s21] =	ssyncset.done $0x0  }
0x83: {  	[sflag:s21] =	ssyncadd.s32 $0xFFFFA000  }
0x84: {  	v3 =	vld [tilespmem:$0x100];
	_ =	sdelay $0x4  }
0x85: {  	v60 =	vshrl.u32 v3, $0x3  }
0x86: {  	v4 =	vmul.u32 $0x30, v60  }
0x87: {  	v3 =	vand.u32 $0x7, v3  }
0x88: {  	v3 =	vor.u32 v3, v4  }
0x89: {  	v4 =	vperm.xlane v3, v0;
	_ =	sdelay $0x1  }
0x8a: {  	v4 =	vadd.s32 v1, v4;
	_ =	sdelay $0x3  }
0x8b: {  	v3 =	vperm.xlane v3, v2  }
0x8c: {  	[hbm4b:s3+s2] =	stream.indirect_vreg.scatter [tilespmem:s8], [sflag:$0x3], $0x80, v4, vm0, $0xb8;
	[tilespmem:$0xC200] =	vst v63  }
0x8d: {  	s14 =	simm.s32 $0x6A00;
	v3 =	vadd.s32 v1, v3  }
0x8e: {  	[hbm4b:s4+s2] =	stream.indirect_vreg.scatter [tilespmem:s14], [sflag:$0x3], $0x80, v4, vm0, $0xb8;
	[tilespmem:$0xC200] =	vst v63  }
0x8f: {  	_ = 	snop  }
0x90: {  	[hbm4b:s5+s2] =	stream.indirect_vreg.scatter [tilespmem:s23], [sflag:$0x3], $0x80, v4, vm0, $0xb8;
	[tilespmem:$0xC200] =	vst v63  }
0x91: {  	_ = 	snop  }
0x92: {  	[hbm4b:s3+s2] =	stream.indirect_vreg.scatter [tilespmem:s24], [sflag:$0x3], $0x80, v3, vm0, $0xb8;
	[tilespmem:$0xC200] =	vst v63  }
0x93: {  	_ = 	snop  }
0x94: {  	[hbm4b:s4+s2] =	stream.indirect_vreg.scatter [tilespmem:s25], [sflag:$0x3], $0x80, v3, vm0, $0xb8;
	[tilespmem:$0xC200] =	vst v63  }
0x95: {  	_ = 	snop  }
0x96: {  	[hbm4b:s5+s2] =	stream.indirect_vreg.scatter [tilespmem:s26], [sflag:$0x3], $0x80, v3, vm0, $0xb8;
	[tilespmem:$0xC200] =	vst v63  }
0x97: {  	v3 =	vld [tilespmem:$0x110];
	_ =	sdelay $0x4  }
0x98: {  	v61 =	vshrl.u32 v3, $0x3  }
0x99: {  	v4 =	vmul.u32 $0x30, v61  }
0x9a: {  	v3 =	vand.u32 $0x7, v3  }
0x9b: {  	v3 =	vor.u32 v3, v4  }
0x9c: {  	v4 =	vperm.xlane v3, v0;
	_ =	sdelay $0x1  }
0x9d: {  	v4 =	vadd.s32 v1, v4;
	_ =	sdelay $0x3  }
0x9e: {  	v3 =	vperm.xlane v3, v2  }
0x9f: {  	[hbm4b:s3+s2] =	stream.indirect_vreg.scatter [tilespmem:s28], [sflag:$0x3], $0x80, v4, vm0, $0xb8;
	[tilespmem:$0xC200] =	vst v63  }
0xa0: {  	v3 =	vadd.s32 v1, v3  }
0xa1: {  	[hbm4b:s4+s2] =	stream.indirect_vreg.scatter [tilespmem:s29], [sflag:$0x3], $0x80, v4, vm0, $0xb8;
	[tilespmem:$0xC200] =	vst v63  }
0xa2: {  	_ = 	snop  }
0xa3: {  	[hbm4b:s5+s2] =	stream.indirect_vreg.scatter [tilespmem:s30], [sflag:$0x3], $0x80, v4, vm0, $0xb8;
	[tilespmem:$0xC200] =	vst v63  }
0xa4: {  	_ = 	snop  }
0xa5: {  	[hbm4b:s3+s2] =	stream.indirect_vreg.scatter [tilespmem:s31], [sflag:$0x3], $0x80, v3, vm0, $0xb8;
	[tilespmem:$0xC200] =	vst v63  }
0xa6: {  	_ = 	snop  }
0xa7: {  	[hbm4b:s4+s2] =	stream.indirect_vreg.scatter [tilespmem:s0], [sflag:$0x3], $0x80, v3, vm0, $0xb8;
	[tilespmem:$0xC200] =	vst v63  }
0xa8: {  	_ = 	snop  }
0xa9: {  	[hbm4b:s5+s2] =	stream.indirect_vreg.scatter [tilespmem:s1], [sflag:$0x3], $0x80, v3, vm0, $0xb8;
	[tilespmem:$0xC200] =	vst v63  }
0xaa: {  	v3 =	vld [tilespmem:$0x180];
	_ =	sdelay $0x4  }
0xab: {  	v62 =	vshrl.u32 v3, $0x3  }
0xac: {  	v4 =	vmul.u32 $0x30, v62  }
0xad: {  	v3 =	vand.u32 $0x7, v3  }
0xae: {  	v3 =	vor.u32 v3, v4  }
0xaf: {  	v4 =	vperm.xlane v3, v0;
	_ =	sdelay $0x1  }
0xb0: {  	v4 =	vadd.s32 v1, v4;
	_ =	sdelay $0x3  }
0xb1: {  	v3 =	vperm.xlane v3, v2  }
0xb2: {  	[hbm4b:s3+s2] =	stream.indirect_vreg.scatter [tilespmem:s8], [sflag:$0x3], $0x80, v4, vm0, $0xb8;
	[tilespmem:$0xC200] =	vst v63  }
0xb3: {  	v3 =	vadd.s32 v1, v3  }
0xb4: {  	[hbm4b:s4+s2] =	stream.indirect_vreg.scatter [tilespmem:s14], [sflag:$0x3], $0x80, v4, vm0, $0xb8;
	[tilespmem:$0xC200] =	vst v63  }
0xb5: {  	_ = 	snop  }
0xb6: {  	[hbm4b:s5+s2] =	stream.indirect_vreg.scatter [tilespmem:s23], [sflag:$0x3], $0x80, v4, vm0, $0xb8;
	[tilespmem:$0xC200] =	vst v63  }
0xb7: {  	_ = 	snop  }
0xb8: {  	[hbm4b:s3+s2] =	stream.indirect_vreg.scatter [tilespmem:s24], [sflag:$0x3], $0x80, v3, vm0, $0xb8;
	[tilespmem:$0xC200] =	vst v63  }
0xb9: {  	_ = 	snop  }
0xba: {  	[hbm4b:s4+s2] =	stream.indirect_vreg.scatter [tilespmem:s25], [sflag:$0x3], $0x80, v3, vm0, $0xb8;
	[tilespmem:$0xC200] =	vst v63  }
0xbb: {  	_ = 	snop  }
0xbc: {  	[hbm4b:s5+s2] =	stream.indirect_vreg.scatter [tilespmem:s26], [sflag:$0x3], $0x80, v3, vm0, $0xb8;
	[tilespmem:$0xC200] =	vst v63  }
0xbd: {  	v3 =	vld [tilespmem:$0x190];
	_ =	sdelay $0x4  }
0xbe: {  	v63 =	vshrl.u32 v3, $0x3  }
0xbf: {  	v4 =	vmul.u32 $0x30, v63  }
0xc0: {  	v3 =	vand.u32 $0x7, v3  }
0xc1: {  	v3 =	vor.u32 v3, v4  }
0xc2: {  	v4 =	vperm.xlane v3, v0;
	_ =	sdelay $0x1  }
0xc3: {  	v4 =	vadd.s32 v1, v4;
	_ =	sdelay $0x3  }
0xc4: {  	v3 =	vperm.xlane v3, v2  }
0xc5: {  	[hbm4b:s3+s2] =	stream.indirect_vreg.scatter [tilespmem:s28], [sflag:$0x3], $0x80, v4, vm0, $0xb8;
	[tilespmem:$0xC200] =	vst v63  }
0xc6: {  	v3 =	vadd.s32 v1, v3  }
0xc7: {  	[hbm4b:s4+s2] =	stream.indirect_vreg.scatter [tilespmem:s29], [sflag:$0x3], $0x80, v4, vm0, $0xb8;
	[tilespmem:$0xC200] =	vst v63  }
0xc8: {  	_ = 	snop  }
0xc9: {  	[hbm4b:s5+s2] =	stream.indirect_vreg.scatter [tilespmem:s30], [sflag:$0x3], $0x80, v4, vm0, $0xb8;
	[tilespmem:$0xC200] =	vst v63  }
0xca: {  	_ = 	snop  }
0xcb: {  	[hbm4b:s3+s2] =	stream.indirect_vreg.scatter [tilespmem:s31], [sflag:$0x3], $0x80, v3, vm0, $0xb8;
	[tilespmem:$0xC200] =	vst v63  }
0xcc: {  	_ = 	snop  }
0xcd: {  	[hbm4b:s4+s2] =	stream.indirect_vreg.scatter [tilespmem:s0], [sflag:$0x3], $0x80, v3, vm0, $0xb8;
	[tilespmem:$0xC200] =	vst v63  }
0xce: {  	_ = 	snop  }
0xcf: {  	[hbm4b:s5+s2] =	stream.indirect_vreg.scatter [tilespmem:s1], [sflag:$0x3], $0x80, v3, vm0, $0xb8;
	[tilespmem:$0xC200] =	vst v63  }
0xd0: {  	_ =	swait.ge [sflag:s10], $0x6000  }
0xd1: {  	[sflag:s10] =	ssyncset.done $0x0  }
0xd2: {  	[sflag:s10] =	ssyncadd.s32 $0xFFFFA000  }
0xd3: {  	_ =	swait.ge [sflag:s10], $0x6000  }
0xd4: {  	[sflag:s10] =	ssyncset.done $0x0  }
0xd5: {  	[sflag:s10] =	ssyncadd.s32 $0xFFFFA000  }
0xd6: {  	p0 =	sne.s32 s6, $0x1;
	_ =	swait.ge [sflag:s10], $0x6000  }
.Ltmp0:
0xd7: {  	[sflag:s10] =	ssyncset.done $0x0;
	(pc) =	sbr.rel @p0 .LBB2_1-.Ltmp0, $4  }
0xd8: {  	[sflag:s10] =	ssyncadd.s32 $0xFFFFA000  }
0xd9: {  	_ =	swait.ge [sflag:s10], $0x6000  }
0xda: {  	[sflag:s10] =	ssyncset.done $0x0  }
0xdb: {  	s6 =	sadd.s32 $0xFFFFFFFF, s6;
	[sflag:s10] =	ssyncadd.s32 $0xFFFFA000  }
0xdc: {  	_ =	sfence.sel $0x180000  }
0xdd: {  	[bflag:$0x0] =	sbarrier.arrive $0xFFFF  }
0xde: {  	_ =	strace $0x90000047  }
0xdf: {  	s0 =	stileid.u32;
	[bflag:$0x2] =	sbarrier.arrive $0xFFFF  }
0xe0: {  	p0 =	sne.s32 s0, $0x0;
	s0 =	rddreg [dreg:$0x2]  }
0xe1: {  	s0 =	sadd.s32 @!p0 $0x100000, s0  }
0xe2: {  	[sflag:s0] =	ssyncadd.tile.s32 @!p0 $0x1;
	_ =	shalt  }
.Lfunc_end2:
_tile_overlayer_lowered:
.L_overlay_start_2:
0xe3: {  	(tag) =	ssettag $0x2  }
0xe4: {  	s0 =	rddreg [dreg:$0x0];
	s2 =	stileid.u32  }
0xe5: {  	s1 =	rddreg [dreg:$0x1];
	p0 =	sne.s32 s2, $0x0  }
0xe6: {  	s3 =	rddreg [dreg:$0x2];
	[bflag:$0x3] =	sbarrier.arrive $0xFFFF;
	s2 =	simm.s32 @!p0 $0x1C04  }
0xe7: {  	[timem:s3], [sflag:s2] =	dma.local @!p0 [hbm:s0], s1  }
0xe8: {  	s0 =	simm.s32 @!p0 $0x4  }
0xe9: {  	_ =	swait.ge @!p0 [sflag:s0], s1  }
0xea: {  	s1 =	ssub.s32 @!p0 $0x0, s1;
	[sflag:s0] =	ssyncset.done @!p0 $0x0  }
0xeb: {  	[sflag:s0] =	ssyncadd.s32 @!p0 s1  }
0xec: {  	[bflag:$0x3] =	sbarrier.arrive $0xFFFF  }
0xed: {  	_ =	shalt  }

// kernel: kernel.9.cloned.1.call-start
scs
__scs_entry_jumppad:
0x0: {  	(pc) =	sbr.rel $0x88, $3  }
0x1: {  	(tag) =	ssettag $0x0;
	lr =	simm.s32 $0x1  }
0x2: {  	[smem:$0x3F9B] =	sst lr;
	_ =	strace $0xD0000000  }
0x3: {  	_ = 	snop  }
0x4: {  	_ = 	snop  }
0x5: {  	_ = 	snop  }
0x6: {  	_ = 	snop  }
0x7: {  	_ = 	snop  }
__scs_overlays_trampoline_lowered:
0x8: {  	[smem:$0x3FAA] =	sst s0  }
0x9: {  	[smem:$0x3FAB] =	sst s1  }
0xa: {  	[smem:$0x3FAC] =	sst s2  }
0xb: {  	[smem:$0x3FAD] =	sst s3  }
0xc: {  	[smem:$0x3FAE] =	sst s4  }
0xd: {  	[smem:$0x3FAF] =	sst s5  }
0xe: {  	[smem:$0x3FB0] =	sst s6  }
0xf: {  	[smem:$0x3FB1] =	sst s7  }
0x10: {  	[smem:$0x3FB2] =	sst s8  }
0x11: {  	[smem:$0x3FB3] =	sst s9;
	s0 =	simm.s32 @!p0 $0x0  }
0x12: {  	s1 =	sld [smem:$0x3F99];
	s0 =	simm.s32 @p0 $0x1  }
0x13: {  	[smem:$0x3FB4] =	sst s0;
	s0 =	simm.s32 @!p1 $0x0  }
0x14: {  	s2 =	sld [smem:$0x3F98];
	s0 =	simm.s32 @p1 $0x1  }
0x15: {  	[smem:$0x3FB5] =	sst s0;
	s0 =	simm.s32 @!p2 $0x0  }
0x16: {  	s3 =	sld [smem:$0x3FDB];
	s0 =	simm.s32 @p2 $0x1  }
0x17: {  	s4 =	simm.s32 $0x1BF5;
	[smem:$0x3FB7] =	sst s0  }
0x18: {  	s0 =	sld [smem:$0x3F9A];
	_ =	swait.ge [sflag:s4], $0x0  }
0x19: {  	s7 =	sld [smem:$0x3F9B]  }
0x1a: {  	s8 =	sadd.s32 $0xFFFFE003, lr  }
0x1b: {  	s9 =	sadd.s32 $0xFFFFFEF7, lr;
	s5 =	simm.s32 $0xFFFFFFFF;
	p2 =	slt.u32 s8, $0xFFFFF086  }
0x1c: {  	p1 =	slt.u32 s9, $0xF7A;
	s5 =	simm.s32 @!p2 $0x0  }
0x1d: {  	s5 =	simm.s32 @p1 $0x1;
	p0 =	seq.s32 s7, s2  }
0x1e: {  	s7 =	smul.u32 @!p0 $0xF7A, s2;
	p2 =	seq.s32 @!p0 s5, $0x0  }
0x1f: {  	s9 =	smul.u32 $0xF7A, s1;
	s8 =	simm.s32 @!p0 $0x1BF5;
	p2 =	por !p2, p0  }
0x20: {  	[sflag:s8] =	ssyncset.s32 @!p0 $0xFFFFF086;
	s6 =	sadd.s32 @!p0 s3, s7;
	s7 =	simm.s32 @!p0 $0x108  }
0x21: {  	s3 =	sadd.s32 s3, s9;
	s6 =	sadd.s32 @!p0 $0x88, s6;
	s7 =	simm.s32 @p2 $0x1082  }
0x22: {  	[simem:s7], [sflag:s8] =	dma.local @!p0 [hbm:s6], $0xF7A  }
0x23: {  	s9 =	sor.u32 $0xD0000000, s2;
	s6 =	simm.s32 $0x108;
	_ =	swait.ge @!p0 [sflag:s8], $0x0  }
0x24: {  	s3 =	sadd.s32 $0x88, s3;
	s6 =	simm.s32 @!p1 $0x1082;
	[sflag:s4] =	ssyncset.s32 $0xFFFFF086  }
0x25: {  	[simem:s6], [sflag:s4] =	dma.local [hbm:s3], $0xF7A  }
0x26: {  	[smem:$0x3F9B] =	sst s1;
	(tag) =	ssettag s2;
	_ =	strace s9  }
0x27: {  	s1 =	sld [smem:$0x3FAB]  }
0x28: {  	s2 =	sld [smem:$0x3FAC]  }
0x29: {  	s4 =	sld [smem:$0x3FAE]  }
0x2a: {  	p0 =	seq.s32 s5, $0x0;
	s5 =	sld [smem:$0x3FAF]  }
0x2b: {  	s6 =	sld [smem:$0x3FB0]  }
0x2c: {  	s7 =	sld [smem:$0x3FB1]  }
0x2d: {  	s3 =	simm.s32 $0x108;
	s8 =	sld [smem:$0x3FB2]  }
0x2e: {  	s3 =	simm.s32 @!p0 $0x1082;
	s9 =	sld [smem:$0x3FB3]  }
0x2f: {  	lr =	sadd.s32 s0, s3;
	s0 =	sld [smem:$0x3FAA]  }
0x30: {  	s3 =	sld [smem:$0x3FAD]  }
0x31: {  	[smem:$0x3FB6] =	sst s10  }
0x32: {  	s10 =	sld [smem:$0x3FB4];
	_ =	sdelay $0x3  }
0x33: {  	p0 =	seq.s32 s10, $0x1;
	s10 =	sld [smem:$0x3FB6];
	_ =	sdelay $0x3  }
0x34: {  	[smem:$0x3FB6] =	sst s10  }
0x35: {  	s10 =	sld [smem:$0x3FB5];
	_ =	sdelay $0x3  }
0x36: {  	p1 =	seq.s32 s10, $0x1;
	s10 =	sld [smem:$0x3FB6];
	_ =	sdelay $0x3  }
0x37: {  	[smem:$0x3FB6] =	sst s10  }
0x38: {  	s10 =	sld [smem:$0x3FB7]  }
0x39: {  	_ = 	snop;
	(pc) =	sbr.ind lr, $3  }
0x3a: {  	_ = 	snop  }
0x3b: {  	_ = 	snop  }
0x3c: {  	p2 =	seq.s32 s10, $0x1;
	s10 =	sld [smem:$0x3FB6]  }
0x3d: {  	_ =	shalt  }
0x3e: {  	_ =	shalt  }
0x3f: {  	_ =	shalt  }
0x40: {  	_ =	shalt  }
0x41: {  	_ =	shalt  }
0x42: {  	_ =	shalt  }
0x43: {  	_ =	shalt  }
0x44: {  	_ =	shalt  }
0x45: {  	_ =	shalt  }
0x46: {  	_ =	shalt  }
0x47: {  	_ =	shalt  }
0x48: {  	_ =	shalt  }
0x49: {  	_ =	shalt  }
0x4a: {  	_ =	shalt  }
0x4b: {  	_ =	shalt  }
0x4c: {  	_ =	shalt  }
0x4d: {  	_ =	shalt  }
0x4e: {  	_ =	shalt  }
0x4f: {  	_ =	shalt  }
0x50: {  	_ =	shalt  }
0x51: {  	_ =	shalt  }
0x52: {  	_ =	shalt  }
0x53: {  	_ =	shalt  }
0x54: {  	_ =	shalt  }
0x55: {  	_ =	shalt  }
0x56: {  	_ =	shalt  }
0x57: {  	_ =	shalt  }
0x58: {  	_ =	shalt  }
0x59: {  	_ =	shalt  }
0x5a: {  	_ =	shalt  }
0x5b: {  	_ =	shalt  }
0x5c: {  	_ =	shalt  }
0x5d: {  	_ =	shalt  }
0x5e: {  	_ =	shalt  }
0x5f: {  	_ =	shalt  }
0x60: {  	_ =	shalt  }
0x61: {  	_ =	shalt  }
0x62: {  	_ =	shalt  }
0x63: {  	_ =	shalt  }
0x64: {  	_ =	shalt  }
0x65: {  	_ =	shalt  }
0x66: {  	_ =	shalt  }
0x67: {  	_ =	shalt  }
0x68: {  	_ =	shalt  }
0x69: {  	_ =	shalt  }
0x6a: {  	_ =	shalt  }
0x6b: {  	_ =	shalt  }
0x6c: {  	_ =	shalt  }
0x6d: {  	_ =	shalt  }
0x6e: {  	_ =	shalt  }
0x6f: {  	_ =	shalt  }
0x70: {  	_ =	shalt  }
0x71: {  	_ =	shalt  }
0x72: {  	_ =	shalt  }
0x73: {  	_ =	shalt  }
0x74: {  	_ =	shalt  }
0x75: {  	_ =	shalt  }
0x76: {  	_ =	shalt  }
0x77: {  	_ =	shalt  }
0x78: {  	_ =	shalt  }
0x79: {  	_ =	shalt  }
0x7a: {  	_ =	shalt  }
0x7b: {  	_ =	shalt  }
0x7c: {  	_ =	shalt  }
0x7d: {  	_ =	shalt  }
0x7e: {  	_ =	shalt  }
0x7f: {  	_ =	shalt  }
0x80: {  	_ =	shalt  }
0x81: {  	_ =	shalt  }
0x82: {  	_ =	shalt  }
0x83: {  	_ =	shalt  }
0x84: {  	_ =	shalt  }
0x85: {  	_ =	shalt  }
0x86: {  	_ =	shalt  }
0x87: {  	_ =	shalt  }
.Lfunc_end0:
.L_simem_size_0:
called_computation.1_lowered:
.L_overlay_start_0:
0x88: {  	s2 =	sld [smem:$0x3FD9]  }
0x89: {  	s3 =	sld [smem:$0x3FFE];
	_ =	sdelay $0x1  }
0x8a: {  	s1 =	srdreg.scid  }
0x8b: {  	s0 =	sand.u32 $0x1, s1  }
0x8c: {  	s14 =	sshll.u32 s0, $0xA;
	s2 =	sadd.s32 s3, s2  }
0x8d: {  	s2 =	sadd.s32 s2, s14  }
0x8e: {  	[smem:$0x3FC2] =	sst s2  }
0x8f: {  	_ = 	snop  }
0x90: {  	s2 =	sld [smem:$0x3FD0];
	_ =	sdelay $0x2  }
0x91: {  	s15 =	simm.s32 $0xA;
	s4 =	simm.s32 $0x10  }
0x92: {  	[smem:s4], [sflag:s15] =	dma.local [hbm:s2], $0x1  }
0x93: {  	_ =	swait.eq [sflag:s15], $0x1  }
0x94: {  	[sflag:s15] =	ssyncset.done $0x0  }
0x95: {  	[sflag:s15] =	ssyncadd.s32 $0xFFFFFFFF  }
0x96: {  	s16 =	sld [smem:$0x10];
	(tm) =	ssettm $0x1  }
0x97: {  	s17 =	sld [smem:$0x3FFB];
	_ =	sdelay $0x3  }
0x98: {  	_ =	strace s17  }
0x99: {  	s3 =	sld [smem:$0x3FFC];
	_ =	sdelay $0x3  }
0x9a: {  	_ =	strace s3  }
0x9b: {  	s3 =	sld [smem:$0x3FFD];
	_ =	sdelay $0x3  }
0x9c: {  	_ =	strace s3  }
0x9d: {  	_ =	strace $0x8FFFFFFF  }
0x9e: {  	s18 =	sld [smem:$0x3FDB];
	_ =	sdelay $0x1  }
0x9f: {  	s19 =	simm.s32 $_scs_section_size  }
0xa0: {  	s5 =	simm.s32 $_size__tile_overlayer_lowered;
	s6 =	simm.s32 $_tile_overlayer_lowered  }
0xa1: {  	s22 =	simm.s32 $0x1BFF;
	s21 =	sshll.u32 s6, $0x1;
	s3 =	sadd.s32 s19, s18  }
0xa2: {  	s7 =	simm.s32 $0x0;
	s20 =	sshll.u32 s5, $0x1;
	s5 =	sadd.s32 s21, s3  }
0xa3: {  	[timem:s7], [sflag:s22] =	dma.local [hbm:s5], s20  }
0xa4: {  	_ =	swait.ge [sflag:s22], s20  }
0xa5: {  	s4 =	ssub.s32 $0x0, s20;
	[sflag:s22] =	ssyncset.done $0x0  }
0xa6: {  	[sflag:s22] =	ssyncadd.s32 s4;
	_ =	sdelay $0x1  }
0xa7: {  	s23 =	simm.s32 $0x1B8B  }
0xa8: {  	_ =	swait.ge [sflag:s23], $0x1  }
0xa9: {  	[sflag:s23] =	ssyncset.done $0x0  }
0xaa: {  	s25 =	simm.s32 $0x1B8E;
	s24 =	sld [smem:$0x3FFE];
	[sflag:s23] =	ssyncadd.s32 $0xFFFFFFFF  }
0xab: {  	s26 =	simm.s32 $execute0_lowered;
	[smem:$0x3FD2] =	sst s25  }
0xac: {  	s5 =	sshll.u32 s26, $0x1;
	_ =	strace $0x80000049;
	[dreg:$0x1] =	wrdreg $0xFFFFFFFF  }
0xad: {  	s28 =	simm.s32 $_size_execute0_lowered;
	s3 =	sadd.s32 s3, s5;
	[dreg:$0x0] =	wrdreg $0x0  }
0xae: {  	s5 =	sshll.u32 s28, $0x1;
	[dreg:$0x2] =	wrdreg s3  }
0xaf: {  	[dreg:$0x3] =	wrdreg s5  }
0xb0: {  	[dreg:$0x4] =	wrdreg $0xC0  }
0xb1: {  	_ =	task [dreg:s7], $0x5FFFF  }
0xb2: {  	[dreg:$0x1] =	wrdreg $0xFFFFFFFF  }
0xb3: {  	[dreg:$0x0] =	wrdreg $0x60  }
0xb4: {  	[dreg:$0x2] =	wrdreg s24  }
0xb5: {  	[dreg:$0x3] =	wrdreg s16  }
0xb6: {  	[dreg:$0x4] =	wrdreg $0x9  }
0xb7: {  	_ =	task.clear_ibuf [dreg:s7], $0x5FFFF;
	_ =	strace $0x90000049  }
0xb8: {  	s29 =	simm.s32 $0x9;
	_ =	strace $0x8000004B  }
0xb9: {  	_ =	swait.ge [sflag:s29], $0x1  }
0xba: {  	[sflag:s29] =	ssyncadd.s32 $0xFFFFFFFF  }
0xbb: {  	_ =	strace $0x9000004B  }
0xbc: {  	_ =	sfence  }
0xbd: {  	s30 =	sld [smem:$0x0];
	_ =	sdelay $0x2  }
0xbe: {  	s31 =	sshll.u32 s1, $0xD;
	s1 =	sshrl.u32 s1, $0x2  }
0xbf: {  	s3 =	sand.u32 $0x4000, s31;
	s1 =	sadd.s32 s1, s30  }
0xc0: {  	s0 =	sor.u32 s3, s0;
	s1 =	sshll.u32 s1, $0x11  }
0xc1: {  	s0 =	sor.u32 s1, s0  }
0xc2: {  	s0 =	sadd.s32 $0x8F2B, s0  }
0xc3: {  	[sflag:s0] =	ssyncadd.remote.s32 $0x1  }
0xc4: {  	_ =	sfence.sel $0xFFFF  }
0xc5: {  	[dreg:$0x0] =	wrdreg $0xFFFFFFFF;
	(pc) =	sbr.abs _section_cstart, $3  }
0xc6: {  	[dreg:$0x1] =	wrdreg $0xFFFFFFFF  }
0xc7: {  	_ =	task.clear_ibuf [dreg:s7], $0x2FFFF;
	_ =	strace $0x9FFFFFFF  }
0xc8: {  	(tm) =	ssettm $0x7FFFFFFF  }
0xc9: {  	_ =	shalt  }
tec
execute0_lowered:
.L_overlay_start_1:
0x0: {  	(tag) =	ssettag $0x1  }
0x1: {  	s0 =	rddreg [dreg:$0x0]  }
0x2: {  	s1 =	rddreg [dreg:$0x1];
	s3 =	srdreg.scid  }
0x3: {  	s2 =	simm.s32 $0x0;
	s5 =	stileid.u32;
	s13 =	simm.s32 $0x1  }
0x4: {  	s14 =	simm.s32 $0x4100;
	s12 =	simm.s32 $0x17100;
	s15 =	simm.s32 $0x17900  }
0x5: {  	s16 =	simm.s32 $0x18100;
	s17 =	simm.s32 $0x18900;
	s18 =	simm.s32 $0x19100  }
0x6: {  	s19 =	simm.s32 $0x19900;
	s20 =	simm.s32 $0x1A100;
	s21 =	simm.s32 $0x1A900  }
0x7: {  	s22 =	simm.s32 $0x1B100;
	s23 =	simm.s32 $0x1B900;
	s24 =	simm.s32 $0x2  }
0x8: {  	s25 =	simm.s32 $0x0;
	s4 =	sand.u32 $0x1, s3;
	[smem:$0x7FF] =	sst s2  }
0x9: {  	s30 =	sshll.u32 s5, $0x7;
	s3 =	sadd.s32 $0xD3000, s0;
	s31 =	sshll.u32 s4, $0x6  }
0xa: {  	_ =	strace $0x8000004A;
	s4 =	ssub.s32 $0x2, s4;
	s5 =	sor.u32 s31, s30  }
0xb: {  	s8 =	sshrl.u32 s4, $0x1;
	s7 =	sshrl.u32 s5, $0x3;
	s5 =	sshll.u32 s5, $0x4  }
0xc: {  	s11 =	ssub.s32 s4, s8;
	s8 =	sadd.s32 $0xD3100, s0;
	s6 =	sadd.s32 s7, s0  }
0xd: {  	v2 =	vlaneseq.u32;
	s9 =	sadd.s32 s5, s0;
	s10 =	smul.u32 $0x300, s7;
	s11 =	smax.u32 s11, $0x1  }
0xe: {  	vm0 =	vmmov $0xffff;
	v1 =	vshrl.u32 v2, $0x3;
	s4 =	sadd.s32 $0x2C00, s6;
	s5 =	sadd.s32 $0x2E00, s6;
	s6 =	sadd.s32 $0x3000, s9  }
0xf: {  	v0 =	vand.u32 $0x7, v2;
	v2 =	vor.u32 $0x8, v2;
	v1 =	vmul.u32 $0x8, v1;
	s7 =	sadd.s32 $0xB000, s9;
	s9 =	sadd.s32 $0xD3200, s0;
	s10 =	sadd.s32 s1, s10  }
.LBB2_1:
0x10: {  	[tilespmem:s2], [sflag:$0x1] =	stream.linear.gather [hbm4b:s4+s2], $0x40, $0x38;
	[tilespmem:$0x1C100] =	vst v63  }
0x11: {  	s0 =	simm.s32 $0x80  }
0x12: {  	[tilespmem:s0], [sflag:$0x1] =	stream.linear.gather [hbm4b:s5+s2], $0x40, $0x38;
	[tilespmem:$0x1C100] =	vst v63  }
0x13: {  	s26 =	simm.s32 $0x100  }
0x14: {  	[tilespmem:s26], [sflag:$0x1] =	stream.linear.gather [hbm4b:s6+s2], $0x2000, $0x38;
	[tilespmem:$0x1C100] =	vst v63  }
0x15: {  	s28 =	simm.s32 $0x2100  }
0x16: {  	[tilespmem:s28], [sflag:$0x1] =	stream.linear.gather [hbm4b:s7+s2], $0x2000, $0x38;
	[tilespmem:$0x1C100] =	vst v63  }
0x17: {  	_ =	swait.ge [sflag:s13], $0x40  }
0x18: {  	[sflag:s13] =	ssyncset.done $0x0  }
0x19: {  	[sflag:s13] =	ssyncadd.s32 $0xFFFFFFC0  }
0x1a: {  	_ =	swait.ge [sflag:s13], $0x40  }
0x1b: {  	[sflag:s13] =	ssyncset.done $0x0  }
0x1c: {  	[sflag:s13] =	ssyncadd.s32 $0xFFFFFFC0  }
0x1d: {  	_ =	swait.ge [sflag:s13], $0x2000  }
0x1e: {  	[sflag:s13] =	ssyncset.done $0x0  }
0x1f: {  	[sflag:s13] =	ssyncadd.s32 $0xFFFFE000  }
0x20: {  	_ =	swait.ge [sflag:s13], $0x2000  }
0x21: {  	[sflag:s13] =	ssyncset.done $0x0  }
0x22: {  	[sflag:s13] =	ssyncadd.s32 $0xFFFFE000  }
0x23: {  	v3 =	vld [tilespmem:$0x0];
	_ =	sdelay $0x4  }
0x24: {  	v4 =	vshrl.u32 v3, $0x3  }
0x25: {  	v4 =	vmul.u32 $0x30, v4  }
0x26: {  	v3 =	vand.u32 $0x7, v3  }
0x27: {  	v3 =	vor.u32 v3, v4  }
0x28: {  	v4 =	vperm.xlane v3, v0;
	_ =	sdelay $0x1  }
0x29: {  	v4 =	vadd.s32 v1, v4;
	_ =	sdelay $0x3  }
0x2a: {  	v3 =	vperm.xlane v3, v2  }
0x2b: {  	[tilespmem:s14], [sflag:$0x1] =	stream.indirect_vreg.gather [hbm4b:s3+s2], $0x80, v4, vm0, $0xb8;
	[tilespmem:$0x1C100] =	vst v63  }
0x2c: {  	s1 =	simm.s32 $0x4900;
	v3 =	vadd.s32 v1, v3  }
0x2d: {  	[tilespmem:s1], [sflag:$0x1] =	stream.indirect_vreg.gather [hbm4b:s8+s2], $0x80, v4, vm0, $0xb8;
	[tilespmem:$0x1C100] =	vst v63  }
0x2e: {  	s1 =	simm.s32 $0x5100  }
0x2f: {  	[tilespmem:s1], [sflag:$0x1] =	stream.indirect_vreg.gather [hbm4b:s9+s2], $0x80, v4, vm0, $0xb8;
	[tilespmem:$0x1C100] =	vst v63  }
0x30: {  	s1 =	simm.s32 $0x5900  }
0x31: {  	[tilespmem:s1], [sflag:$0x1] =	stream.indirect_vreg.gather [hbm4b:s3+s2], $0x80, v3, vm0, $0xb8;
	[tilespmem:$0x1C100] =	vst v63  }
0x32: {  	s1 =	simm.s32 $0x6100  }
0x33: {  	[tilespmem:s1], [sflag:$0x1] =	stream.indirect_vreg.gather [hbm4b:s8+s2], $0x80, v3, vm0, $0xb8;
	[tilespmem:$0x1C100] =	vst v63  }
0x34: {  	s1 =	simm.s32 $0x6900  }
0x35: {  	[tilespmem:s1], [sflag:$0x1] =	stream.indirect_vreg.gather [hbm4b:s9+s2], $0x80, v3, vm0, $0xb8;
	[tilespmem:$0x1C100] =	vst v63  }
0x36: {  	v3 =	vld [tilespmem:$0x10];
	_ =	sdelay $0x4  }
0x37: {  	v4 =	vshrl.u32 v3, $0x3  }
0x38: {  	v4 =	vmul.u32 $0x30, v4  }
0x39: {  	v3 =	vand.u32 $0x7, v3  }
0x3a: {  	v3 =	vor.u32 v3, v4  }
0x3b: {  	v4 =	vperm.xlane v3, v0;
	_ =	sdelay $0x1  }
0x3c: {  	v4 =	vadd.s32 v1, v4;
	_ =	sdelay $0x3  }
0x3d: {  	s1 =	simm.s32 $0x7100;
	v3 =	vperm.xlane v3, v2  }
0x3e: {  	[tilespmem:s1], [sflag:$0x1] =	stream.indirect_vreg.gather [hbm4b:s3+s2], $0x80, v4, vm0, $0xb8;
	[tilespmem:$0x1C100] =	vst v63  }
0x3f: {  	v3 =	vadd.s32 v1, v3;
	s1 =	simm.s32 $0x7900  }
0x40: {  	[tilespmem:s1], [sflag:$0x1] =	stream.indirect_vreg.gather [hbm4b:s8+s2], $0x80, v4, vm0, $0xb8;
	[tilespmem:$0x1C100] =	vst v63  }
0x41: {  	s1 =	simm.s32 $0x8100  }
0x42: {  	[tilespmem:s1], [sflag:$0x1] =	stream.indirect_vreg.gather [hbm4b:s9+s2], $0x80, v4, vm0, $0xb8;
	[tilespmem:$0x1C100] =	vst v63  }
0x43: {  	s1 =	simm.s32 $0x8900  }
0x44: {  	[tilespmem:s1], [sflag:$0x1] =	stream.indirect_vreg.gather [hbm4b:s3+s2], $0x80, v3, vm0, $0xb8;
	[tilespmem:$0x1C100] =	vst v63  }
0x45: {  	s1 =	simm.s32 $0x9100  }
0x46: {  	[tilespmem:s1], [sflag:$0x1] =	stream.indirect_vreg.gather [hbm4b:s8+s2], $0x80, v3, vm0, $0xb8;
	[tilespmem:$0x1C100] =	vst v63  }
0x47: {  	s1 =	simm.s32 $0x9900  }
0x48: {  	[tilespmem:s1], [sflag:$0x1] =	stream.indirect_vreg.gather [hbm4b:s9+s2], $0x80, v3, vm0, $0xb8;
	[tilespmem:$0x1C100] =	vst v63  }
0x49: {  	v3 =	vld [tilespmem:$0x20];
	_ =	sdelay $0x4  }
0x4a: {  	v4 =	vshrl.u32 v3, $0x3  }
0x4b: {  	v4 =	vmul.u32 $0x30, v4  }
0x4c: {  	v3 =	vand.u32 $0x7, v3  }
0x4d: {  	v3 =	vor.u32 v3, v4  }
0x4e: {  	v4 =	vperm.xlane v3, v0;
	_ =	sdelay $0x1  }
0x4f: {  	v4 =	vadd.s32 v1, v4;
	_ =	sdelay $0x3  }
0x50: {  	s1 =	simm.s32 $0xA100;
	v3 =	vperm.xlane v3, v2  }
0x51: {  	[tilespmem:s1], [sflag:$0x1] =	stream.indirect_vreg.gather [hbm4b:s3+s2], $0x80, v4, vm0, $0xb8;
	[tilespmem:$0x1C100] =	vst v63  }
0x52: {  	v3 =	vadd.s32 v1, v3;
	s1 =	simm.s32 $0xA900  }
0x53: {  	[tilespmem:s1], [sflag:$0x1] =	stream.indirect_vreg.gather [hbm4b:s8+s2], $0x80, v4, vm0, $0xb8;
	[tilespmem:$0x1C100] =	vst v63  }
0x54: {  	s1 =	simm.s32 $0xB100  }
0x55: {  	[tilespmem:s1], [sflag:$0x1] =	stream.indirect_vreg.gather [hbm4b:s9+s2], $0x80, v4, vm0, $0xb8;
	[tilespmem:$0x1C100] =	vst v63  }
0x56: {  	s1 =	simm.s32 $0xB900  }
0x57: {  	[tilespmem:s1], [sflag:$0x1] =	stream.indirect_vreg.gather [hbm4b:s3+s2], $0x80, v3, vm0, $0xb8;
	[tilespmem:$0x1C100] =	vst v63  }
0x58: {  	s1 =	simm.s32 $0xC100  }
0x59: {  	[tilespmem:s1], [sflag:$0x1] =	stream.indirect_vreg.gather [hbm4b:s8+s2], $0x80, v3, vm0, $0xb8;
	[tilespmem:$0x1C100] =	vst v63  }
0x5a: {  	s1 =	simm.s32 $0xC900  }
0x5b: {  	[tilespmem:s1], [sflag:$0x1] =	stream.indirect_vreg.gather [hbm4b:s9+s2], $0x80, v3, vm0, $0xb8;
	[tilespmem:$0x1C100] =	vst v63  }
0x5c: {  	v3 =	vld [tilespmem:$0x30];
	_ =	sdelay $0x4  }
0x5d: {  	v4 =	vshrl.u32 v3, $0x3  }
0x5e: {  	v4 =	vmul.u32 $0x30, v4  }
0x5f: {  	v3 =	vand.u32 $0x7, v3  }
0x60: {  	v3 =	vor.u32 v3, v4  }
0x61: {  	v4 =	vperm.xlane v3, v0;
	_ =	sdelay $0x1  }
0x62: {  	v4 =	vadd.s32 v1, v4;
	_ =	sdelay $0x3  }
0x63: {  	s1 =	simm.s32 $0xD100;
	v3 =	vperm.xlane v3, v2  }
0x64: {  	[tilespmem:s1], [sflag:$0x1] =	stream.indirect_vreg.gather [hbm4b:s3+s2], $0x80, v4, vm0, $0xb8;
	[tilespmem:$0x1C100] =	vst v63  }
0x65: {  	v3 =	vadd.s32 v1, v3;
	s1 =	simm.s32 $0xD900  }
0x66: {  	[tilespmem:s1], [sflag:$0x1] =	stream.indirect_vreg.gather [hbm4b:s8+s2], $0x80, v4, vm0, $0xb8;
	[tilespmem:$0x1C100] =	vst v63  }
0x67: {  	s1 =	simm.s32 $0xE100  }
0x68: {  	[tilespmem:s1], [sflag:$0x1] =	stream.indirect_vreg.gather [hbm4b:s9+s2], $0x80, v4, vm0, $0xb8;
	[tilespmem:$0x1C100] =	vst v63  }
0x69: {  	s1 =	simm.s32 $0xE900  }
0x6a: {  	[tilespmem:s1], [sflag:$0x1] =	stream.indirect_vreg.gather [hbm4b:s3+s2], $0x80, v3, vm0, $0xb8;
	[tilespmem:$0x1C100] =	vst v63  }
0x6b: {  	s1 =	simm.s32 $0xF100  }
0x6c: {  	[tilespmem:s1], [sflag:$0x1] =	stream.indirect_vreg.gather [hbm4b:s8+s2], $0x80, v3, vm0, $0xb8;
	[tilespmem:$0x1C100] =	vst v63  }
0x6d: {  	s1 =	simm.s32 $0xF900  }
0x6e: {  	[tilespmem:s1], [sflag:$0x1] =	stream.indirect_vreg.gather [hbm4b:s9+s2], $0x80, v3, vm0, $0xb8;
	[tilespmem:$0x1C100] =	vst v63  }
0x6f: {  	v3 =	vld [tilespmem:$0x80];
	_ =	sdelay $0x4  }
0x70: {  	v4 =	vshrl.u32 v3, $0x3  }
0x71: {  	v4 =	vmul.u32 $0x30, v4  }
0x72: {  	v3 =	vand.u32 $0x7, v3  }
0x73: {  	v3 =	vor.u32 v3, v4  }
0x74: {  	v4 =	vperm.xlane v3, v0;
	_ =	sdelay $0x1  }
0x75: {  	v4 =	vadd.s32 v1, v4;
	_ =	sdelay $0x3  }
0x76: {  	s1 =	simm.s32 $0x10100;
	v3 =	vperm.xlane v3, v2  }
0x77: {  	[tilespmem:s1], [sflag:$0x1] =	stream.indirect_vreg.gather [hbm4b:s3+s2], $0x80, v4, vm0, $0xb8;
	[tilespmem:$0x1C100] =	vst v63  }
0x78: {  	v3 =	vadd.s32 v1, v3;
	s1 =	simm.s32 $0x10900  }
0x79: {  	[tilespmem:s1], [sflag:$0x1] =	stream.indirect_vreg.gather [hbm4b:s8+s2], $0x80, v4, vm0, $0xb8;
	[tilespmem:$0x1C100] =	vst v63  }
0x7a: {  	s1 =	simm.s32 $0x11100  }
0x7b: {  	[tilespmem:s1], [sflag:$0x1] =	stream.indirect_vreg.gather [hbm4b:s9+s2], $0x80, v4, vm0, $0xb8;
	[tilespmem:$0x1C100] =	vst v63  }
0x7c: {  	s1 =	simm.s32 $0x11900  }
0x7d: {  	[tilespmem:s1], [sflag:$0x1] =	stream.indirect_vreg.gather [hbm4b:s3+s2], $0x80, v3, vm0, $0xb8;
	[tilespmem:$0x1C100] =	vst v63  }
0x7e: {  	s1 =	simm.s32 $0x12100  }
0x7f: {  	[tilespmem:s1], [sflag:$0x1] =	stream.indirect_vreg.gather [hbm4b:s8+s2], $0x80, v3, vm0, $0xb8;
	[tilespmem:$0x1C100] =	vst v63  }
0x80: {  	s1 =	simm.s32 $0x12900  }
0x81: {  	[tilespmem:s1], [sflag:$0x1] =	stream.indirect_vreg.gather [hbm4b:s9+s2], $0x80, v3, vm0, $0xb8;
	[tilespmem:$0x1C100] =	vst v63  }
0x82: {  	v3 =	vld [tilespmem:$0x90];
	_ =	sdelay $0x4  }
0x83: {  	v4 =	vshrl.u32 v3, $0x3  }
0x84: {  	v4 =	vmul.u32 $0x30, v4  }
0x85: {  	v3 =	vand.u32 $0x7, v3  }
0x86: {  	v3 =	vor.u32 v3, v4  }
0x87: {  	v4 =	vperm.xlane v3, v0;
	_ =	sdelay $0x1  }
0x88: {  	v4 =	vadd.s32 v1, v4;
	_ =	sdelay $0x3  }
0x89: {  	s1 =	simm.s32 $0x13100;
	v3 =	vperm.xlane v3, v2  }
0x8a: {  	[tilespmem:s1], [sflag:$0x1] =	stream.indirect_vreg.gather [hbm4b:s3+s2], $0x80, v4, vm0, $0xb8;
	[tilespmem:$0x1C100] =	vst v63  }
0x8b: {  	v3 =	vadd.s32 v1, v3;
	s1 =	simm.s32 $0x13900  }
0x8c: {  	[tilespmem:s1], [sflag:$0x1] =	stream.indirect_vreg.gather [hbm4b:s8+s2], $0x80, v4, vm0, $0xb8;
	[tilespmem:$0x1C100] =	vst v63  }
0x8d: {  	s1 =	simm.s32 $0x14100  }
0x8e: {  	[tilespmem:s1], [sflag:$0x1] =	stream.indirect_vreg.gather [hbm4b:s9+s2], $0x80, v4, vm0, $0xb8;
	[tilespmem:$0x1C100] =	vst v63  }
0x8f: {  	s1 =	simm.s32 $0x14900  }
0x90: {  	[tilespmem:s1], [sflag:$0x1] =	stream.indirect_vreg.gather [hbm4b:s3+s2], $0x80, v3, vm0, $0xb8;
	[tilespmem:$0x1C100] =	vst v63  }
0x91: {  	s1 =	simm.s32 $0x15100  }
0x92: {  	[tilespmem:s1], [sflag:$0x1] =	stream.indirect_vreg.gather [hbm4b:s8+s2], $0x80, v3, vm0, $0xb8;
	[tilespmem:$0x1C100] =	vst v63  }
0x93: {  	s1 =	simm.s32 $0x15900  }
0x94: {  	[tilespmem:s1], [sflag:$0x1] =	stream.indirect_vreg.gather [hbm4b:s9+s2], $0x80, v3, vm0, $0xb8;
	[tilespmem:$0x1C100] =	vst v63  }
0x95: {  	v3 =	vld [tilespmem:$0xA0];
	_ =	sdelay $0x4  }
0x96: {  	v4 =	vshrl.u32 v3, $0x3  }
0x97: {  	v4 =	vmul.u32 $0x30, v4  }
0x98: {  	v3 =	vand.u32 $0x7, v3  }
0x99: {  	v3 =	vor.u32 v3, v4  }
0x9a: {  	v4 =	vperm.xlane v3, v0;
	_ =	sdelay $0x1  }
0x9b: {  	v4 =	vadd.s32 v1, v4;
	_ =	sdelay $0x3  }
0x9c: {  	s1 =	simm.s32 $0x16100;
	v3 =	vperm.xlane v3, v2  }
0x9d: {  	[tilespmem:s1], [sflag:$0x1] =	stream.indirect_vreg.gather [hbm4b:s3+s2], $0x80, v4, vm0, $0xb8;
	[tilespmem:$0x1C100] =	vst v63  }
0x9e: {  	v3 =	vadd.s32 v1, v3;
	s1 =	simm.s32 $0x16900  }
0x9f: {  	[tilespmem:s1], [sflag:$0x1] =	stream.indirect_vreg.gather [hbm4b:s8+s2], $0x80, v4, vm0, $0xb8;
	[tilespmem:$0x1C100] =	vst v63  }
0xa0: {  	_ = 	snop  }
0xa1: {  	[tilespmem:s12], [sflag:$0x1] =	stream.indirect_vreg.gather [hbm4b:s9+s2], $0x80, v4, vm0, $0xb8;
	[tilespmem:$0x1C100] =	vst v63  }
0xa2: {  	_ = 	snop  }
0xa3: {  	[tilespmem:s15], [sflag:$0x1] =	stream.indirect_vreg.gather [hbm4b:s3+s2], $0x80, v3, vm0, $0xb8;
	[tilespmem:$0x1C100] =	vst v63  }
0xa4: {  	_ = 	snop  }
0xa5: {  	[tilespmem:s16], [sflag:$0x1] =	stream.indirect_vreg.gather [hbm4b:s8+s2], $0x80, v3, vm0, $0xb8;
	[tilespmem:$0x1C100] =	vst v63  }
0xa6: {  	_ = 	snop  }
0xa7: {  	[tilespmem:s17], [sflag:$0x1] =	stream.indirect_vreg.gather [hbm4b:s9+s2], $0x80, v3, vm0, $0xb8;
	[tilespmem:$0x1C100] =	vst v63  }
0xa8: {  	v3 =	vld [tilespmem:$0xB0];
	_ =	sdelay $0x4  }
0xa9: {  	v4 =	vshrl.u32 v3, $0x3  }
0xaa: {  	v4 =	vmul.u32 $0x30, v4  }
0xab: {  	v3 =	vand.u32 $0x7, v3  }
0xac: {  	v3 =	vor.u32 v3, v4  }
0xad: {  	v4 =	vperm.xlane v3, v0;
	_ =	sdelay $0x1  }
0xae: {  	v4 =	vadd.s32 v1, v4;
	_ =	sdelay $0x3  }
0xaf: {  	v3 =	vperm.xlane v3, v2  }
0xb0: {  	[tilespmem:s18], [sflag:$0x1] =	stream.indirect_vreg.gather [hbm4b:s3+s2], $0x80, v4, vm0, $0xb8;
	[tilespmem:$0x1C100] =	vst v63  }
0xb1: {  	v3 =	vadd.s32 v1, v3  }
0xb2: {  	[tilespmem:s19], [sflag:$0x1] =	stream.indirect_vreg.gather [hbm4b:s8+s2], $0x80, v4, vm0, $0xb8;
	[tilespmem:$0x1C100] =	vst v63  }
0xb3: {  	_ = 	snop  }
0xb4: {  	[tilespmem:s20], [sflag:$0x1] =	stream.indirect_vreg.gather [hbm4b:s9+s2], $0x80, v4, vm0, $0xb8;
	[tilespmem:$0x1C100] =	vst v63  }
0xb5: {  	_ = 	snop  }
0xb6: {  	[tilespmem:s21], [sflag:$0x1] =	stream.indirect_vreg.gather [hbm4b:s3+s2], $0x80, v3, vm0, $0xb8;
	[tilespmem:$0x1C100] =	vst v63  }
0xb7: {  	_ = 	snop  }
0xb8: {  	[tilespmem:s22], [sflag:$0x1] =	stream.indirect_vreg.gather [hbm4b:s8+s2], $0x80, v3, vm0, $0xb8;
	[tilespmem:$0x1C100] =	vst v63  }
0xb9: {  	_ = 	snop  }
0xba: {  	[tilespmem:s23], [sflag:$0x1] =	stream.indirect_vreg.gather [hbm4b:s9+s2], $0x80, v3, vm0, $0xb8;
	[tilespmem:$0x1C100] =	vst v63  }
0xbb: {  	_ =	swait.ge [sflag:s13], $0xC000  }
0xbc: {  	[sflag:s13] =	ssyncset.done $0x0  }
0xbd: {  	s29 =	simm.s32 $0x0;
	[sflag:s13] =	ssyncadd.s32 $0xFFFF4000  }
0xbe: {  	s29 =	smul.u32 $0x1800, s29;
	_ =	swait.ge [sflag:s13], $0xC000  }
0xbf: {  	s30 =	sand.u32 $0x380, s2;
	[sflag:s13] =	ssyncset.done $0x0  }
0xc0: {  	s31 =	sor.u32 s30, s29;
	[sflag:s13] =	ssyncadd.s32 $0xFFFF4000  }
0xc1: {  	v4 =	vld [tilespmem:s31+$0x4110]  }
0xc2: {  	v3 =	vld [tilespmem:s31+$0x10110]  }
0xc3: {  	v6 =	vld [tilespmem:s31+$0x4120]  }
0xc4: {  	v5 =	vld [tilespmem:s31+$0x10120]  }
0xc5: {  	v10 =	vld [tilespmem:s31+$0x4130]  }
0xc6: {  	v9 =	vld [tilespmem:s31+$0x10130]  }
0xc7: {  	v12 =	vld [tilespmem:s31+$0x4140]  }
0xc8: {  	v11 =	vld [tilespmem:s31+$0x10140]  }
0xc9: {  	v13 =	vld [tilespmem:s31+$0x4160]  }
0xca: {  	v14 =	vld [tilespmem:s31+$0x4170]  }
0xcb: {  	v15 =	vld [tilespmem:s31+$0x4500]  }
0xcc: {  	v16 =	vld [tilespmem:s31+$0x4510]  }
0xcd: {  	v17 =	vld [tilespmem:s31+$0x4520]  }
0xce: {  	v18 =	vld [tilespmem:s31+$0x4530]  }
0xcf: {  	v19 =	vld [tilespmem:s31+$0x4540]  }
0xd0: {  	v20 =	vld [tilespmem:s31+$0x4550]  }
0xd1: {  	v21 =	vld [tilespmem:s31+$0x4560]  }
0xd2: {  	v22 =	vld [tilespmem:s31+$0x4570]  }
0xd3: {  	v23 =	vld [tilespmem:s31+$0x4900]  }
0xd4: {  	v24 =	vld [tilespmem:s31+$0x4910]  }
0xd5: {  	v25 =	vld [tilespmem:s31+$0x4920]  }
0xd6: {  	v26 =	vld [tilespmem:s31+$0x4930]  }
0xd7: {  	v27 =	vld [tilespmem:s31+$0x4940]  }
0xd8: {  	v28 =	vld [tilespmem:s31+$0x4950]  }
0xd9: {  	v29 =	vld [tilespmem:s31+$0x4960]  }
0xda: {  	v30 =	vld [tilespmem:s31+$0x4970]  }
0xdb: {  	v31 =	vld [tilespmem:s31+$0x4D00]  }
0xdc: {  	v32 =	vld [tilespmem:s31+$0x4D10]  }
0xdd: {  	v33 =	vld [tilespmem:s31+$0x4D20]  }
0xde: {  	v34 =	vld [tilespmem:s31+$0x4D30]  }
0xdf: {  	v35 =	vld [tilespmem:s31+$0x4D40]  }
0xe0: {  	v36 =	vld [tilespmem:s31+$0x4D50]  }
0xe1: {  	v37 =	vld [tilespmem:s31+$0x4D60]  }
0xe2: {  	v38 =	vld [tilespmem:s31+$0x4D70]  }
0xe3: {  	v39 =	vld [tilespmem:s31+$0x5100]  }
0xe4: {  	v40 =	vld [tilespmem:s31+$0x5110]  }
0xe5: {  	v41 =	vld [tilespmem:s31+$0x5120]  }
0xe6: {  	v42 =	vld [tilespmem:s31+$0x5130]  }
0xe7: {  	v43 =	vld [tilespmem:s31+$0x5140]  }
0xe8: {  	v44 =	vld [tilespmem:s31+$0x5150]  }
0xe9: {  	v45 =	vld [tilespmem:s31+$0x5160]  }
0xea: {  	v46 =	vld [tilespmem:s31+$0x5500]  }
0xeb: {  	v47 =	vld [tilespmem:s31+$0x5510]  }
0xec: {  	v48 =	vld [tilespmem:s31+$0x11510]  }
0xed: {  	v49 =	vld [tilespmem:s31+$0x11530]  }
0xee: {  	v50 =	vld [tilespmem:s31+$0x5530]  }
0xef: {  	v51 =	vld [tilespmem:s31+$0x5520]  }
0xf0: {  	v7 =	vld [tilespmem:s26+$0x0]  }
0xf1: {  	v8 =	vld [tilespmem:s28+$0x0]  }
0xf2: {  	v52 =	vld [tilespmem:s31+$0x11520]  }
0xf3: {  	v53 =	vld [tilespmem:s31+$0x11500]  }
0xf4: {  	v54 =	vld [tilespmem:s31+$0x5170]  }
0xf5: {  	v55 =	vld [tilespmem:s31+$0x11170];
	v50 =	vmul.f32 v50, v7  }
0xf6: {  	v56 =	vld [tilespmem:s31+$0x11160];
	v49 =	vmul.f32 v49, v8;
	v51 =	vmul.f32 v51, v7  }
0xf7: {  	v57 =	vld [tilespmem:s31+$0x11150];
	v52 =	vmul.f32 v52, v8;
	v47 =	vmul.f32 v47, v7  }
0xf8: {  	v61 =	vld [tilespmem:s31+$0x11100];
	v48 =	vmul.f32 v48, v8;
	v46 =	vmul.f32 v46, v7  }
0xf9: {  	v58 =	vld [tilespmem:s31+$0x11140];
	v62 =	vmul.f32 v53, v8;
	v63 =	vmul.f32 v54, v7;
	v49 =	vadd.f32 v49, v50  }
0xfa: {  	v53 =	vld [tilespmem:s31+$0x11130];
	v59 =	vmul.f32 v55, v8;
	v45 =	vmul.f32 v45, v7;
	v51 =	vadd.f32 v52, v51  }
0xfb: {  	v60 =	vmul.f32 v56, v8;
	v44 =	vmul.f32 v44, v7;
	v56 =	vld [tilespmem:s31+$0x10D60];
	v47 =	vadd.f32 v48, v47;
	[tilespmem:s31+$0x5530] =	vst v49  }
0xfc: {  	v43 =	vmul.f32 v43, v7;
	v39 =	vmul.f32 v39, v7;
	v55 =	vld [tilespmem:s31+$0x10970];
	v46 =	vadd.f32 v62, v46;
	[tilespmem:s31+$0x5520] =	vst v51  }
0xfd: {  	v61 =	vmul.f32 v61, v8;
	v12 =	vmul.f32 v12, v7;
	v48 =	vld [tilespmem:s31+$0x11120];
	v52 =	vadd.f32 v59, v63;
	[tilespmem:s31+$0x5510] =	vst v47  }
0xfe: {  	v11 =	vmul.f32 v11, v8;
	v63 =	vmul.f32 v58, v8;
	v45 =	vadd.f32 v60, v45;
	v58 =	vld [tilespmem:s31+$0x10D50];
	[tilespmem:s31+$0x5500] =	vst v46  }
0xff: {  	v42 =	vmul.f32 v42, v7;
	v62 =	vmul.f32 v57, v8;
	v59 =	vld [tilespmem:s31+$0x10D40];
	v39 =	vadd.f32 v61, v39;
	[tilespmem:s31+$0x5170] =	vst v52  }
0x100: {  	v41 =	vmul.f32 v41, v7;
	v40 =	vmul.f32 v40, v7;
	v60 =	vld [tilespmem:s31+$0x10D30];
	v11 =	vadd.f32 v11, v12;
	[tilespmem:s31+$0x5160] =	vst v45  }
0x101: {  	v38 =	vmul.f32 v38, v7;
	v61 =	vld [tilespmem:s31+$0x10910];
	v44 =	vadd.f32 v62, v44;
	[tilespmem:s31+$0x5100] =	vst v39;
	v57 =	vmul.f32 v53, v8  }
0x102: {  	v37 =	vmul.f32 v37, v7;
	v49 =	vld [tilespmem:s31+$0x11110];
	v43 =	vadd.f32 v63, v43;
	[tilespmem:s31+$0x4140] =	vst v11;
	v46 =	vmul.f32 v56, v8  }
0x103: {  	v36 =	vmul.f32 v36, v7;
	v47 =	vld [tilespmem:s31+$0x10D70];
	[tilespmem:s31+$0x5150] =	vst v44;
	v48 =	vmul.f32 v48, v8;
	v42 =	vadd.f32 v57, v42  }
0x104: {  	v35 =	vmul.f32 v35, v7;
	v62 =	vld [tilespmem:s31+$0x10D20];
	[tilespmem:s31+$0x5140] =	vst v43;
	v54 =	vmul.f32 v58, v8;
	v37 =	vadd.f32 v46, v37  }
0x105: {  	v34 =	vmul.f32 v34, v7;
	v63 =	vld [tilespmem:s31+$0x10D10];
	v45 =	vmul.f32 v59, v8;
	v41 =	vadd.f32 v48, v41;
	[tilespmem:s31+$0x5130] =	vst v42  }
0x106: {  	v33 =	vmul.f32 v33, v7;
	v56 =	vld [tilespmem:s31+$0x10960];
	v44 =	vmul.f32 v60, v8;
	v36 =	vadd.f32 v54, v36;
	[tilespmem:s31+$0x4D60] =	vst v37  }
0x107: {  	v32 =	vmul.f32 v32, v7;
	v53 =	vld [tilespmem:s31+$0x10D00];
	v49 =	vmul.f32 v49, v8;
	v35 =	vadd.f32 v45, v35;
	[tilespmem:s31+$0x5120] =	vst v41  }
0x108: {  	v6 =	vmul.f32 v6, v7;
	v12 =	vld [tilespmem:s31+$0x5560];
	v47 =	vmul.f32 v47, v8;
	v34 =	vadd.f32 v44, v34;
	[tilespmem:s31+$0x4D50] =	vst v36  }
0x109: {  	v5 =	vmul.f32 v5, v8;
	v58 =	vld [tilespmem:s31+$0x10940];
	v43 =	vmul.f32 v62, v8;
	v40 =	vadd.f32 v49, v40;
	[tilespmem:s31+$0x4D40] =	vst v35  }
0x10a: {  	v29 =	vmul.f32 v29, v7;
	v59 =	vld [tilespmem:s31+$0x10930];
	v42 =	vmul.f32 v63, v8;
	v38 =	vadd.f32 v47, v38;
	[tilespmem:s31+$0x4D30] =	vst v34  }
0x10b: {  	v5 =	vadd.f32 v5, v6;
	v6 =	vld [tilespmem:s31+$0x4100];
	v39 =	vmul.f32 v56, v8;
	v33 =	vadd.f32 v43, v33;
	[tilespmem:s31+$0x5110] =	vst v40  }
0x10c: {  	v31 =	vmul.f32 v31, v7;
	v60 =	vld [tilespmem:s31+$0x10920];
	v41 =	vmul.f32 v53, v8;
	v32 =	vadd.f32 v42, v32;
	[tilespmem:s31+$0x4D70] =	vst v38  }
0x10d: {  	v24 =	vmul.f32 v24, v7;
	v57 =	vld [tilespmem:s31+$0x10950];
	v34 =	vmul.f32 v61, v8;
	v29 =	vadd.f32 v39, v29;
	[tilespmem:s31+$0x4D20] =	vst v33  }
0x10e: {  	v27 =	vmul.f32 v27, v7;
	v62 =	vld [tilespmem:s31+$0x10900];
	v37 =	vmul.f32 v58, v8;
	v31 =	vadd.f32 v41, v31;
	[tilespmem:s31+$0x4D10] =	vst v32  }
0x10f: {  	v26 =	vmul.f32 v26, v7;
	v63 =	vld [tilespmem:s31+$0x10570];
	v36 =	vmul.f32 v59, v8;
	v24 =	vadd.f32 v34, v24;
	[tilespmem:s31+$0x4960] =	vst v29  }
0x110: {  	v30 =	vmul.f32 v30, v7;
	v40 =	vmul.f32 v55, v8;
	v27 =	vadd.f32 v37, v27;
	v29 =	vld [tilespmem:s31+$0x10540];
	[tilespmem:s31+$0x4D00] =	vst v31  }
0x111: {  	v25 =	vmul.f32 v25, v7;
	v35 =	vmul.f32 v60, v8;
	v26 =	vadd.f32 v36, v26;
	v31 =	vld [tilespmem:s31+$0x10560];
	[tilespmem:s31+$0x4910] =	vst v24  }
0x112: {  	v28 =	vmul.f32 v28, v7;
	v38 =	vmul.f32 v57, v8;
	v30 =	vadd.f32 v40, v30;
	v24 =	vld [tilespmem:s31+$0x10170];
	[tilespmem:s31+$0x4940] =	vst v27  }
0x113: {  	v23 =	vmul.f32 v23, v7;
	v33 =	vmul.f32 v62, v8;
	v25 =	vadd.f32 v35, v25;
	v27 =	vld [tilespmem:s31+$0x10520];
	[tilespmem:s31+$0x4930] =	vst v26  }
0x114: {  	v22 =	vmul.f32 v22, v7;
	v32 =	vmul.f32 v63, v8;
	v28 =	vadd.f32 v38, v28;
	[tilespmem:s31+$0x4970] =	vst v30;
	v30 =	vld [tilespmem:s31+$0x10550]  }
0x115: {  	v19 =	vmul.f32 v19, v7;
	v23 =	vadd.f32 v33, v23;
	[tilespmem:s31+$0x4920] =	vst v25;
	v25 =	vld [tilespmem:s31+$0x10500];
	v29 =	vmul.f32 v29, v8  }
0x116: {  	v21 =	vmul.f32 v21, v7;
	v22 =	vadd.f32 v32, v22;
	[tilespmem:s31+$0x4950] =	vst v28;
	v28 =	vld [tilespmem:s31+$0x10530];
	v31 =	vmul.f32 v31, v8  }
0x117: {  	v14 =	vmul.f32 v14, v7;
	[tilespmem:s31+$0x4900] =	vst v23;
	v23 =	vld [tilespmem:s31+$0x10160];
	v24 =	vmul.f32 v24, v8;
	v19 =	vadd.f32 v29, v19  }
0x118: {  	v17 =	vmul.f32 v17, v7;
	v26 =	vld [tilespmem:s31+$0x10510];
	[tilespmem:s31+$0x4570] =	vst v22;
	v27 =	vmul.f32 v27, v8;
	v21 =	vadd.f32 v31, v21  }
0x119: {  	v20 =	vmul.f32 v20, v7;
	v22 =	vld [tilespmem:s31+$0x4150];
	v30 =	vmul.f32 v30, v8;
	v14 =	vadd.f32 v24, v14;
	[tilespmem:s31+$0x4540] =	vst v19  }
0x11a: {  	v15 =	vmul.f32 v15, v7;
	v25 =	vmul.f32 v25, v8;
	v17 =	vadd.f32 v27, v17;
	v19 =	vld [tilespmem:s31+$0x11550];
	[tilespmem:s31+$0x4560] =	vst v21  }
0x11b: {  	v18 =	vmul.f32 v18, v7;
	v28 =	vmul.f32 v28, v8;
	v20 =	vadd.f32 v30, v20;
	v21 =	vld [tilespmem:s31+$0x10150];
	[tilespmem:s31+$0x4170] =	vst v14  }
0x11c: {  	v13 =	vmul.f32 v13, v7;
	v23 =	vmul.f32 v23, v8;
	v15 =	vadd.f32 v25, v15;
	[tilespmem:s31+$0x4520] =	vst v17;
	v17 =	vld [tilespmem:s31+$0x5540]  }
0x11d: {  	v16 =	vmul.f32 v16, v7;
	v26 =	vmul.f32 v26, v8;
	v18 =	vadd.f32 v28, v18;
	[tilespmem:s31+$0x4550] =	vst v20;
	v20 =	vld [tilespmem:s31+$0x11540]  }
0x11e: {  	v10 =	vmul.f32 v10, v7;
	v9 =	vmul.f32 v9, v8;
	v13 =	vadd.f32 v23, v13;
	[tilespmem:s31+$0x4500] =	vst v15;
	v15 =	vld [tilespmem:s31+$0x5550]  }
0x11f: {  	v4 =	vmul.f32 v4, v7;
	v3 =	vmul.f32 v3, v8;
	v16 =	vadd.f32 v26, v16;
	[tilespmem:s31+$0x4530] =	vst v18;
	v18 =	vld [tilespmem:s31+$0x11560]  }
0x120: {  	v9 =	vadd.f32 v9, v10;
	v10 =	vmul.f32 v22, v7;
	v14 =	vld [tilespmem:s31+$0x5570];
	[tilespmem:s31+$0x4160] =	vst v13;
	v13 =	vmul.f32 v21, v8  }
0x121: {  	v3 =	vadd.f32 v3, v4;
	[tilespmem:s31+$0x4510] =	vst v16;
	v16 =	vld [tilespmem:s31+$0x11570]  }
0x122: {  	s29 =	simm.s32 $0x0;
	[tilespmem:s31+$0x4130] =	vst v9;
	v9 =	vld [tilespmem:s31+$0x10100];
	v11 =	vmul.f32 v17, v7;
	v17 =	vmul.f32 v20, v8;
	v4 =	vadd.f32 v13, v10  }
0x123: {  	s30 =	simm.s32 $0x80;
	s29 =	smul.u32 $0x1800, s29;
	[tilespmem:s31+$0x4120] =	vst v5;
	v5 =	vmul.f32 v15, v7;
	v10 =	vmul.f32 v19, v8  }
0x124: {  	s1 =	sand.u32 $0x380, s30;
	v11 =	vadd.f32 v17, v11;
	[tilespmem:s31+$0x4150] =	vst v4;
	v4 =	vmul.f32 v12, v7;
	v12 =	vmul.f32 v18, v8  }
0x125: {  	s29 =	sor.u32 s1, s29;
	[tilespmem:s31+$0x4110] =	vst v3;
	v5 =	vadd.f32 v10, v5  }
0x126: {  	v3 =	vld [tilespmem:s29+$0x4110];
	v10 =	vmul.f32 v14, v7;
	[tilespmem:s31+$0x5540] =	vst v11;
	v11 =	vmul.f32 v16, v8;
	v12 =	vadd.f32 v12, v4  }
0x127: {  	v7 =	vmul.f32 v6, v7;
	v8 =	vmul.f32 v9, v8;
	v4 =	vld [tilespmem:s29+$0x10110];
	[tilespmem:s31+$0x5550] =	vst v5  }
0x128: {  	v9 =	vadd.f32 v11, v10;
	v6 =	vld [tilespmem:s29+$0x4120];
	[tilespmem:s31+$0x5560] =	vst v12  }
0x129: {  	v7 =	vadd.f32 v8, v7;
	v5 =	vld [tilespmem:s29+$0x10120]  }
0x12a: {  	v8 =	vld [tilespmem:s29+$0x4130];
	[tilespmem:s31+$0x5570] =	vst v9  }
0x12b: {  	v18 =	vld [tilespmem:s29+$0x4530];
	[tilespmem:s31+$0x4100] =	vst v7  }
0x12c: {  	v7 =	vld [tilespmem:s29+$0x10130]  }
0x12d: {  	v10 =	vld [tilespmem:s29+$0x4140]  }
0x12e: {  	v9 =	vld [tilespmem:s29+$0x10140]  }
0x12f: {  	v12 =	vld [tilespmem:s29+$0x4150]  }
0x130: {  	v11 =	vld [tilespmem:s29+$0x10150]  }
0x131: {  	v13 =	vld [tilespmem:s29+$0x4160]  }
0x132: {  	v14 =	vld [tilespmem:s29+$0x4170]  }
0x133: {  	v15 =	vld [tilespmem:s29+$0x4500]  }
0x134: {  	v16 =	vld [tilespmem:s29+$0x4510]  }
0x135: {  	v17 =	vld [tilespmem:s29+$0x4520]  }
0x136: {  	v19 =	vld [tilespmem:s29+$0x4540]  }
0x137: {  	v20 =	vld [tilespmem:s29+$0x4550]  }
0x138: {  	v21 =	vld [tilespmem:s29+$0x4560]  }
0x139: {  	v22 =	vld [tilespmem:s29+$0x4570]  }
0x13a: {  	v23 =	vld [tilespmem:s29+$0x4900]  }
0x13b: {  	v24 =	vld [tilespmem:s29+$0x4910]  }
0x13c: {  	v25 =	vld [tilespmem:s29+$0x4920]  }
0x13d: {  	v26 =	vld [tilespmem:s29+$0x4930]  }
0x13e: {  	v27 =	vld [tilespmem:s29+$0x4940]  }
0x13f: {  	v28 =	vld [tilespmem:s29+$0x4950]  }
0x140: {  	v29 =	vld [tilespmem:s29+$0x4960]  }
0x141: {  	v30 =	vld [tilespmem:s29+$0x4970]  }
0x142: {  	v31 =	vld [tilespmem:s29+$0x4D00]  }
0x143: {  	v34 =	vld [tilespmem:s29+$0x4D10]  }
0x144: {  	v35 =	vld [tilespmem:s29+$0x4D20]  }
0x145: {  	v36 =	vld [tilespmem:s29+$0x4D30]  }
0x146: {  	v37 =	vld [tilespmem:s29+$0x4D40]  }
0x147: {  	v38 =	vld [tilespmem:s29+$0x4D50]  }
0x148: {  	v39 =	vld [tilespmem:s29+$0x4D60]  }
0x149: {  	v40 =	vld [tilespmem:s29+$0x4D70]  }
0x14a: {  	v41 =	vld [tilespmem:s29+$0x5100]  }
0x14b: {  	v42 =	vld [tilespmem:s29+$0x5110]  }
0x14c: {  	v43 =	vld [tilespmem:s29+$0x5120]  }
0x14d: {  	v44 =	vld [tilespmem:s29+$0x5130]  }
0x14e: {  	v45 =	vld [tilespmem:s29+$0x5140]  }
0x14f: {  	v46 =	vld [tilespmem:s29+$0x5150]  }
0x150: {  	v47 =	vld [tilespmem:s29+$0x5160]  }
0x151: {  	v48 =	vld [tilespmem:s29+$0x5500]  }
0x152: {  	v50 =	vld [tilespmem:s29+$0x5510]  }
0x153: {  	v49 =	vld [tilespmem:s29+$0x11510]  }
0x154: {  	s31 =	simm.s32 $0x2;
	v51 =	vld [tilespmem:s29+$0x11530]  }
.LBB2_2:
0x155: {  	p0 =	sne.s32 s31, $0x3F;
	v52 =	vld [tilespmem:s29+$0x5530]  }
0x156: {  	s26 =	sadd.s32 $0x80, s26;
	v53 =	vld [tilespmem:s29+$0x5520]  }
0x157: {  	s28 =	sadd.s32 $0x80, s28;
	v33 =	vld [tilespmem:s26+$0x0]  }
0x158: {  	v32 =	vld [tilespmem:s28+$0x0]  }
0x159: {  	v54 =	vld [tilespmem:s29+$0x11520]  }
0x15a: {  	v55 =	vld [tilespmem:s29+$0x11500]  }
0x15b: {  	v56 =	vld [tilespmem:s29+$0x5170]  }
0x15c: {  	v57 =	vld [tilespmem:s29+$0x11170];
	v50 =	vmul.f32 v50, v33;
	v53 =	vmul.f32 v53, v33  }
0x15d: {  	v52 =	vmul.f32 v52, v33;
	v58 =	vld [tilespmem:s29+$0x11160];
	v51 =	vmul.f32 v51, v32  }
0x15e: {  	v49 =	vmul.f32 v49, v32;
	v59 =	vld [tilespmem:s29+$0x11150];
	v54 =	vmul.f32 v54, v32  }
0x15f: {  	v48 =	vmul.f32 v48, v33;
	v60 =	vld [tilespmem:s29+$0x11140];
	v55 =	vmul.f32 v55, v32;
	v51 =	vadd.f32 v51, v52  }
0x160: {  	v49 =	vadd.f32 v49, v50;
	v52 =	vld [tilespmem:s29+$0x11130];
	v56 =	vmul.f32 v56, v33;
	v50 =	vadd.f32 v54, v53  }
0x161: {  	v47 =	vmul.f32 v47, v33;
	v53 =	vld [tilespmem:s29+$0x11120];
	v54 =	vmul.f32 v57, v32;
	v48 =	vadd.f32 v55, v48;
	[tilespmem:s29+$0x5530] =	vst v51  }
0x162: {  	v46 =	vmul.f32 v46, v33;
	v51 =	vld [tilespmem:s29+$0x11110];
	v55 =	vmul.f32 v58, v32;
	[tilespmem:s29+$0x5520] =	vst v50  }
0x163: {  	v45 =	vmul.f32 v45, v33;
	v50 =	vld [tilespmem:s29+$0x11100];
	v57 =	vmul.f32 v59, v32;
	v54 =	vadd.f32 v54, v56;
	[tilespmem:s29+$0x5510] =	vst v49  }
0x164: {  	v44 =	vmul.f32 v44, v33;
	v49 =	vld [tilespmem:s29+$0x10D70];
	v56 =	vmul.f32 v60, v32;
	v47 =	vadd.f32 v55, v47;
	[tilespmem:s29+$0x5500] =	vst v48  }
0x165: {  	v43 =	vmul.f32 v43, v33;
	v48 =	vld [tilespmem:s29+$0x10D60];
	v52 =	vmul.f32 v52, v32;
	v46 =	vadd.f32 v57, v46;
	[tilespmem:s29+$0x5170] =	vst v54  }
0x166: {  	v42 =	vmul.f32 v42, v33;
	v54 =	vld [tilespmem:s29+$0x10D50];
	v53 =	vmul.f32 v53, v32;
	v45 =	vadd.f32 v56, v45;
	[tilespmem:s29+$0x5160] =	vst v47  }
0x167: {  	v41 =	vmul.f32 v41, v33;
	v47 =	vld [tilespmem:s29+$0x10D40];
	v51 =	vmul.f32 v51, v32;
	v44 =	vadd.f32 v52, v44;
	[tilespmem:s29+$0x5150] =	vst v46  }
0x168: {  	v40 =	vmul.f32 v40, v33;
	v46 =	vld [tilespmem:s29+$0x10D30];
	v50 =	vmul.f32 v50, v32;
	v43 =	vadd.f32 v53, v43;
	[tilespmem:s29+$0x5140] =	vst v45  }
0x169: {  	v39 =	vmul.f32 v39, v33;
	v45 =	vld [tilespmem:s29+$0x10D20];
	v49 =	vmul.f32 v49, v32;
	v42 =	vadd.f32 v51, v42;
	[tilespmem:s29+$0x5130] =	vst v44  }
0x16a: {  	v38 =	vmul.f32 v38, v33;
	v44 =	vld [tilespmem:s29+$0x10D10];
	v48 =	vmul.f32 v48, v32;
	v41 =	vadd.f32 v50, v41;
	[tilespmem:s29+$0x5120] =	vst v43  }
0x16b: {  	v37 =	vmul.f32 v37, v33;
	v43 =	vld [tilespmem:s29+$0x10D00];
	v50 =	vmul.f32 v54, v32;
	v40 =	vadd.f32 v49, v40;
	[tilespmem:s29+$0x5110] =	vst v42  }
0x16c: {  	v36 =	vmul.f32 v36, v33;
	v42 =	vld [tilespmem:s29+$0x10970];
	v47 =	vmul.f32 v47, v32;
	v39 =	vadd.f32 v48, v39;
	[tilespmem:s29+$0x5100] =	vst v41  }
0x16d: {  	v35 =	vmul.f32 v35, v33;
	v41 =	vld [tilespmem:s29+$0x10960];
	v46 =	vmul.f32 v46, v32;
	v38 =	vadd.f32 v50, v38;
	[tilespmem:s29+$0x4D70] =	vst v40  }
0x16e: {  	v34 =	vmul.f32 v34, v33;
	v40 =	vld [tilespmem:s29+$0x10950];
	v45 =	vmul.f32 v45, v32;
	v37 =	vadd.f32 v47, v37;
	[tilespmem:s29+$0x4D60] =	vst v39  }
0x16f: {  	v31 =	vmul.f32 v31, v33;
	v39 =	vld [tilespmem:s29+$0x10940];
	v44 =	vmul.f32 v44, v32;
	v36 =	vadd.f32 v46, v36;
	[tilespmem:s29+$0x4D50] =	vst v38  }
0x170: {  	v30 =	vmul.f32 v30, v33;
	v38 =	vld [tilespmem:s29+$0x10930];
	v43 =	vmul.f32 v43, v32;
	v35 =	vadd.f32 v45, v35;
	[tilespmem:s29+$0x4D40] =	vst v37  }
0x171: {  	v29 =	vmul.f32 v29, v33;
	v37 =	vld [tilespmem:s29+$0x10920];
	v42 =	vmul.f32 v42, v32;
	v34 =	vadd.f32 v44, v34;
	[tilespmem:s29+$0x4D30] =	vst v36  }
0x172: {  	v28 =	vmul.f32 v28, v33;
	v36 =	vld [tilespmem:s29+$0x10910];
	v41 =	vmul.f32 v41, v32;
	v31 =	vadd.f32 v43, v31;
	[tilespmem:s29+$0x4D20] =	vst v35  }
0x173: {  	v27 =	vmul.f32 v27, v33;
	v35 =	vld [tilespmem:s29+$0x10900];
	v40 =	vmul.f32 v40, v32;
	v30 =	vadd.f32 v42, v30;
	[tilespmem:s29+$0x4D10] =	vst v34  }
0x174: {  	v26 =	vmul.f32 v26, v33;
	v34 =	vld [tilespmem:s29+$0x10570];
	v39 =	vmul.f32 v39, v32;
	v29 =	vadd.f32 v41, v29;
	[tilespmem:s29+$0x4D00] =	vst v31  }
0x175: {  	v25 =	vmul.f32 v25, v33;
	v31 =	vld [tilespmem:s29+$0x10560];
	v38 =	vmul.f32 v38, v32;
	v28 =	vadd.f32 v40, v28;
	[tilespmem:s29+$0x4970] =	vst v30  }
0x176: {  	v24 =	vmul.f32 v24, v33;
	v30 =	vld [tilespmem:s29+$0x10550];
	v37 =	vmul.f32 v37, v32;
	v27 =	vadd.f32 v39, v27;
	[tilespmem:s29+$0x4960] =	vst v29  }
0x177: {  	v23 =	vmul.f32 v23, v33;
	v29 =	vld [tilespmem:s29+$0x10540];
	v36 =	vmul.f32 v36, v32;
	v26 =	vadd.f32 v38, v26;
	[tilespmem:s29+$0x4950] =	vst v28  }
0x178: {  	v22 =	vmul.f32 v22, v33;
	v28 =	vld [tilespmem:s29+$0x10530];
	v35 =	vmul.f32 v35, v32;
	v25 =	vadd.f32 v37, v25;
	[tilespmem:s29+$0x4940] =	vst v27  }
0x179: {  	v21 =	vmul.f32 v21, v33;
	v27 =	vld [tilespmem:s29+$0x10520];
	v34 =	vmul.f32 v34, v32;
	v24 =	vadd.f32 v36, v24;
	[tilespmem:s29+$0x4930] =	vst v26  }
0x17a: {  	v20 =	vmul.f32 v20, v33;
	v26 =	vld [tilespmem:s29+$0x10510];
	v31 =	vmul.f32 v31, v32;
	v23 =	vadd.f32 v35, v23;
	[tilespmem:s29+$0x4920] =	vst v25  }
0x17b: {  	v19 =	vmul.f32 v19, v33;
	v25 =	vld [tilespmem:s29+$0x10500];
	v30 =	vmul.f32 v30, v32;
	v22 =	vadd.f32 v34, v22;
	[tilespmem:s29+$0x4910] =	vst v24  }
0x17c: {  	v18 =	vmul.f32 v18, v33;
	v24 =	vld [tilespmem:s29+$0x10170];
	v29 =	vmul.f32 v29, v32;
	v21 =	vadd.f32 v31, v21;
	[tilespmem:s29+$0x4900] =	vst v23  }
0x17d: {  	v17 =	vmul.f32 v17, v33;
	v23 =	vld [tilespmem:s29+$0x10160];
	v28 =	vmul.f32 v28, v32;
	v20 =	vadd.f32 v30, v20;
	[tilespmem:s29+$0x4570] =	vst v22  }
0x17e: {  	v16 =	vmul.f32 v16, v33;
	v22 =	vmul.f32 v27, v32;
	v19 =	vadd.f32 v29, v19;
	[tilespmem:s29+$0x4560] =	vst v21;
	v21 =	vld [tilespmem:s29+$0x11540]  }
0x17f: {  	v15 =	vmul.f32 v15, v33;
	v26 =	vmul.f32 v26, v32;
	v18 =	vadd.f32 v28, v18;
	[tilespmem:s29+$0x4550] =	vst v20;
	v20 =	vld [tilespmem:s29+$0x11550]  }
0x180: {  	v14 =	vmul.f32 v14, v33;
	v25 =	vmul.f32 v25, v32;
	v17 =	vadd.f32 v22, v17;
	[tilespmem:s29+$0x4540] =	vst v19;
	v19 =	vld [tilespmem:s29+$0x11560]  }
0x181: {  	v13 =	vmul.f32 v13, v33;
	v22 =	vmul.f32 v24, v32;
	v16 =	vadd.f32 v26, v16;
	[tilespmem:s29+$0x4530] =	vst v18;
	v18 =	vld [tilespmem:s29+$0x11570]  }
0x182: {  	v12 =	vmul.f32 v12, v33;
	v23 =	vmul.f32 v23, v32;
	v15 =	vadd.f32 v25, v15;
	[tilespmem:s29+$0x4520] =	vst v17;
	v17 =	vld [tilespmem:s29+$0x5540]  }
0x183: {  	v10 =	vmul.f32 v10, v33;
	v11 =	vmul.f32 v11, v32;
	v14 =	vadd.f32 v22, v14;
	[tilespmem:s29+$0x4510] =	vst v16;
	v16 =	vld [tilespmem:s29+$0x5550]  }
0x184: {  	v8 =	vmul.f32 v8, v33;
	v9 =	vmul.f32 v9, v32;
	v13 =	vadd.f32 v23, v13;
	[tilespmem:s29+$0x4500] =	vst v15;
	v15 =	vld [tilespmem:s29+$0x5560]  }
0x185: {  	v6 =	vmul.f32 v6, v33;
	v7 =	vmul.f32 v7, v32;
	v11 =	vadd.f32 v11, v12;
	[tilespmem:s29+$0x4170] =	vst v14;
	v12 =	vld [tilespmem:s29+$0x5570]  }
0x186: {  	v3 =	vmul.f32 v3, v33;
	v5 =	vmul.f32 v5, v32;
	v9 =	vadd.f32 v9, v10;
	v14 =	vld [tilespmem:s29+$0x4100];
	[tilespmem:s29+$0x4160] =	vst v13  }
0x187: {  	v4 =	vmul.f32 v4, v32;
	v7 =	vadd.f32 v7, v8;
	v10 =	vld [tilespmem:s29+$0x10100];
	[tilespmem:s29+$0x4150] =	vst v11;
	v8 =	vmul.f32 v17, v33  }
0x188: {  	s0 =	sshrl.u32 s31, $0x3;
	v5 =	vadd.f32 v5, v6;
	v6 =	vmul.f32 v21, v32;
	[tilespmem:s29+$0x4140] =	vst v9;
	v9 =	vmul.f32 v16, v33  }
0x189: {  	s30 =	sadd.s32 $0x80, s30;
	s0 =	smul.u32 $0x1800, s0;
	v3 =	vadd.f32 v4, v3;
	v4 =	vmul.f32 v20, v32;
	[tilespmem:s29+$0x4130] =	vst v7;
	v7 =	vmul.f32 v15, v33  }
0x18a: {  	s1 =	sand.u32 $0x380, s30;
	[tilespmem:s29+$0x4120] =	vst v5;
	v5 =	vadd.f32 v6, v8;
	v6 =	vmul.f32 v19, v32;
	v8 =	vmul.f32 v12, v33  }
0x18b: {  	s0 =	sor.u32 s1, s0;
	v9 =	vadd.f32 v4, v9;
	v12 =	vmul.f32 v18, v32;
	v11 =	vmul.f32 v14, v33;
	[tilespmem:s29+$0x4110] =	vst v3  }
0x18c: {  	v3 =	vld [tilespmem:s0+$0x4110];
	v10 =	vmul.f32 v10, v32;
	[tilespmem:s29+$0x5540] =	vst v5;
	v5 =	vadd.f32 v6, v7  }
0x18d: {  	v7 =	vadd.f32 v12, v8;
	v4 =	vld [tilespmem:s0+$0x10110];
	[tilespmem:s29+$0x5550] =	vst v9  }
0x18e: {  	v6 =	vld [tilespmem:s0+$0x4120];
	v9 =	vadd.f32 v10, v11;
	[tilespmem:s29+$0x5560] =	vst v5  }
0x18f: {  	v5 =	vld [tilespmem:s0+$0x10120];
	[tilespmem:s29+$0x5570] =	vst v7  }
0x190: {  	v8 =	vld [tilespmem:s0+$0x4130];
	[tilespmem:s29+$0x4100] =	vst v9;
	s29 =	smov.u32 s0  }
0x191: {  	v7 =	vld [tilespmem:s29+$0x10130]  }
0x192: {  	v10 =	vld [tilespmem:s29+$0x4140]  }
0x193: {  	v9 =	vld [tilespmem:s29+$0x10140]  }
0x194: {  	v12 =	vld [tilespmem:s29+$0x4150]  }
0x195: {  	v11 =	vld [tilespmem:s29+$0x10150]  }
0x196: {  	v13 =	vld [tilespmem:s29+$0x4160]  }
0x197: {  	v14 =	vld [tilespmem:s29+$0x4170]  }
0x198: {  	v15 =	vld [tilespmem:s29+$0x4500]  }
0x199: {  	v16 =	vld [tilespmem:s29+$0x4510]  }
0x19a: {  	v17 =	vld [tilespmem:s29+$0x4520]  }
0x19b: {  	v18 =	vld [tilespmem:s29+$0x4530]  }
0x19c: {  	v19 =	vld [tilespmem:s29+$0x4540]  }
0x19d: {  	v20 =	vld [tilespmem:s29+$0x4550]  }
0x19e: {  	v21 =	vld [tilespmem:s29+$0x4560]  }
0x19f: {  	v22 =	vld [tilespmem:s29+$0x4570]  }
0x1a0: {  	v23 =	vld [tilespmem:s29+$0x4900]  }
0x1a1: {  	v24 =	vld [tilespmem:s29+$0x4910]  }
0x1a2: {  	v25 =	vld [tilespmem:s29+$0x4920]  }
0x1a3: {  	v26 =	vld [tilespmem:s29+$0x4930]  }
0x1a4: {  	v27 =	vld [tilespmem:s29+$0x4940]  }
0x1a5: {  	v28 =	vld [tilespmem:s29+$0x4950]  }
0x1a6: {  	v29 =	vld [tilespmem:s29+$0x4960]  }
0x1a7: {  	v30 =	vld [tilespmem:s29+$0x4970]  }
0x1a8: {  	v31 =	vld [tilespmem:s29+$0x4D00]  }
0x1a9: {  	v34 =	vld [tilespmem:s29+$0x4D10]  }
0x1aa: {  	v35 =	vld [tilespmem:s29+$0x4D20]  }
0x1ab: {  	v36 =	vld [tilespmem:s29+$0x4D30]  }
0x1ac: {  	v37 =	vld [tilespmem:s29+$0x4D40]  }
0x1ad: {  	v38 =	vld [tilespmem:s29+$0x4D50]  }
0x1ae: {  	v39 =	vld [tilespmem:s29+$0x4D60]  }
0x1af: {  	v40 =	vld [tilespmem:s29+$0x4D70]  }
0x1b0: {  	v41 =	vld [tilespmem:s29+$0x5100]  }
0x1b1: {  	v42 =	vld [tilespmem:s29+$0x5110]  }
0x1b2: {  	v43 =	vld [tilespmem:s29+$0x5120]  }
0x1b3: {  	v44 =	vld [tilespmem:s29+$0x5130]  }
0x1b4: {  	v45 =	vld [tilespmem:s29+$0x5140]  }
0x1b5: {  	v46 =	vld [tilespmem:s29+$0x5150]  }
.Ltmp0:
0x1b6: {  	v47 =	vld [tilespmem:s29+$0x5160];
	(pc) =	sbr.rel @p0 .LBB2_2-.Ltmp0, $4  }
0x1b7: {  	v48 =	vld [tilespmem:s29+$0x5500]  }
0x1b8: {  	v50 =	vld [tilespmem:s29+$0x5510]  }
0x1b9: {  	v49 =	vld [tilespmem:s29+$0x11510]  }
0x1ba: {  	s31 =	sadd.s32 $0x1, s31;
	v51 =	vld [tilespmem:s29+$0x11530]  }
0x1bb: {  	v52 =	vld [tilespmem:s29+$0x5530]  }
0x1bc: {  	v53 =	vld [tilespmem:s29+$0x5520];
	s0 =	sadd.s32 $0x80, s26  }
0x1bd: {  	s31 =	sadd.s32 $0x80, s28;
	v32 =	vld [tilespmem:s0+$0x0]  }
0x1be: {  	v33 =	vld [tilespmem:s31+$0x0]  }
0x1bf: {  	v54 =	vld [tilespmem:s29+$0x11520];
	_ =	sdelay $0x1  }
0x1c0: {  	v55 =	vld [tilespmem:s29+$0x11500]  }
0x1c1: {  	v56 =	vld [tilespmem:s29+$0x5170]  }
0x1c2: {  	v58 =	vld [tilespmem:s29+$0x11160];
	v52 =	vmul.f32 v52, v32;
	v51 =	vmul.f32 v51, v33  }
0x1c3: {  	v57 =	vld [tilespmem:s29+$0x11170];
	v53 =	vmul.f32 v53, v32;
	v54 =	vmul.f32 v54, v33  }
0x1c4: {  	v59 =	vld [tilespmem:s29+$0x11150];
	v50 =	vmul.f32 v50, v32;
	v49 =	vmul.f32 v49, v33  }
0x1c5: {  	v60 =	vld [tilespmem:s29+$0x11140];
	v48 =	vmul.f32 v48, v32;
	v62 =	vmul.f32 v55, v33;
	v51 =	vadd.f32 v51, v52  }
0x1c6: {  	v61 =	vld [tilespmem:s29+$0x11120];
	v63 =	vmul.f32 v56, v32;
	v47 =	vmul.f32 v47, v32;
	v53 =	vadd.f32 v54, v53  }
0x1c7: {  	v58 =	vmul.f32 v58, v33;
	v55 =	vld [tilespmem:s29+$0x10560];
	v12 =	vmul.f32 v12, v32;
	v49 =	vadd.f32 v49, v50;
	[tilespmem:s29+$0x5530] =	vst v51  }
0x1c8: {  	v56 =	vld [tilespmem:s29+$0x10550];
	v11 =	vmul.f32 v11, v33;
	v10 =	vmul.f32 v10, v32;
	v48 =	vadd.f32 v62, v48;
	[tilespmem:s29+$0x5520] =	vst v53  }
0x1c9: {  	v9 =	vmul.f32 v9, v33;
	v8 =	vmul.f32 v8, v32;
	v52 =	vld [tilespmem:s29+$0x11130];
	v47 =	vadd.f32 v58, v47;
	[tilespmem:s29+$0x5510] =	vst v49  }
0x1ca: {  	v7 =	vmul.f32 v7, v33;
	v6 =	vmul.f32 v6, v32;
	v50 =	vld [tilespmem:s29+$0x11100];
	v11 =	vadd.f32 v11, v12;
	[tilespmem:s29+$0x5500] =	vst v48  }
0x1cb: {  	v5 =	vmul.f32 v5, v33;
	v3 =	vmul.f32 v3, v32;
	v58 =	vld [tilespmem:s29+$0x10D20];
	v9 =	vadd.f32 v9, v10;
	[tilespmem:s29+$0x5160] =	vst v47  }
0x1cc: {  	v4 =	vmul.f32 v4, v33;
	v62 =	vmul.f32 v59, v33;
	v59 =	vld [tilespmem:s29+$0x10D10];
	v7 =	vadd.f32 v7, v8;
	[tilespmem:s29+$0x4150] =	vst v11  }
0x1cd: {  	v57 =	vmul.f32 v57, v33;
	v54 =	vld [tilespmem:s29+$0x10570];
	v5 =	vadd.f32 v5, v6;
	[tilespmem:s29+$0x4140] =	vst v9  }
0x1ce: {  	v46 =	vmul.f32 v46, v32;
	v3 =	vadd.f32 v4, v3;
	v51 =	vld [tilespmem:s29+$0x11110];
	[tilespmem:s29+$0x4130] =	vst v7  }
0x1cf: {  	v45 =	vmul.f32 v45, v32;
	v49 =	vld [tilespmem:s29+$0x10D70];
	v53 =	vadd.f32 v57, v63;
	v63 =	vmul.f32 v60, v33;
	[tilespmem:s29+$0x4120] =	vst v5  }
0x1d0: {  	v43 =	vmul.f32 v43, v32;
	v48 =	vld [tilespmem:s29+$0x10D60];
	v46 =	vadd.f32 v62, v46;
	v57 =	vmul.f32 v61, v33;
	[tilespmem:s29+$0x4110] =	vst v3  }
0x1d1: {  	v44 =	vmul.f32 v44, v32;
	v47 =	vld [tilespmem:s29+$0x10D40];
	[tilespmem:s29+$0x5170] =	vst v53;
	v45 =	vadd.f32 v63, v45;
	v52 =	vmul.f32 v52, v33  }
0x1d2: {  	v41 =	vmul.f32 v41, v32;
	v60 =	vld [tilespmem:s29+$0x10D00];
	[tilespmem:s29+$0x5150] =	vst v46;
	v43 =	vadd.f32 v57, v43;
	v50 =	vmul.f32 v50, v33  }
0x1d3: {  	v35 =	vmul.f32 v35, v32;
	v61 =	vld [tilespmem:s29+$0x10970];
	[tilespmem:s29+$0x5140] =	vst v45;
	v45 =	vmul.f32 v58, v33;
	v44 =	vadd.f32 v52, v44  }
0x1d4: {  	v42 =	vmul.f32 v42, v32;
	v53 =	vld [tilespmem:s29+$0x10D50];
	[tilespmem:s29+$0x5120] =	vst v43;
	v51 =	vmul.f32 v51, v33;
	v41 =	vadd.f32 v50, v41  }
0x1d5: {  	v40 =	vmul.f32 v40, v32;
	v46 =	vld [tilespmem:s29+$0x10D30];
	v49 =	vmul.f32 v49, v33;
	v35 =	vadd.f32 v45, v35;
	[tilespmem:s29+$0x5130] =	vst v44  }
0x1d6: {  	v39 =	vmul.f32 v39, v32;
	v62 =	vld [tilespmem:s29+$0x10960];
	v48 =	vmul.f32 v48, v33;
	v42 =	vadd.f32 v51, v42;
	[tilespmem:s29+$0x5100] =	vst v41  }
0x1d7: {  	v37 =	vmul.f32 v37, v32;
	v57 =	vld [tilespmem:s29+$0x10540];
	v47 =	vmul.f32 v47, v33;
	v40 =	vadd.f32 v49, v40;
	[tilespmem:s29+$0x4D20] =	vst v35  }
0x1d8: {  	v31 =	vmul.f32 v31, v32;
	v58 =	vld [tilespmem:s29+$0x10530];
	v43 =	vmul.f32 v60, v33;
	v39 =	vadd.f32 v48, v39;
	[tilespmem:s29+$0x5110] =	vst v42  }
0x1d9: {  	v38 =	vmul.f32 v38, v32;
	v50 =	vld [tilespmem:s29+$0x10930];
	v63 =	vmul.f32 v53, v33;
	v37 =	vadd.f32 v47, v37;
	[tilespmem:s29+$0x4D70] =	vst v40  }
0x1da: {  	v36 =	vmul.f32 v36, v32;
	v60 =	vld [tilespmem:s29+$0x10510];
	v46 =	vmul.f32 v46, v33;
	v31 =	vadd.f32 v43, v31;
	[tilespmem:s29+$0x4D60] =	vst v39  }
0x1db: {  	v34 =	vmul.f32 v34, v32;
	v52 =	vld [tilespmem:s29+$0x10910];
	v44 =	vmul.f32 v59, v33;
	v38 =	vadd.f32 v63, v38;
	[tilespmem:s29+$0x4D40] =	vst v37  }
0x1dc: {  	v29 =	vmul.f32 v29, v32;
	v45 =	vld [tilespmem:s29+$0x5540];
	v41 =	vmul.f32 v62, v33;
	v36 =	vadd.f32 v46, v36;
	[tilespmem:s29+$0x4D00] =	vst v31  }
0x1dd: {  	v21 =	vmul.f32 v21, v32;
	v48 =	vld [tilespmem:s29+$0x10950];
	v62 =	vmul.f32 v55, v33;
	v34 =	vadd.f32 v44, v34;
	[tilespmem:s29+$0x4D50] =	vst v38  }
0x1de: {  	v30 =	vmul.f32 v30, v32;
	v49 =	vld [tilespmem:s29+$0x10940];
	v42 =	vmul.f32 v61, v33;
	v29 =	vadd.f32 v41, v29;
	[tilespmem:s29+$0x4D30] =	vst v36  }
0x1df: {  	v16 =	vmul.f32 v16, v32;
	v51 =	vld [tilespmem:s29+$0x10920];
	v21 =	vadd.f32 v62, v21;
	v41 =	vmul.f32 v60, v33;
	[tilespmem:s29+$0x4D10] =	vst v34  }
0x1e0: {  	v26 =	vmul.f32 v26, v32;
	v53 =	vld [tilespmem:s29+$0x10900];
	v30 =	vadd.f32 v42, v30;
	[tilespmem:s29+$0x4960] =	vst v29;
	v38 =	vmul.f32 v50, v33  }
0x1e1: {  	v24 =	vmul.f32 v24, v32;
	v59 =	vld [tilespmem:s29+$0x10520];
	v36 =	vmul.f32 v52, v33;
	[tilespmem:s29+$0x4560] =	vst v21;
	v16 =	vadd.f32 v41, v16  }
0x1e2: {  	v22 =	vmul.f32 v22, v32;
	v43 =	vld [tilespmem:s29+$0x11570];
	v34 =	vmul.f32 v54, v33;
	[tilespmem:s29+$0x4970] =	vst v30;
	v26 =	vadd.f32 v38, v26  }
0x1e3: {  	v28 =	vmul.f32 v28, v32;
	v61 =	vld [tilespmem:s29+$0x10500];
	v40 =	vmul.f32 v48, v33;
	v24 =	vadd.f32 v36, v24;
	[tilespmem:s29+$0x4510] =	vst v16  }
0x1e4: {  	v27 =	vmul.f32 v27, v32;
	v63 =	vld [tilespmem:s29+$0x10170];
	v39 =	vmul.f32 v49, v33;
	v22 =	vadd.f32 v34, v22;
	[tilespmem:s29+$0x4930] =	vst v26  }
0x1e5: {  	v25 =	vmul.f32 v25, v32;
	v46 =	vld [tilespmem:s29+$0x5550];
	v37 =	vmul.f32 v51, v33;
	v28 =	vadd.f32 v40, v28;
	[tilespmem:s29+$0x4910] =	vst v24  }
0x1e6: {  	v23 =	vmul.f32 v23, v32;
	v50 =	vld [tilespmem:s29+$0x10100];
	v35 =	vmul.f32 v53, v33;
	v27 =	vadd.f32 v39, v27;
	[tilespmem:s29+$0x4570] =	vst v22  }
0x1e7: {  	v20 =	vmul.f32 v20, v32;
	v48 =	vld [tilespmem:s29+$0x5560];
	v30 =	vmul.f32 v56, v33;
	v25 =	vadd.f32 v37, v25;
	[tilespmem:s29+$0x4950] =	vst v28  }
0x1e8: {  	v19 =	vmul.f32 v19, v32;
	v51 =	vld [tilespmem:s29+$0x4100];
	v23 =	vadd.f32 v35, v23;
	v35 =	vmul.f32 v57, v33;
	[tilespmem:s29+$0x4940] =	vst v27  }
0x1e9: {  	v18 =	vmul.f32 v18, v32;
	v34 =	vld [tilespmem:s29+$0x10160];
	v37 =	vmul.f32 v58, v33;
	v20 =	vadd.f32 v30, v20;
	[tilespmem:s29+$0x4920] =	vst v25  }
0x1ea: {  	v17 =	vmul.f32 v17, v32;
	v36 =	vld [tilespmem:s29+$0x11540];
	v39 =	vmul.f32 v59, v33;
	[tilespmem:s29+$0x4900] =	vst v23;
	v19 =	vadd.f32 v35, v19  }
0x1eb: {  	v15 =	vmul.f32 v15, v32;
	v38 =	vld [tilespmem:s29+$0x11550];
	v42 =	vmul.f32 v61, v33;
	v18 =	vadd.f32 v37, v18;
	[tilespmem:s29+$0x4550] =	vst v20  }
0x1ec: {  	v14 =	vmul.f32 v14, v32;
	v40 =	vld [tilespmem:s29+$0x11560];
	v44 =	vmul.f32 v63, v33;
	v17 =	vadd.f32 v39, v17;
	[tilespmem:s29+$0x4540] =	vst v19  }
0x1ed: {  	v49 =	vld [tilespmem:s29+$0x5570];
	v15 =	vadd.f32 v42, v15;
	v10 =	vmul.f32 v50, v33;
	v61 =	vmul.f32 v51, v32;
	[tilespmem:s29+$0x4530] =	vst v18  }
0x1ee: {  	v13 =	vmul.f32 v13, v32;
	v14 =	vadd.f32 v44, v14;
	[tilespmem:s29+$0x4520] =	vst v17;
	v47 =	vmul.f32 v34, v33  }
0x1ef: {  	v52 =	vmul.f32 v45, v32;
	[tilespmem:s29+$0x4500] =	vst v15;
	v53 =	vmul.f32 v36, v33;
	v63 =	vadd.f32 v10, v61  }
0x1f0: {  	v54 =	vmul.f32 v46, v32;
	[tilespmem:s29+$0x4170] =	vst v14;
	v55 =	vmul.f32 v38, v33;
	v13 =	vadd.f32 v47, v13  }
0x1f1: {  	v56 =	vmul.f32 v48, v32;
	v58 =	vmul.f32 v40, v33;
	v57 =	vadd.f32 v53, v52;
	[tilespmem:s29+$0x4100] =	vst v63  }
0x1f2: {  	v60 =	vmul.f32 v43, v33;
	v59 =	vmul.f32 v49, v32;
	v3 =	vadd.f32 v55, v54;
	[tilespmem:s29+$0x4160] =	vst v13  }
0x1f3: {  	v62 =	vadd.f32 v58, v56;
	[tilespmem:s29+$0x5540] =	vst v57  }
0x1f4: {  	s25 =	sadd.s32 $0x1, s25;
	[tilespmem:s29+$0x5550] =	vst v3;
	v3 =	vadd.f32 v60, v59  }
0x1f5: {  	p0 =	sne.s32 s25, s11;
	[tilespmem:s29+$0x5560] =	vst v62  }
.Ltmp1:
0x1f6: {  	[tilespmem:s29+$0x5570] =	vst v3;
	(pc) =	sbr.rel @p0 .LBB2_1-.Ltmp1, $4  }
0x1f7: {  	[hbm4b:s10+s2] =	stream.linear.scatter [tilespmem:s14], [sflag:$0x2], $0xC000, $0x38;
	[tilespmem:$0x1C100] =	vst v63  }
0x1f8: {  	_ =	swait.ge [sflag:s24], $0xC000  }
0x1f9: {  	[sflag:s24] =	ssyncset.done $0x0  }
0x1fa: {  	[sflag:s24] =	ssyncadd.s32 $0xFFFF4000  }
0x1fb: {  	_ =	sfence.sel $0x180000  }
0x1fc: {  	[bflag:$0x0] =	sbarrier.arrive $0xFFFF  }
0x1fd: {  	_ =	strace $0x9000004A  }
0x1fe: {  	s0 =	stileid.u32;
	[bflag:$0x2] =	sbarrier.arrive $0xFFFF  }
0x1ff: {  	p0 =	sne.s32 s0, $0x0;
	s0 =	rddreg [dreg:$0x2]  }
0x200: {  	s0 =	sadd.s32 @!p0 $0x100000, s0  }
0x201: {  	[sflag:s0] =	ssyncadd.tile.s32 @!p0 $0x1;
	_ =	shalt  }
.Lfunc_end2:
_tile_overlayer_lowered:
.L_overlay_start_2:
0x202: {  	(tag) =	ssettag $0x2  }
0x203: {  	s0 =	rddreg [dreg:$0x0];
	s2 =	stileid.u32  }
0x204: {  	s1 =	rddreg [dreg:$0x1];
	p0 =	sne.s32 s2, $0x0  }
0x205: {  	s3 =	rddreg [dreg:$0x2];
	[bflag:$0x3] =	sbarrier.arrive $0xFFFF;
	s2 =	simm.s32 @!p0 $0x1C02  }
0x206: {  	[timem:s3], [sflag:s2] =	dma.local @!p0 [hbm:s0], s1  }
0x207: {  	s0 =	simm.s32 @!p0 $0x2  }
0x208: {  	_ =	swait.ge @!p0 [sflag:s0], s1  }
0x209: {  	s1 =	ssub.s32 @!p0 $0x0, s1;
	[sflag:s0] =	ssyncset.done @!p0 $0x0  }
0x20a: {  	[sflag:s0] =	ssyncadd.s32 @!p0 s1  }
0x20b: {  	[bflag:$0x3] =	sbarrier.arrive $0xFFFF  }
0x20c: {  	_ =	shalt  }

</sc_bundles>
